<compile_context>
chip_gen: v7x
topology: tpu7x:2x2x1
jax: 0.10.2.dev20260603
libtpu: 0.0.44.dev20260713+nightly
codegen_flags: <defaults>
</compile_context>

<pallas_src>
import functools

import jax
import jax.numpy as jnp
from jax import lax
from jax.experimental import pallas as pl
from jax.experimental.pallas import tpu as pltpu
from jax.experimental.pallas import tpu_sc as plsc

NUM_EXPERTS = 8
EXPERT_CAPACITY = 640
D_MODEL = 768
NUM_TOKENS = 4096
LANES = 128
CHUNK = 8
N_WORKERS = 32
TOK_PER_WORKER = NUM_TOKENS // N_WORKERS
BLOCK_A = 1024
BLOCK_B = 256


def _routing(x, w, b, carry_ref, block):
    logits = jax.lax.dot_general(
        x, w, (((1,), (0,)), ((), ())),
        preferred_element_type=jnp.float32,
    ) + b

    m = jnp.max(logits, axis=1, keepdims=True)
    s = jnp.sum(jnp.exp(logits - m), axis=1, keepdims=True)
    gate = 1.0 / s

    e_iota = lax.broadcasted_iota(jnp.int32, (block, NUM_EXPERTS), 1)
    is_max = logits == m
    idx = jnp.min(jnp.where(is_max, e_iota, NUM_EXPERTS), axis=1, keepdims=True)
    onehot = (e_iota == idx).astype(jnp.float32)

    r = lax.broadcasted_iota(jnp.int32, (block, block), 0)
    c = lax.broadcasted_iota(jnp.int32, (block, block), 1)
    tri = (r >= c).astype(jnp.float32)
    csum = jax.lax.dot_general(
        tri, onehot, (((1,), (0,)), ((), ())),
        preferred_element_type=jnp.float32,
    )

    carry = carry_ref[...]
    pos = jnp.sum(onehot * (csum + carry), axis=1, keepdims=True)
    carry_ref[...] = carry + jnp.sum(onehot, axis=0, keepdims=True)
    return idx, pos, gate


def _to_lanes(val, sel_rows, m2):
    return jax.lax.dot_general(
        sel_rows, val * m2, (((1,), (0,)), ((), ())),
        preferred_element_type=jnp.float32,
        precision=jax.lax.Precision.HIGHEST,
    )


def _route_block(x_ref, w_ref, b_ref, e_ref, c_ref, g_ref, carry_ref):
    i = pl.program_id(0)

    @pl.when(i == 0)
    def _init():
        carry_ref[...] = jnp.zeros_like(carry_ref)

    idx, pos, gate = _routing(
        x_ref[...], w_ref[...], b_ref[...], carry_ref, BLOCK_A)
    posi = pos.astype(jnp.int32)
    over = posi >= EXPERT_CAPACITY
    idx_f = jnp.where(over, 0.0, idx.astype(jnp.float32))
    pos_f = jnp.where(over, 0.0, pos)
    gate_f = jnp.where(over, 0.0, gate)

    nrow = BLOCK_A // LANES
    t_i = lax.broadcasted_iota(jnp.int32, (nrow, BLOCK_A), 1)
    s_i = lax.broadcasted_iota(jnp.int32, (nrow, BLOCK_A), 0)
    sel_rows = (t_i // LANES == s_i).astype(jnp.float32)
    tt = lax.broadcasted_iota(jnp.int32, (BLOCK_A, LANES), 0)
    ll = lax.broadcasted_iota(jnp.int32, (BLOCK_A, LANES), 1)
    m2 = (tt % LANES == ll).astype(jnp.float32)

    e_ref[...] = _to_lanes(idx_f, sel_rows, m2).astype(jnp.int32)
    c_ref[...] = _to_lanes(pos_f, sel_rows, m2).astype(jnp.int32)
    g_ref[...] = _to_lanes(gate_f, sel_rows, m2)


def _dispatch_block(x_ref, w_ref, b_ref, out_ref, carry_ref):
    i = pl.program_id(0)

    @pl.when(i == 0)
    def _init():
        carry_ref[...] = jnp.zeros_like(carry_ref)

    idx, pos, gate = _routing(
        x_ref[...], w_ref[...], b_ref[...], carry_ref, BLOCK_B)
    posi = pos.astype(jnp.int32).reshape(BLOCK_B, 1, 1)
    idx3 = idx.reshape(BLOCK_B, 1, 1)
    gate3 = gate.reshape(BLOCK_B, 1, 1)
    e3 = lax.broadcasted_iota(jnp.int32, (BLOCK_B, NUM_EXPERTS, EXPERT_CAPACITY), 1)
    c3 = lax.broadcasted_iota(jnp.int32, (BLOCK_B, NUM_EXPERTS, EXPERT_CAPACITY), 2)
    out_ref[...] = jnp.where((e3 == idx3) & (c3 == posi), gate3, 0.0)


def _sc_combined(e_hbm, c_hbm, g_hbm, z_hbm, out_hbm,
                 e_v, c_v, g_v, buf0, buf1, sem0, sem1, semz):
    cid = lax.axis_index("c")
    sid = lax.axis_index("s")
    wid = sid * 2 + cid
    base = wid * TOK_PER_WORKER

    pltpu.async_copy(z_hbm, buf0, semz)
    pltpu.async_copy(z_hbm, buf1, semz)
    pltpu.async_copy(e_hbm.at[wid], e_v, sem0)
    pltpu.async_copy(c_hbm.at[wid], c_v, sem0)
    pltpu.async_copy(g_hbm.at[wid], g_v, sem0)
    pltpu.make_async_copy(z_hbm, buf0, semz).wait()
    pltpu.make_async_copy(z_hbm, buf1, semz).wait()
    pltpu.make_async_copy(e_hbm.at[wid], e_v, sem0).wait()
    pltpu.make_async_copy(c_hbm.at[wid], c_v, sem0).wait()
    pltpu.make_async_copy(g_hbm.at[wid], g_v, sem0).wait()

    lane16 = lax.broadcasted_iota(jnp.int32, (16,), 0)
    zeros16 = jnp.zeros((16,), jnp.float32)
    n_pairs = TOK_PER_WORKER // (2 * CHUNK)

    def poke(buf, ch):
        t0 = ch * CHUNK
        ei = e_v[pl.ds(t0, CHUNK)]
        ci = c_v[pl.ds(t0, CHUNK)]
        gi = g_v[pl.ds(t0, CHUNK)]
        for j in range(CHUNK):
            c0 = (ci[j] // 16) * 16
            buf[j, ei[j], pl.ds(c0, 16)] = jnp.where(
                lane16 == ci[j] % 16, gi[j], 0.0)

    def unpoke(buf, ch):
        t0 = ch * CHUNK
        ei = e_v[pl.ds(t0, CHUNK)]
        ci = c_v[pl.ds(t0, CHUNK)]
        for j in range(CHUNK):
            c0 = (ci[j] // 16) * 16
            buf[j, ei[j], pl.ds(c0, 16)] = zeros16

    def dma_wait(buf, sem, ch):
        pltpu.make_async_copy(
            buf, out_hbm.at[pl.ds(base + ch * CHUNK, CHUNK)], sem).wait()

    def pair(i, carry):
        ch0 = 2 * i
        ch1 = 2 * i + 1

        @pl.when(i > 0)
        def _():
            dma_wait(buf0, sem0, ch0 - 2)
            unpoke(buf0, ch0 - 2)

        poke(buf0, ch0)
        pltpu.async_copy(buf0, out_hbm.at[pl.ds(base + ch0 * CHUNK, CHUNK)], sem0)

        @pl.when(i > 0)
        def _():
            dma_wait(buf1, sem1, ch1 - 2)
            unpoke(buf1, ch1 - 2)

        poke(buf1, ch1)
        pltpu.async_copy(buf1, out_hbm.at[pl.ds(base + ch1 * CHUNK, CHUNK)], sem1)
        return carry

    lax.fori_loop(0, n_pairs, pair, 0)
    dma_wait(buf0, sem0, 0)
    dma_wait(buf1, sem1, 1)


def kernel(inputs, W, b):
    b2 = b.reshape(1, NUM_EXPERTS)

    e_a, c_a, g_a = pl.pallas_call(
        _route_block,
        grid=(NUM_TOKENS // BLOCK_A,),
        in_specs=[
            pl.BlockSpec((BLOCK_A, D_MODEL), lambda i: (i, 0)),
            pl.BlockSpec((D_MODEL, NUM_EXPERTS), lambda i: (0, 0)),
            pl.BlockSpec((1, NUM_EXPERTS), lambda i: (0, 0)),
        ],
        out_specs=[
            pl.BlockSpec((BLOCK_A // LANES, LANES), lambda i: (i, 0)),
            pl.BlockSpec((BLOCK_A // LANES, LANES), lambda i: (i, 0)),
            pl.BlockSpec((BLOCK_A // LANES, LANES), lambda i: (i, 0)),
        ],
        out_shape=[
            jax.ShapeDtypeStruct((NUM_TOKENS // LANES, LANES), jnp.int32),
            jax.ShapeDtypeStruct((NUM_TOKENS // LANES, LANES), jnp.int32),
            jax.ShapeDtypeStruct((NUM_TOKENS // LANES, LANES), jnp.float32),
        ],
        scratch_shapes=[pltpu.VMEM((1, NUM_EXPERTS), jnp.float32)],
    )(inputs, W, b2)

    zeros_slab = jnp.zeros((CHUNK, NUM_EXPERTS, EXPERT_CAPACITY), jnp.float32)

    sc_write = functools.partial(
        pl.kernel,
        mesh=plsc.VectorSubcoreMesh(
            core_axis_name="c", subcore_axis_name="s", num_cores=2),
        out_type=jax.ShapeDtypeStruct(
            (NUM_TOKENS, NUM_EXPERTS, EXPERT_CAPACITY), jnp.float32),
        scratch_types=[
            pltpu.VMEM((TOK_PER_WORKER,), jnp.int32),
            pltpu.VMEM((TOK_PER_WORKER,), jnp.int32),
            pltpu.VMEM((TOK_PER_WORKER,), jnp.float32),
            pltpu.VMEM((CHUNK, NUM_EXPERTS, EXPERT_CAPACITY), jnp.float32),
            pltpu.VMEM((CHUNK, NUM_EXPERTS, EXPERT_CAPACITY), jnp.float32),
            pltpu.SemaphoreType.DMA,
            pltpu.SemaphoreType.DMA,
            pltpu.SemaphoreType.DMA,
        ],
    )(_sc_combined)
    combined = sc_write(e_a, c_a, g_a, zeros_slab)

    dispatch = pl.pallas_call(
        _dispatch_block,
        grid=(NUM_TOKENS // BLOCK_B,),
        in_specs=[
            pl.BlockSpec((BLOCK_B, D_MODEL), lambda i: (i, 0)),
            pl.BlockSpec((D_MODEL, NUM_EXPERTS), lambda i: (0, 0)),
            pl.BlockSpec((1, NUM_EXPERTS), lambda i: (0, 0)),
        ],
        out_specs=pl.BlockSpec(
            (BLOCK_B, NUM_EXPERTS, EXPERT_CAPACITY), lambda i: (i, 0, 0)),
        out_shape=jax.ShapeDtypeStruct(
            (NUM_TOKENS, NUM_EXPERTS, EXPERT_CAPACITY), jnp.float32),
        scratch_shapes=[pltpu.VMEM((1, NUM_EXPERTS), jnp.float32)],
    )(inputs, W, b2)

    return (dispatch, combined)

# --- scband reference (transcript-rebuilt; emitter-appended) ---
"""Pipeline reference for scband-router-30923764531755 (READ-ONLY COPY).

The authoritative reference and input builder live on the scoring server;
editing this copy changes nothing except your own understanding.
"""

import jax, jax.numpy as jnp
import numpy as np

NUM_EXPERTS = 8
EXPERT_CAPACITY = 640
D_MODEL = 768
NUM_TOKENS = 4096


def setup_inputs(seed: int = 0) -> dict:
    key = jax.random.key(seed)
    k1, k2 = jax.random.split(key)
    inputs = jax.random.normal(k1, (NUM_TOKENS, D_MODEL), dtype=jnp.float32)
    W = jax.random.normal(k2, (D_MODEL, NUM_EXPERTS), dtype=jnp.float32) * 0.02
    b = jnp.zeros((NUM_EXPERTS,), dtype=jnp.float32)
    return {"inputs": inputs, "W": W, "b": b}


def reference(inputs, W, b):
    # Dense routing layer
    router_logits = inputs @ W + b  # [T, E]
    # training=False path: no uniform noise added
    router_probs = jax.nn.softmax(router_logits, axis=-1)
    expert_gate, expert_index = jax.lax.top_k(router_probs, k=1)  # [T,1], [T,1]
    expert_mask = jax.nn.one_hot(expert_index, NUM_EXPERTS, dtype=jnp.float32)  # [T,1,E]

    # load_balanced_loss (added via add_loss in keras; computed for faithfulness, not returned)
    density = jnp.mean(expert_mask, axis=0)  # [1,E]
    density_proxy = jnp.mean(router_probs, axis=0)  # [E]
    aux_loss = jnp.mean(density_proxy * density) * jnp.asarray(NUM_EXPERTS ** 2, dtype=jnp.float32)
    del aux_loss

    position_in_expert = (jnp.cumsum(expert_mask, axis=0) * expert_mask).astype(jnp.int32)  # [T,1,E]
    expert_mask = expert_mask * (position_in_expert < EXPERT_CAPACITY).astype(jnp.float32)
    expert_mask_flat = jnp.sum(expert_mask, axis=-1)  # [T,1]
    expert_gate = expert_gate * expert_mask_flat  # [T,1]

    combined_tensor = jnp.expand_dims(
        expert_gate
        * expert_mask_flat
        * jnp.squeeze(jax.nn.one_hot(expert_index, NUM_EXPERTS, dtype=jnp.float32), axis=1),
        -1,
    ) * jnp.squeeze(jax.nn.one_hot(position_in_expert, EXPERT_CAPACITY, dtype=jnp.float32), axis=1)  # [T,E,C]
    dispatch_tensor = combined_tensor.astype(jnp.float32)
    return (dispatch_tensor, combined_tensor)

if __name__ == "__main__":
    import jax
    _d = setup_inputs()
    print(jax.jit(kernel)(*tuple(_d.values())))

</pallas_src>

<mosaic_0001>
#map = affine_map<(d0, d1) -> (0, 0)>
#map1 = affine_map<(d0, d1) -> (0, 0, 0)>
module attributes {stable_mosaic.version = 14 : i64} {
  func.func @_sc_combined(%arg0: i32, %arg1: i32, %arg2: memref<32x128xi32, #tpu.memory_space<hbm>>, %arg3: memref<32x128xi32, #tpu.memory_space<hbm>>, %arg4: memref<32x128xf32, #tpu.memory_space<hbm>>, %arg5: memref<8x8x640xf32, #tpu.memory_space<hbm>>, %arg6: memref<4096x8x640xf32, #tpu.memory_space<hbm>>, %arg7: memref<128xi32, #tpu.memory_space<vmem>>, %arg8: memref<128xi32, #tpu.memory_space<vmem>>, %arg9: memref<128xf32, #tpu.memory_space<vmem>>, %arg10: memref<8x8x640xf32, #tpu.memory_space<vmem>>, %arg11: memref<8x8x640xf32, #tpu.memory_space<vmem>>, %arg12: memref<!tpu.dma_semaphore, #tpu.memory_space<semaphore_mem>>, %arg13: memref<!tpu.dma_semaphore, #tpu.memory_space<semaphore_mem>>, %arg14: memref<!tpu.dma_semaphore, #tpu.memory_space<semaphore_mem>>) attributes {dimension_semantics = [#tpu.dimension_semantics<core_parallel>, #tpu.dimension_semantics<subcore_parallel>], iteration_bounds = array<i64: 2, 16>, scalar_prefetch = 0 : i64, scratch_operands = 8 : i64, tpu.core_type = #tpu.core_type<sc_vector_subcore>, window_params = [{transform_indices = #map}, {transform_indices = #map}, {transform_indices = #map}, {transform_indices = #map1}, {transform_indices = #map1}]} {
    %mul3A = arith.constant 2 : i32
    %mul3A_0 = arith.muli %arg1, %mul3A : i32
    %add3A = arith.addi %mul3A_0, %arg0 : i32
    %mul3A_1 = arith.constant 128 : i32
    %mul3A_2 = arith.muli %add3A, %mul3A_1 : i32
    tpu.enqueue_dma source(%arg5 : memref<8x8x640xf32, #tpu.memory_space<hbm>>) target(%arg10 : memref<8x8x640xf32, #tpu.memory_space<vmem>>) target_semaphore(%arg14 : memref<!tpu.dma_semaphore, #tpu.memory_space<semaphore_mem>>)
    tpu.enqueue_dma source(%arg5 : memref<8x8x640xf32, #tpu.memory_space<hbm>>) target(%arg11 : memref<8x8x640xf32, #tpu.memory_space<vmem>>) target_semaphore(%arg14 : memref<!tpu.dma_semaphore, #tpu.memory_space<semaphore_mem>>)
    %dma_start3A = arith.constant 0 : i32
    %dma_start3A_3 = tpu.memref_slice %arg2[%add3A, %dma_start3A] : memref<32x128xi32, #tpu.memory_space<hbm>> -> memref<1x128xi32, #tpu.memory_space<hbm>>
    %dma_start3A_4 = tpu.memref_squeeze %dma_start3A_3 : memref<1x128xi32, #tpu.memory_space<hbm>> -> memref<128xi32, #tpu.memory_space<hbm>>
    %dma_start3A_5 = arith.constant 0 : i32
    %dma_start3A_6 = tpu.memref_slice %arg2[%add3A, %dma_start3A_5] : memref<32x128xi32, #tpu.memory_space<hbm>> -> memref<1x128xi32, #tpu.memory_space<hbm>>
    %dma_start3A_7 = tpu.memref_squeeze %dma_start3A_6 : memref<1x128xi32, #tpu.memory_space<hbm>> -> memref<128xi32, #tpu.memory_space<hbm>>
    tpu.enqueue_dma source(%dma_start3A_7 : memref<128xi32, #tpu.memory_space<hbm>>) target(%arg7 : memref<128xi32, #tpu.memory_space<vmem>>) target_semaphore(%arg12 : memref<!tpu.dma_semaphore, #tpu.memory_space<semaphore_mem>>)
    %dma_start3A_8 = arith.constant 0 : i32
    %dma_start3A_9 = tpu.memref_slice %arg3[%add3A, %dma_start3A_8] : memref<32x128xi32, #tpu.memory_space<hbm>> -> memref<1x128xi32, #tpu.memory_space<hbm>>
    %dma_start3A_10 = tpu.memref_squeeze %dma_start3A_9 : memref<1x128xi32, #tpu.memory_space<hbm>> -> memref<128xi32, #tpu.memory_space<hbm>>
    %dma_start3A_11 = arith.constant 0 : i32
    %dma_start3A_12 = tpu.memref_slice %arg3[%add3A, %dma_start3A_11] : memref<32x128xi32, #tpu.memory_space<hbm>> -> memref<1x128xi32, #tpu.memory_space<hbm>>
    %dma_start3A_13 = tpu.memref_squeeze %dma_start3A_12 : memref<1x128xi32, #tpu.memory_space<hbm>> -> memref<128xi32, #tpu.memory_space<hbm>>
    tpu.enqueue_dma source(%dma_start3A_13 : memref<128xi32, #tpu.memory_space<hbm>>) target(%arg8 : memref<128xi32, #tpu.memory_space<vmem>>) target_semaphore(%arg12 : memref<!tpu.dma_semaphore, #tpu.memory_space<semaphore_mem>>)
    %dma_start3A_14 = arith.constant 0 : i32
    %dma_start3A_15 = tpu.memref_slice %arg4[%add3A, %dma_start3A_14] : memref<32x128xf32, #tpu.memory_space<hbm>> -> memref<1x128xf32, #tpu.memory_space<hbm>>
    %dma_start3A_16 = tpu.memref_squeeze %dma_start3A_15 : memref<1x128xf32, #tpu.memory_space<hbm>> -> memref<128xf32, #tpu.memory_space<hbm>>
    %dma_start3A_17 = arith.constant 0 : i32
    %dma_start3A_18 = tpu.memref_slice %arg4[%add3A, %dma_start3A_17] : memref<32x128xf32, #tpu.memory_space<hbm>> -> memref<1x128xf32, #tpu.memory_space<hbm>>
    %dma_start3A_19 = tpu.memref_squeeze %dma_start3A_18 : memref<1x128xf32, #tpu.memory_space<hbm>> -> memref<128xf32, #tpu.memory_space<hbm>>
    tpu.enqueue_dma source(%dma_start3A_19 : memref<128xf32, #tpu.memory_space<hbm>>) target(%arg9 : memref<128xf32, #tpu.memory_space<vmem>>) target_semaphore(%arg12 : memref<!tpu.dma_semaphore, #tpu.memory_space<semaphore_mem>>)
    tpu.wait_dma2 semaphore(%arg14 : memref<!tpu.dma_semaphore, #tpu.memory_space<semaphore_mem>>) src(%arg5 : memref<8x8x640xf32, #tpu.memory_space<hbm>>) dst(%arg10 : memref<8x8x640xf32, #tpu.memory_space<vmem>>)
    tpu.wait_dma2 semaphore(%arg14 : memref<!tpu.dma_semaphore, #tpu.memory_space<semaphore_mem>>) src(%arg5 : memref<8x8x640xf32, #tpu.memory_space<hbm>>) dst(%arg11 : memref<8x8x640xf32, #tpu.memory_space<vmem>>)
    %dma_wait3A = arith.constant 0 : i32
    %dma_wait3A_20 = tpu.memref_slice %arg2[%add3A, %dma_wait3A] : memref<32x128xi32, #tpu.memory_space<hbm>> -> memref<1x128xi32, #tpu.memory_space<hbm>>
    %dma_wait3A_21 = tpu.memref_squeeze %dma_wait3A_20 : memref<1x128xi32, #tpu.memory_space<hbm>> -> memref<128xi32, #tpu.memory_space<hbm>>
    %dma_wait3A_22 = arith.constant 0 : i32
    %dma_wait3A_23 = tpu.memref_slice %arg2[%add3A, %dma_wait3A_22] : memref<32x128xi32, #tpu.memory_space<hbm>> -> memref<1x128xi32, #tpu.memory_space<hbm>>
    %dma_wait3A_24 = tpu.memref_squeeze %dma_wait3A_23 : memref<1x128xi32, #tpu.memory_space<hbm>> -> memref<128xi32, #tpu.memory_space<hbm>>
    tpu.wait_dma2 semaphore(%arg12 : memref<!tpu.dma_semaphore, #tpu.memory_space<semaphore_mem>>) src(%dma_wait3A_24 : memref<128xi32, #tpu.memory_space<hbm>>) dst(%arg7 : memref<128xi32, #tpu.memory_space<vmem>>)
    %dma_wait3A_25 = arith.constant 0 : i32
    %dma_wait3A_26 = tpu.memref_slice %arg3[%add3A, %dma_wait3A_25] : memref<32x128xi32, #tpu.memory_space<hbm>> -> memref<1x128xi32, #tpu.memory_space<hbm>>
    %dma_wait3A_27 = tpu.memref_squeeze %dma_wait3A_26 : memref<1x128xi32, #tpu.memory_space<hbm>> -> memref<128xi32, #tpu.memory_space<hbm>>
    %dma_wait3A_28 = arith.constant 0 : i32
    %dma_wait3A_29 = tpu.memref_slice %arg3[%add3A, %dma_wait3A_28] : memref<32x128xi32, #tpu.memory_space<hbm>> -> memref<1x128xi32, #tpu.memory_space<hbm>>
    %dma_wait3A_30 = tpu.memref_squeeze %dma_wait3A_29 : memref<1x128xi32, #tpu.memory_space<hbm>> -> memref<128xi32, #tpu.memory_space<hbm>>
    tpu.wait_dma2 semaphore(%arg12 : memref<!tpu.dma_semaphore, #tpu.memory_space<semaphore_mem>>) src(%dma_wait3A_30 : memref<128xi32, #tpu.memory_space<hbm>>) dst(%arg8 : memref<128xi32, #tpu.memory_space<vmem>>)
    %dma_wait3A_31 = arith.constant 0 : i32
    %dma_wait3A_32 = tpu.memref_slice %arg4[%add3A, %dma_wait3A_31] : memref<32x128xf32, #tpu.memory_space<hbm>> -> memref<1x128xf32, #tpu.memory_space<hbm>>
    %dma_wait3A_33 = tpu.memref_squeeze %dma_wait3A_32 : memref<1x128xf32, #tpu.memory_space<hbm>> -> memref<128xf32, #tpu.memory_space<hbm>>
    %dma_wait3A_34 = arith.constant 0 : i32
    %dma_wait3A_35 = tpu.memref_slice %arg4[%add3A, %dma_wait3A_34] : memref<32x128xf32, #tpu.memory_space<hbm>> -> memref<1x128xf32, #tpu.memory_space<hbm>>
    %dma_wait3A_36 = tpu.memref_squeeze %dma_wait3A_35 : memref<1x128xf32, #tpu.memory_space<hbm>> -> memref<128xf32, #tpu.memory_space<hbm>>
    tpu.wait_dma2 semaphore(%arg12 : memref<!tpu.dma_semaphore, #tpu.memory_space<semaphore_mem>>) src(%dma_wait3A_36 : memref<128xf32, #tpu.memory_space<hbm>>) dst(%arg9 : memref<128xf32, #tpu.memory_space<vmem>>)
    %iota3A = tpu.iota {dimensions = array<i32: 0>} : vector<16xi32>
    %broadcast_in_dim3A = arith.constant 0.000000e+00 : f32
    %broadcast_in_dim3A_37 = vector.broadcast %broadcast_in_dim3A : f32 to vector<16xf32>
    %scan3A = arith.constant 0 : i32
    %scan3A_38 = arith.constant 0 : i32
    %scan3A_39 = arith.constant 8 : i32
    %scan3A_40 = arith.addi %scan3A_38, %scan3A_39 : i32
    %scan3A_41 = arith.constant 1 : i32
    scf.for %scan3A_59 = %scan3A_38 to %scan3A_40 step %scan3A_41  : i32 {
      %mul3A_60 = arith.constant 2 : i32
      %mul3A_61 = arith.muli %mul3A_60, %scan3A_59 : i32
      %mul3A_62 = arith.constant 2 : i32
      %mul3A_63 = arith.muli %mul3A_62, %scan3A_59 : i32
      %add3A_64 = arith.constant 1 : i32
      %add3A_65 = arith.addi %mul3A_63, %add3A_64 : i32
      %gt3A = arith.constant 0 : i32
      %gt3A_66 = arith.cmpi sgt, %scan3A_59, %gt3A : i32
      %convert_element_type3A = arith.extui %gt3A_66 : i1 to i32
      %cond3A = arith.constant 0 : i32
      %cond3A_67 = arith.cmpi ne, %convert_element_type3A, %cond3A : i32
      scf.if %cond3A_67 {
        %sub3A_1107 = arith.constant 2 : i32
        %sub3A_1108 = arith.subi %mul3A_61, %sub3A_1107 : i32
        %mul3A_1109 = arith.constant 8 : i32
        %mul3A_1110 = arith.muli %sub3A_1108, %mul3A_1109 : i32
        %add3A_1111 = arith.addi %mul3A_2, %mul3A_1110 : i32
        %dma_wait3A_1112 = arith.constant 0 : i32
        %dma_wait3A_1113 = arith.constant 0 : i32
        %dma_wait3A_1114 = tpu.memref_slice %arg6[%add3A_1111, %dma_wait3A_1112, %dma_wait3A_1113] : memref<4096x8x640xf32, #tpu.memory_space<hbm>> -> memref<8x8x640xf32, #tpu.memory_space<hbm>>
        %dma_wait3A_1115 = arith.constant 0 : i32
        %dma_wait3A_1116 = arith.constant 0 : i32
        %dma_wait3A_1117 = tpu.memref_slice %arg6[%add3A_1111, %dma_wait3A_1115, %dma_wait3A_1116] : memref<4096x8x640xf32, #tpu.memory_space<hbm>> -> memref<8x8x640xf32, #tpu.memory_space<hbm>>
        tpu.wait_dma2 semaphore(%arg12 : memref<!tpu.dma_semaphore, #tpu.memory_space<semaphore_mem>>) src(%arg10 : memref<8x8x640xf32, #tpu.memory_space<vmem>>) dst(%dma_wait3A_1117 : memref<8x8x640xf32, #tpu.memory_space<hbm>>)
        %sub3A_1118 = arith.constant 2 : i32
        %sub3A_1119 = arith.subi %mul3A_61, %sub3A_1118 : i32
        %mul3A_1120 = arith.constant 8 : i32
        %mul3A_1121 = arith.muli %sub3A_1119, %mul3A_1120 : i32
        %get3A_1122 = arith.index_cast %mul3A_1121 : i32 to index
        %get3A_1123 = tpu.vector_load %arg7[%get3A_1122] {strides = array<i32>} : memref<128xi32, #tpu.memory_space<vmem>>, vector<8xi32>,
        %get3A_1124 = vector.shape_cast %get3A_1123 : vector<8xi32> to vector<8xi32>
        %get3A_1125 = arith.index_cast %mul3A_1121 : i32 to index
        %get3A_1126 = tpu.vector_load %arg8[%get3A_1125] {strides = array<i32>} : memref<128xi32, #tpu.memory_space<vmem>>, vector<8xi32>,
        %get3A_1127 = vector.shape_cast %get3A_1126 : vector<8xi32> to vector<8xi32>
        %slice3A_1128 = vector.extract_strided_slice %get3A_1127 {offsets = [0], sizes = [1], strides = [1]} : vector<8xi32> to vector<1xi32>
        %squeeze3A_1129 = vector.extract %slice3A_1128[0] : i32 from vector<1xi32>
        %jit3A_1130 = arith.constant 16 : i32
        %div3A_1131 = arith.divsi %squeeze3A_1129, %jit3A_1130 : i32
        %sign3A_1132 = arith.constant 0 : i32
        %sign3A_1133 = arith.cmpi sgt, %squeeze3A_1129, %sign3A_1132 : i32
        %sign3A_1134 = arith.extui %sign3A_1133 : i1 to i32
        %sign3A_1135 = arith.constant 0 : i32
        %sign3A_1136 = arith.cmpi slt, %squeeze3A_1129, %sign3A_1135 : i32
        %sign3A_1137 = arith.extui %sign3A_1136 : i1 to i32
        %sign3A_1138 = arith.subi %sign3A_1134, %sign3A_1137 : i32
        %sign3A_1139 = arith.constant 0 : i32
        %sign3A_1140 = arith.cmpi sgt, %jit3A_1130, %sign3A_1139 : i32
        %sign3A_1141 = arith.extui %sign3A_1140 : i1 to i32
        %sign3A_1142 = arith.constant 0 : i32
        %sign3A_1143 = arith.cmpi slt, %jit3A_1130, %sign3A_1142 : i32
        %sign3A_1144 = arith.extui %sign3A_1143 : i1 to i32
        %sign3A_1145 = arith.subi %sign3A_1141, %sign3A_1144 : i32
        %ne3A_1146 = arith.cmpi ne, %sign3A_1138, %sign3A_1145 : i32
        %rem3A_1147 = arith.remsi %squeeze3A_1129, %jit3A_1130 : i32
        %ne3A_1148 = arith.constant 0 : i32
        %ne3A_1149 = arith.cmpi ne, %rem3A_1147, %ne3A_1148 : i32
        %and3A_1150 = arith.andi %ne3A_1146, %ne3A_1149 : i1
        %sub3A_1151 = arith.constant 1 : i32
        %sub3A_1152 = arith.subi %div3A_1131, %sub3A_1151 : i32
        %select_n3A_1153 = arith.select %and3A_1150, %sub3A_1152, %div3A_1131 : i32
        %mul3A_1154 = arith.constant 16 : i32
        %mul3A_1155 = arith.muli %select_n3A_1153, %mul3A_1154 : i32
        %slice3A_1156 = vector.extract_strided_slice %get3A_1124 {offsets = [0], sizes = [1], strides = [1]} : vector<8xi32> to vector<1xi32>
        %squeeze3A_1157 = vector.extract %slice3A_1156[0] : i32 from vector<1xi32>
        %swap3A_1158 = arith.constant 0 : i32
        %swap3A_1159 = arith.index_cast %swap3A_1158 : i32 to index
        %swap3A_1160 = arith.index_cast %squeeze3A_1157 : i32 to index
        %swap3A_1161 = arith.index_cast %mul3A_1155 : i32 to index
        %swap3A_1162 = tpu.vector_load %arg10[%swap3A_1159, %swap3A_1160, %swap3A_1161] {strides = array<i32>} : memref<8x8x640xf32, #tpu.memory_space<vmem>>, vector<1x1x16xf32>,
        %swap3A_1163 = vector.shape_cast %swap3A_1162 : vector<1x1x16xf32> to vector<16xf32>
        %swap3A_1164 = vector.shape_cast %broadcast_in_dim3A_37 : vector<16xf32> to vector<1x1x16xf32>
        tpu.vector_store %arg10[%swap3A_1159, %swap3A_1160, %swap3A_1161], %swap3A_1164 {strides = array<i32>} : memref<8x8x640xf32, #tpu.memory_space<vmem>>, vector<1x1x16xf32>,
        %slice3A_1165 = vector.extract_strided_slice %get3A_1127 {offsets = [1], sizes = [1], strides = [1]} : vector<8xi32> to vector<1xi32>
        %squeeze3A_1166 = vector.extract %slice3A_1165[0] : i32 from vector<1xi32>
        %jit3A_1167 = arith.constant 16 : i32
        %div3A_1168 = arith.divsi %squeeze3A_1166, %jit3A_1167 : i32
        %sign3A_1169 = arith.constant 0 : i32
        %sign3A_1170 = arith.cmpi sgt, %squeeze3A_1166, %sign3A_1169 : i32
        %sign3A_1171 = arith.extui %sign3A_1170 : i1 to i32
        %sign3A_1172 = arith.constant 0 : i32
        %sign3A_1173 = arith.cmpi slt, %squeeze3A_1166, %sign3A_1172 : i32
        %sign3A_1174 = arith.extui %sign3A_1173 : i1 to i32
        %sign3A_1175 = arith.subi %sign3A_1171, %sign3A_1174 : i32
        %sign3A_1176 = arith.constant 0 : i32
        %sign3A_1177 = arith.cmpi sgt, %jit3A_1167, %sign3A_1176 : i32
        %sign3A_1178 = arith.extui %sign3A_1177 : i1 to i32
        %sign3A_1179 = arith.constant 0 : i32
        %sign3A_1180 = arith.cmpi slt, %jit3A_1167, %sign3A_1179 : i32
        %sign3A_1181 = arith.extui %sign3A_1180 : i1 to i32
        %sign3A_1182 = arith.subi %sign3A_1178, %sign3A_1181 : i32
        %ne3A_1183 = arith.cmpi ne, %sign3A_1175, %sign3A_1182 : i32
        %rem3A_1184 = arith.remsi %squeeze3A_1166, %jit3A_1167 : i32
        %ne3A_1185 = arith.constant 0 : i32
        %ne3A_1186 = arith.cmpi ne, %rem3A_1184, %ne3A_1185 : i32
        %and3A_1187 = arith.andi %ne3A_1183, %ne3A_1186 : i1
        %sub3A_1188 = arith.constant 1 : i32
        %sub3A_1189 = arith.subi %div3A_1168, %sub3A_1188 : i32
        %select_n3A_1190 = arith.select %and3A_1187, %sub3A_1189, %div3A_1168 : i32
        %mul3A_1191 = arith.constant 16 : i32
        %mul3A_1192 = arith.muli %select_n3A_1190, %mul3A_1191 : i32
        %slice3A_1193 = vector.extract_strided_slice %get3A_1124 {offsets = [1], sizes = [1], strides = [1]} : vector<8xi32> to vector<1xi32>
        %squeeze3A_1194 = vector.extract %slice3A_1193[0] : i32 from vector<1xi32>
        %swap3A_1195 = arith.constant 1 : i32
        %swap3A_1196 = arith.index_cast %swap3A_1195 : i32 to index
        %swap3A_1197 = arith.index_cast %squeeze3A_1194 : i32 to index
        %swap3A_1198 = arith.index_cast %mul3A_1192 : i32 to index
        %swap3A_1199 = tpu.vector_load %arg10[%swap3A_1196, %swap3A_1197, %swap3A_1198] {strides = array<i32>} : memref<8x8x640xf32, #tpu.memory_space<vmem>>, vector<1x1x16xf32>,
        %swap3A_1200 = vector.shape_cast %swap3A_1199 : vector<1x1x16xf32> to vector<16xf32>
        %swap3A_1201 = vector.shape_cast %broadcast_in_dim3A_37 : vector<16xf32> to vector<1x1x16xf32>
        tpu.vector_store %arg10[%swap3A_1196, %swap3A_1197, %swap3A_1198], %swap3A_1201 {strides = array<i32>} : memref<8x8x640xf32, #tpu.memory_space<vmem>>, vector<1x1x16xf32>,
        %slice3A_1202 = vector.extract_strided_slice %get3A_1127 {offsets = [2], sizes = [1], strides = [1]} : vector<8xi32> to vector<1xi32>
        %squeeze3A_1203 = vector.extract %slice3A_1202[0] : i32 from vector<1xi32>
        %jit3A_1204 = arith.constant 16 : i32
        %div3A_1205 = arith.divsi %squeeze3A_1203, %jit3A_1204 : i32
        %sign3A_1206 = arith.constant 0 : i32
        %sign3A_1207 = arith.cmpi sgt, %squeeze3A_1203, %sign3A_1206 : i32
        %sign3A_1208 = arith.extui %sign3A_1207 : i1 to i32
        %sign3A_1209 = arith.constant 0 : i32
        %sign3A_1210 = arith.cmpi slt, %squeeze3A_1203, %sign3A_1209 : i32
        %sign3A_1211 = arith.extui %sign3A_1210 : i1 to i32
        %sign3A_1212 = arith.subi %sign3A_1208, %sign3A_1211 : i32
        %sign3A_1213 = arith.constant 0 : i32
        %sign3A_1214 = arith.cmpi sgt, %jit3A_1204, %sign3A_1213 : i32
        %sign3A_1215 = arith.extui %sign3A_1214 : i1 to i32
        %sign3A_1216 = arith.constant 0 : i32
        %sign3A_1217 = arith.cmpi slt, %jit3A_1204, %sign3A_1216 : i32
        %sign3A_1218 = arith.extui %sign3A_1217 : i1 to i32
        %sign3A_1219 = arith.subi %sign3A_1215, %sign3A_1218 : i32
        %ne3A_1220 = arith.cmpi ne, %sign3A_1212, %sign3A_1219 : i32
        %rem3A_1221 = arith.remsi %squeeze3A_1203, %jit3A_1204 : i32
        %ne3A_1222 = arith.constant 0 : i32
        %ne3A_1223 = arith.cmpi ne, %rem3A_1221, %ne3A_1222 : i32
        %and3A_1224 = arith.andi %ne3A_1220, %ne3A_1223 : i1
        %sub3A_1225 = arith.constant 1 : i32
        %sub3A_1226 = arith.subi %div3A_1205, %sub3A_1225 : i32
        %select_n3A_1227 = arith.select %and3A_1224, %sub3A_1226, %div3A_1205 : i32
        %mul3A_1228 = arith.constant 16 : i32
        %mul3A_1229 = arith.muli %select_n3A_1227, %mul3A_1228 : i32
        %slice3A_1230 = vector.extract_strided_slice %get3A_1124 {offsets = [2], sizes = [1], strides = [1]} : vector<8xi32> to vector<1xi32>
        %squeeze3A_1231 = vector.extract %slice3A_1230[0] : i32 from vector<1xi32>
        %swap3A_1232 = arith.constant 2 : i32
        %swap3A_1233 = arith.index_cast %swap3A_1232 : i32 to index
        %swap3A_1234 = arith.index_cast %squeeze3A_1231 : i32 to index
        %swap3A_1235 = arith.index_cast %mul3A_1229 : i32 to index
        %swap3A_1236 = tpu.vector_load %arg10[%swap3A_1233, %swap3A_1234, %swap3A_1235] {strides = array<i32>} : memref<8x8x640xf32, #tpu.memory_space<vmem>>, vector<1x1x16xf32>,
        %swap3A_1237 = vector.shape_cast %swap3A_1236 : vector<1x1x16xf32> to vector<16xf32>
        %swap3A_1238 = vector.shape_cast %broadcast_in_dim3A_37 : vector<16xf32> to vector<1x1x16xf32>
        tpu.vector_store %arg10[%swap3A_1233, %swap3A_1234, %swap3A_1235], %swap3A_1238 {strides = array<i32>} : memref<8x8x640xf32, #tpu.memory_space<vmem>>, vector<1x1x16xf32>,
        %slice3A_1239 = vector.extract_strided_slice %get3A_1127 {offsets = [3], sizes = [1], strides = [1]} : vector<8xi32> to vector<1xi32>
        %squeeze3A_1240 = vector.extract %slice3A_1239[0] : i32 from vector<1xi32>
        %jit3A_1241 = arith.constant 16 : i32
        %div3A_1242 = arith.divsi %squeeze3A_1240, %jit3A_1241 : i32
        %sign3A_1243 = arith.constant 0 : i32
        %sign3A_1244 = arith.cmpi sgt, %squeeze3A_1240, %sign3A_1243 : i32
        %sign3A_1245 = arith.extui %sign3A_1244 : i1 to i32
        %sign3A_1246 = arith.constant 0 : i32
        %sign3A_1247 = arith.cmpi slt, %squeeze3A_1240, %sign3A_1246 : i32
        %sign3A_1248 = arith.extui %sign3A_1247 : i1 to i32
        %sign3A_1249 = arith.subi %sign3A_1245, %sign3A_1248 : i32
        %sign3A_1250 = arith.constant 0 : i32
        %sign3A_1251 = arith.cmpi sgt, %jit3A_1241, %sign3A_1250 : i32
        %sign3A_1252 = arith.extui %sign3A_1251 : i1 to i32
        %sign3A_1253 = arith.constant 0 : i32
        %sign3A_1254 = arith.cmpi slt, %jit3A_1241, %sign3A_1253 : i32
        %sign3A_1255 = arith.extui %sign3A_1254 : i1 to i32
        %sign3A_1256 = arith.subi %sign3A_1252, %sign3A_1255 : i32
        %ne3A_1257 = arith.cmpi ne, %sign3A_1249, %sign3A_1256 : i32
        %rem3A_1258 = arith.remsi %squeeze3A_1240, %jit3A_1241 : i32
        %ne3A_1259 = arith.constant 0 : i32
        %ne3A_1260 = arith.cmpi ne, %rem3A_1258, %ne3A_1259 : i32
        %and3A_1261 = arith.andi %ne3A_1257, %ne3A_1260 : i1
        %sub3A_1262 = arith.constant 1 : i32
        %sub3A_1263 = arith.subi %div3A_1242, %sub3A_1262 : i32
        %select_n3A_1264 = arith.select %and3A_1261, %sub3A_1263, %div3A_1242 : i32
        %mul3A_1265 = arith.constant 16 : i32
        %mul3A_1266 = arith.muli %select_n3A_1264, %mul3A_1265 : i32
        %slice3A_1267 = vector.extract_strided_slice %get3A_1124 {offsets = [3], sizes = [1], strides = [1]} : vector<8xi32> to vector<1xi32>
        %squeeze3A_1268 = vector.extract %slice3A_1267[0] : i32 from vector<1xi32>
        %swap3A_1269 = arith.constant 3 : i32
        %swap3A_1270 = arith.index_cast %swap3A_1269 : i32 to index
        %swap3A_1271 = arith.index_cast %squeeze3A_1268 : i32 to index
        %swap3A_1272 = arith.index_cast %mul3A_1266 : i32 to index
        %swap3A_1273 = tpu.vector_load %arg10[%swap3A_1270, %swap3A_1271, %swap3A_1272] {strides = array<i32>} : memref<8x8x640xf32, #tpu.memory_space<vmem>>, vector<1x1x16xf32>,
        %swap3A_1274 = vector.shape_cast %swap3A_1273 : vector<1x1x16xf32> to vector<16xf32>
        %swap3A_1275 = vector.shape_cast %broadcast_in_dim3A_37 : vector<16xf32> to vector<1x1x16xf32>
        tpu.vector_store %arg10[%swap3A_1270, %swap3A_1271, %swap3A_1272], %swap3A_1275 {strides = array<i32>} : memref<8x8x640xf32, #tpu.memory_space<vmem>>, vector<1x1x16xf32>,
        %slice3A_1276 = vector.extract_strided_slice %get3A_1127 {offsets = [4], sizes = [1], strides = [1]} : vector<8xi32> to vector<1xi32>
        %squeeze3A_1277 = vector.extract %slice3A_1276[0] : i32 from vector<1xi32>
        %jit3A_1278 = arith.constant 16 : i32
        %div3A_1279 = arith.divsi %squeeze3A_1277, %jit3A_1278 : i32
        %sign3A_1280 = arith.constant 0 : i32
        %sign3A_1281 = arith.cmpi sgt, %squeeze3A_1277, %sign3A_1280 : i32
        %sign3A_1282 = arith.extui %sign3A_1281 : i1 to i32
        %sign3A_1283 = arith.constant 0 : i32
        %sign3A_1284 = arith.cmpi slt, %squeeze3A_1277, %sign3A_1283 : i32
        %sign3A_1285 = arith.extui %sign3A_1284 : i1 to i32
        %sign3A_1286 = arith.subi %sign3A_1282, %sign3A_1285 : i32
        %sign3A_1287 = arith.constant 0 : i32
        %sign3A_1288 = arith.cmpi sgt, %jit3A_1278, %sign3A_1287 : i32
        %sign3A_1289 = arith.extui %sign3A_1288 : i1 to i32
        %sign3A_1290 = arith.constant 0 : i32
        %sign3A_1291 = arith.cmpi slt, %jit3A_1278, %sign3A_1290 : i32
        %sign3A_1292 = arith.extui %sign3A_1291 : i1 to i32
        %sign3A_1293 = arith.subi %sign3A_1289, %sign3A_1292 : i32
        %ne3A_1294 = arith.cmpi ne, %sign3A_1286, %sign3A_1293 : i32
        %rem3A_1295 = arith.remsi %squeeze3A_1277, %jit3A_1278 : i32
        %ne3A_1296 = arith.constant 0 : i32
        %ne3A_1297 = arith.cmpi ne, %rem3A_1295, %ne3A_1296 : i32
        %and3A_1298 = arith.andi %ne3A_1294, %ne3A_1297 : i1
        %sub3A_1299 = arith.constant 1 : i32
        %sub3A_1300 = arith.subi %div3A_1279, %sub3A_1299 : i32
        %select_n3A_1301 = arith.select %and3A_1298, %sub3A_1300, %div3A_1279 : i32
        %mul3A_1302 = arith.constant 16 : i32
        %mul3A_1303 = arith.muli %select_n3A_1301, %mul3A_1302 : i32
        %slice3A_1304 = vector.extract_strided_slice %get3A_1124 {offsets = [4], sizes = [1], strides = [1]} : vector<8xi32> to vector<1xi32>
        %squeeze3A_1305 = vector.extract %slice3A_1304[0] : i32 from vector<1xi32>
        %swap3A_1306 = arith.constant 4 : i32
        %swap3A_1307 = arith.index_cast %swap3A_1306 : i32 to index
        %swap3A_1308 = arith.index_cast %squeeze3A_1305 : i32 to index
        %swap3A_1309 = arith.index_cast %mul3A_1303 : i32 to index
        %swap3A_1310 = tpu.vector_load %arg10[%swap3A_1307, %swap3A_1308, %swap3A_1309] {strides = array<i32>} : memref<8x8x640xf32, #tpu.memory_space<vmem>>, vector<1x1x16xf32>,
        %swap3A_1311 = vector.shape_cast %swap3A_1310 : vector<1x1x16xf32> to vector<16xf32>
        %swap3A_1312 = vector.shape_cast %broadcast_in_dim3A_37 : vector<16xf32> to vector<1x1x16xf32>
        tpu.vector_store %arg10[%swap3A_1307, %swap3A_1308, %swap3A_1309], %swap3A_1312 {strides = array<i32>} : memref<8x8x640xf32, #tpu.memory_space<vmem>>, vector<1x1x16xf32>,
        %slice3A_1313 = vector.extract_strided_slice %get3A_1127 {offsets = [5], sizes = [1], strides = [1]} : vector<8xi32> to vector<1xi32>
        %squeeze3A_1314 = vector.extract %slice3A_1313[0] : i32 from vector<1xi32>
        %jit3A_1315 = arith.constant 16 : i32
        %div3A_1316 = arith.divsi %squeeze3A_1314, %jit3A_1315 : i32
        %sign3A_1317 = arith.constant 0 : i32
        %sign3A_1318 = arith.cmpi sgt, %squeeze3A_1314, %sign3A_1317 : i32
        %sign3A_1319 = arith.extui %sign3A_1318 : i1 to i32
        %sign3A_1320 = arith.constant 0 : i32
        %sign3A_1321 = arith.cmpi slt, %squeeze3A_1314, %sign3A_1320 : i32
        %sign3A_1322 = arith.extui %sign3A_1321 : i1 to i32
        %sign3A_1323 = arith.subi %sign3A_1319, %sign3A_1322 : i32
        %sign3A_1324 = arith.constant 0 : i32
        %sign3A_1325 = arith.cmpi sgt, %jit3A_1315, %sign3A_1324 : i32
        %sign3A_1326 = arith.extui %sign3A_1325 : i1 to i32
        %sign3A_1327 = arith.constant 0 : i32
        %sign3A_1328 = arith.cmpi slt, %jit3A_1315, %sign3A_1327 : i32
        %sign3A_1329 = arith.extui %sign3A_1328 : i1 to i32
        %sign3A_1330 = arith.subi %sign3A_1326, %sign3A_1329 : i32
        %ne3A_1331 = arith.cmpi ne, %sign3A_1323, %sign3A_1330 : i32
        %rem3A_1332 = arith.remsi %squeeze3A_1314, %jit3A_1315 : i32
        %ne3A_1333 = arith.constant 0 : i32
        %ne3A_1334 = arith.cmpi ne, %rem3A_1332, %ne3A_1333 : i32
        %and3A_1335 = arith.andi %ne3A_1331, %ne3A_1334 : i1
        %sub3A_1336 = arith.constant 1 : i32
        %sub3A_1337 = arith.subi %div3A_1316, %sub3A_1336 : i32
        %select_n3A_1338 = arith.select %and3A_1335, %sub3A_1337, %div3A_1316 : i32
        %mul3A_1339 = arith.constant 16 : i32
        %mul3A_1340 = arith.muli %select_n3A_1338, %mul3A_1339 : i32
        %slice3A_1341 = vector.extract_strided_slice %get3A_1124 {offsets = [5], sizes = [1], strides = [1]} : vector<8xi32> to vector<1xi32>
        %squeeze3A_1342 = vector.extract %slice3A_1341[0] : i32 from vector<1xi32>
        %swap3A_1343 = arith.constant 5 : i32
        %swap3A_1344 = arith.index_cast %swap3A_1343 : i32 to index
        %swap3A_1345 = arith.index_cast %squeeze3A_1342 : i32 to index
        %swap3A_1346 = arith.index_cast %mul3A_1340 : i32 to index
        %swap3A_1347 = tpu.vector_load %arg10[%swap3A_1344, %swap3A_1345, %swap3A_1346] {strides = array<i32>} : memref<8x8x640xf32, #tpu.memory_space<vmem>>, vector<1x1x16xf32>,
        %swap3A_1348 = vector.shape_cast %swap3A_1347 : vector<1x1x16xf32> to vector<16xf32>
        %swap3A_1349 = vector.shape_cast %broadcast_in_dim3A_37 : vector<16xf32> to vector<1x1x16xf32>
        tpu.vector_store %arg10[%swap3A_1344, %swap3A_1345, %swap3A_1346], %swap3A_1349 {strides = array<i32>} : memref<8x8x640xf32, #tpu.memory_space<vmem>>, vector<1x1x16xf32>,
        %slice3A_1350 = vector.extract_strided_slice %get3A_1127 {offsets = [6], sizes = [1], strides = [1]} : vector<8xi32> to vector<1xi32>
        %squeeze3A_1351 = vector.extract %slice3A_1350[0] : i32 from vector<1xi32>
        %jit3A_1352 = arith.constant 16 : i32
        %div3A_1353 = arith.divsi %squeeze3A_1351, %jit3A_1352 : i32
        %sign3A_1354 = arith.constant 0 : i32
        %sign3A_1355 = arith.cmpi sgt, %squeeze3A_1351, %sign3A_1354 : i32
        %sign3A_1356 = arith.extui %sign3A_1355 : i1 to i32
        %sign3A_1357 = arith.constant 0 : i32
        %sign3A_1358 = arith.cmpi slt, %squeeze3A_1351, %sign3A_1357 : i32
        %sign3A_1359 = arith.extui %sign3A_1358 : i1 to i32
        %sign3A_1360 = arith.subi %sign3A_1356, %sign3A_1359 : i32
        %sign3A_1361 = arith.constant 0 : i32
        %sign3A_1362 = arith.cmpi sgt, %jit3A_1352, %sign3A_1361 : i32
        %sign3A_1363 = arith.extui %sign3A_1362 : i1 to i32
        %sign3A_1364 = arith.constant 0 : i32
        %sign3A_1365 = arith.cmpi slt, %jit3A_1352, %sign3A_1364 : i32
        %sign3A_1366 = arith.extui %sign3A_1365 : i1 to i32
        %sign3A_1367 = arith.subi %sign3A_1363, %sign3A_1366 : i32
        %ne3A_1368 = arith.cmpi ne, %sign3A_1360, %sign3A_1367 : i32
        %rem3A_1369 = arith.remsi %squeeze3A_1351, %jit3A_1352 : i32
        %ne3A_1370 = arith.constant 0 : i32
        %ne3A_1371 = arith.cmpi ne, %rem3A_1369, %ne3A_1370 : i32
        %and3A_1372 = arith.andi %ne3A_1368, %ne3A_1371 : i1
        %sub3A_1373 = arith.constant 1 : i32
        %sub3A_1374 = arith.subi %div3A_1353, %sub3A_1373 : i32
        %select_n3A_1375 = arith.select %and3A_1372, %sub3A_1374, %div3A_1353 : i32
        %mul3A_1376 = arith.constant 16 : i32
        %mul3A_1377 = arith.muli %select_n3A_1375, %mul3A_1376 : i32
        %slice3A_1378 = vector.extract_strided_slice %get3A_1124 {offsets = [6], sizes = [1], strides = [1]} : vector<8xi32> to vector<1xi32>
        %squeeze3A_1379 = vector.extract %slice3A_1378[0] : i32 from vector<1xi32>
        %swap3A_1380 = arith.constant 6 : i32
        %swap3A_1381 = arith.index_cast %swap3A_1380 : i32 to index
        %swap3A_1382 = arith.index_cast %squeeze3A_1379 : i32 to index
        %swap3A_1383 = arith.index_cast %mul3A_1377 : i32 to index
        %swap3A_1384 = tpu.vector_load %arg10[%swap3A_1381, %swap3A_1382, %swap3A_1383] {strides = array<i32>} : memref<8x8x640xf32, #tpu.memory_space<vmem>>, vector<1x1x16xf32>,
        %swap3A_1385 = vector.shape_cast %swap3A_1384 : vector<1x1x16xf32> to vector<16xf32>
        %swap3A_1386 = vector.shape_cast %broadcast_in_dim3A_37 : vector<16xf32> to vector<1x1x16xf32>
        tpu.vector_store %arg10[%swap3A_1381, %swap3A_1382, %swap3A_1383], %swap3A_1386 {strides = array<i32>} : memref<8x8x640xf32, #tpu.memory_space<vmem>>, vector<1x1x16xf32>,
        %slice3A_1387 = vector.extract_strided_slice %get3A_1127 {offsets = [7], sizes = [1], strides = [1]} : vector<8xi32> to vector<1xi32>
        %squeeze3A_1388 = vector.extract %slice3A_1387[0] : i32 from vector<1xi32>
        %jit3A_1389 = arith.constant 16 : i32
        %div3A_1390 = arith.divsi %squeeze3A_1388, %jit3A_1389 : i32
        %sign3A_1391 = arith.constant 0 : i32
        %sign3A_1392 = arith.cmpi sgt, %squeeze3A_1388, %sign3A_1391 : i32
        %sign3A_1393 = arith.extui %sign3A_1392 : i1 to i32
        %sign3A_1394 = arith.constant 0 : i32
        %sign3A_1395 = arith.cmpi slt, %squeeze3A_1388, %sign3A_1394 : i32
        %sign3A_1396 = arith.extui %sign3A_1395 : i1 to i32
        %sign3A_1397 = arith.subi %sign3A_1393, %sign3A_1396 : i32
        %sign3A_1398 = arith.constant 0 : i32
        %sign3A_1399 = arith.cmpi sgt, %jit3A_1389, %sign3A_1398 : i32
        %sign3A_1400 = arith.extui %sign3A_1399 : i1 to i32
        %sign3A_1401 = arith.constant 0 : i32
        %sign3A_1402 = arith.cmpi slt, %jit3A_1389, %sign3A_1401 : i32
        %sign3A_1403 = arith.extui %sign3A_1402 : i1 to i32
        %sign3A_1404 = arith.subi %sign3A_1400, %sign3A_1403 : i32
        %ne3A_1405 = arith.cmpi ne, %sign3A_1397, %sign3A_1404 : i32
        %rem3A_1406 = arith.remsi %squeeze3A_1388, %jit3A_1389 : i32
        %ne3A_1407 = arith.constant 0 : i32
        %ne3A_1408 = arith.cmpi ne, %rem3A_1406, %ne3A_1407 : i32
        %and3A_1409 = arith.andi %ne3A_1405, %ne3A_1408 : i1
        %sub3A_1410 = arith.constant 1 : i32
        %sub3A_1411 = arith.subi %div3A_1390, %sub3A_1410 : i32
        %select_n3A_1412 = arith.select %and3A_1409, %sub3A_1411, %div3A_1390 : i32
        %mul3A_1413 = arith.constant 16 : i32
        %mul3A_1414 = arith.muli %select_n3A_1412, %mul3A_1413 : i32
        %slice3A_1415 = vector.extract_strided_slice %get3A_1124 {offsets = [7], sizes = [1], strides = [1]} : vector<8xi32> to vector<1xi32>
        %squeeze3A_1416 = vector.extract %slice3A_1415[0] : i32 from vector<1xi32>
        %swap3A_1417 = arith.constant 7 : i32
        %swap3A_1418 = arith.index_cast %swap3A_1417 : i32 to index
        %swap3A_1419 = arith.index_cast %squeeze3A_1416 : i32 to index
        %swap3A_1420 = arith.index_cast %mul3A_1414 : i32 to index
        %swap3A_1421 = tpu.vector_load %arg10[%swap3A_1418, %swap3A_1419, %swap3A_1420] {strides = array<i32>} : memref<8x8x640xf32, #tpu.memory_space<vmem>>, vector<1x1x16xf32>,
        %swap3A_1422 = vector.shape_cast %swap3A_1421 : vector<1x1x16xf32> to vector<16xf32>
        %swap3A_1423 = vector.shape_cast %broadcast_in_dim3A_37 : vector<16xf32> to vector<1x1x16xf32>
        tpu.vector_store %arg10[%swap3A_1418, %swap3A_1419, %swap3A_1420], %swap3A_1423 {strides = array<i32>} : memref<8x8x640xf32, #tpu.memory_space<vmem>>, vector<1x1x16xf32>,
      } else {
      }
      %mul3A_68 = arith.constant 8 : i32
      %mul3A_69 = arith.muli %mul3A_61, %mul3A_68 : i32
      %get3A = arith.index_cast %mul3A_69 : i32 to index
      %get3A_70 = tpu.vector_load %arg7[%get3A] {strides = array<i32>} : memref<128xi32, #tpu.memory_space<vmem>>, vector<8xi32>,
      %get3A_71 = vector.shape_cast %get3A_70 : vector<8xi32> to vector<8xi32>
      %get3A_72 = arith.index_cast %mul3A_69 : i32 to index
      %get3A_73 = tpu.vector_load %arg8[%get3A_72] {strides = array<i32>} : memref<128xi32, #tpu.memory_space<vmem>>, vector<8xi32>,
      %get3A_74 = vector.shape_cast %get3A_73 : vector<8xi32> to vector<8xi32>
      %get3A_75 = arith.index_cast %mul3A_69 : i32 to index
      %get3A_76 = tpu.vector_load %arg9[%get3A_75] {strides = array<i32>} : memref<128xf32, #tpu.memory_space<vmem>>, vector<8xf32>,
      %get3A_77 = vector.shape_cast %get3A_76 : vector<8xf32> to vector<8xf32>
      %slice3A = vector.extract_strided_slice %get3A_74 {offsets = [0], sizes = [1], strides = [1]} : vector<8xi32> to vector<1xi32>
      %squeeze3A = vector.extract %slice3A[0] : i32 from vector<1xi32>
      %jit3A = arith.constant 16 : i32
      %div3A = arith.divsi %squeeze3A, %jit3A : i32
      %sign3A = arith.constant 0 : i32
      %sign3A_78 = arith.cmpi sgt, %squeeze3A, %sign3A : i32
      %sign3A_79 = arith.extui %sign3A_78 : i1 to i32
      %sign3A_80 = arith.constant 0 : i32
      %sign3A_81 = arith.cmpi slt, %squeeze3A, %sign3A_80 : i32
      %sign3A_82 = arith.extui %sign3A_81 : i1 to i32
      %sign3A_83 = arith.subi %sign3A_79, %sign3A_82 : i32
      %sign3A_84 = arith.constant 0 : i32
      %sign3A_85 = arith.cmpi sgt, %jit3A, %sign3A_84 : i32
      %sign3A_86 = arith.extui %sign3A_85 : i1 to i32
      %sign3A_87 = arith.constant 0 : i32
      %sign3A_88 = arith.cmpi slt, %jit3A, %sign3A_87 : i32
      %sign3A_89 = arith.extui %sign3A_88 : i1 to i32
      %sign3A_90 = arith.subi %sign3A_86, %sign3A_89 : i32
      %ne3A = arith.cmpi ne, %sign3A_83, %sign3A_90 : i32
      %rem3A = arith.remsi %squeeze3A, %jit3A : i32
      %ne3A_91 = arith.constant 0 : i32
      %ne3A_92 = arith.cmpi ne, %rem3A, %ne3A_91 : i32
      %and3A = arith.andi %ne3A, %ne3A_92 : i1
      %sub3A = arith.constant 1 : i32
      %sub3A_93 = arith.subi %div3A, %sub3A : i32
      %select_n3A = arith.select %and3A, %sub3A_93, %div3A : i32
      %mul3A_94 = arith.constant 16 : i32
      %mul3A_95 = arith.muli %select_n3A, %mul3A_94 : i32
      %slice3A_96 = vector.extract_strided_slice %get3A_74 {offsets = [0], sizes = [1], strides = [1]} : vector<8xi32> to vector<1xi32>
      %squeeze3A_97 = vector.extract %slice3A_96[0] : i32 from vector<1xi32>
      %jit3A_98 = arith.constant 16 : i32
      %eq3A = arith.constant 0 : i32
      %eq3A_99 = arith.cmpi eq, %jit3A_98, %eq3A : i32
      %jit3A_100 = arith.constant 1 : i32
      %select_n3A_101 = arith.select %eq3A_99, %jit3A_100, %jit3A_98 : i32
      %rem3A_102 = arith.remsi %squeeze3A_97, %select_n3A_101 : i32
      %ne3A_103 = arith.constant 0 : i32
      %ne3A_104 = arith.cmpi ne, %rem3A_102, %ne3A_103 : i32
      %lt3A = arith.constant 0 : i32
      %lt3A_105 = arith.cmpi slt, %rem3A_102, %lt3A : i32
      %lt3A_106 = arith.constant 0 : i32
      %lt3A_107 = arith.cmpi slt, %select_n3A_101, %lt3A_106 : i32
      %ne3A_108 = arith.xori %lt3A_105, %lt3A_107 : i1
      %and3A_109 = arith.andi %ne3A_108, %ne3A_104 : i1
      %add3A_110 = arith.addi %rem3A_102, %select_n3A_101 : i32
      %select_n3A_111 = arith.select %and3A_109, %add3A_110, %rem3A_102 : i32
      %eq3A_112 = vector.broadcast %select_n3A_111 : i32 to vector<16xi32>
      %eq3A_113 = arith.cmpi eq, %iota3A, %eq3A_112 : vector<16xi32>
      %slice3A_114 = vector.extract_strided_slice %get3A_77 {offsets = [0], sizes = [1], strides = [1]} : vector<8xf32> to vector<1xf32>
      %squeeze3A_115 = vector.extract %slice3A_114[0] : f32 from vector<1xf32>
      %jit3A_116 = arith.constant 0.000000e+00 : f32
      %broadcast_in_dim3A_117 = vector.broadcast %squeeze3A_115 : f32 to vector<16xf32>
      %broadcast_in_dim3A_118 = vector.broadcast %jit3A_116 : f32 to vector<16xf32>
      %select_n3A_119 = arith.select %eq3A_113, %broadcast_in_dim3A_117, %broadcast_in_dim3A_118 : vector<16xi1>, vector<16xf32>
      %slice3A_120 = vector.extract_strided_slice %get3A_71 {offsets = [0], sizes = [1], strides = [1]} : vector<8xi32> to vector<1xi32>
      %squeeze3A_121 = vector.extract %slice3A_120[0] : i32 from vector<1xi32>
      %swap3A = arith.constant 0 : i32
      %swap3A_122 = arith.index_cast %swap3A : i32 to index
      %swap3A_123 = arith.index_cast %squeeze3A_121 : i32 to index
      %swap3A_124 = arith.index_cast %mul3A_95 : i32 to index
      %swap3A_125 = tpu.vector_load %arg10[%swap3A_122, %swap3A_123, %swap3A_124] {strides = array<i32>} : memref<8x8x640xf32, #tpu.memory_space<vmem>>, vector<1x1x16xf32>,
      %swap3A_126 = vector.shape_cast %swap3A_125 : vector<1x1x16xf32> to vector<16xf32>
      %swap3A_127 = vector.shape_cast %select_n3A_119 : vector<16xf32> to vector<1x1x16xf32>
      tpu.vector_store %arg10[%swap3A_122, %swap3A_123, %swap3A_124], %swap3A_127 {strides = array<i32>} : memref<8x8x640xf32, #tpu.memory_space<vmem>>, vector<1x1x16xf32>,
      %slice3A_128 = vector.extract_strided_slice %get3A_74 {offsets = [1], sizes = [1], strides = [1]} : vector<8xi32> to vector<1xi32>
      %squeeze3A_129 = vector.extract %slice3A_128[0] : i32 from vector<1xi32>
      %jit3A_130 = arith.constant 16 : i32
      %div3A_131 = arith.divsi %squeeze3A_129, %jit3A_130 : i32
      %sign3A_132 = arith.constant 0 : i32
      %sign3A_133 = arith.cmpi sgt, %squeeze3A_129, %sign3A_132 : i32
      %sign3A_134 = arith.extui %sign3A_133 : i1 to i32
      %sign3A_135 = arith.constant 0 : i32
      %sign3A_136 = arith.cmpi slt, %squeeze3A_129, %sign3A_135 : i32
      %sign3A_137 = arith.extui %sign3A_136 : i1 to i32
      %sign3A_138 = arith.subi %sign3A_134, %sign3A_137 : i32
      %sign3A_139 = arith.constant 0 : i32
      %sign3A_140 = arith.cmpi sgt, %jit3A_130, %sign3A_139 : i32
      %sign3A_141 = arith.extui %sign3A_140 : i1 to i32
      %sign3A_142 = arith.constant 0 : i32
      %sign3A_143 = arith.cmpi slt, %jit3A_130, %sign3A_142 : i32
      %sign3A_144 = arith.extui %sign3A_143 : i1 to i32
      %sign3A_145 = arith.subi %sign3A_141, %sign3A_144 : i32
      %ne3A_146 = arith.cmpi ne, %sign3A_138, %sign3A_145 : i32
      %rem3A_147 = arith.remsi %squeeze3A_129, %jit3A_130 : i32
      %ne3A_148 = arith.constant 0 : i32
      %ne3A_149 = arith.cmpi ne, %rem3A_147, %ne3A_148 : i32
      %and3A_150 = arith.andi %ne3A_146, %ne3A_149 : i1
      %sub3A_151 = arith.constant 1 : i32
      %sub3A_152 = arith.subi %div3A_131, %sub3A_151 : i32
      %select_n3A_153 = arith.select %and3A_150, %sub3A_152, %div3A_131 : i32
      %mul3A_154 = arith.constant 16 : i32
      %mul3A_155 = arith.muli %select_n3A_153, %mul3A_154 : i32
      %slice3A_156 = vector.extract_strided_slice %get3A_74 {offsets = [1], sizes = [1], strides = [1]} : vector<8xi32> to vector<1xi32>
      %squeeze3A_157 = vector.extract %slice3A_156[0] : i32 from vector<1xi32>
      %jit3A_158 = arith.constant 16 : i32
      %eq3A_159 = arith.constant 0 : i32
      %eq3A_160 = arith.cmpi eq, %jit3A_158, %eq3A_159 : i32
      %jit3A_161 = arith.constant 1 : i32
      %select_n3A_162 = arith.select %eq3A_160, %jit3A_161, %jit3A_158 : i32
      %rem3A_163 = arith.remsi %squeeze3A_157, %select_n3A_162 : i32
      %ne3A_164 = arith.constant 0 : i32
      %ne3A_165 = arith.cmpi ne, %rem3A_163, %ne3A_164 : i32
      %lt3A_166 = arith.constant 0 : i32
      %lt3A_167 = arith.cmpi slt, %rem3A_163, %lt3A_166 : i32
      %lt3A_168 = arith.constant 0 : i32
      %lt3A_169 = arith.cmpi slt, %select_n3A_162, %lt3A_168 : i32
      %ne3A_170 = arith.xori %lt3A_167, %lt3A_169 : i1
      %and3A_171 = arith.andi %ne3A_170, %ne3A_165 : i1
      %add3A_172 = arith.addi %rem3A_163, %select_n3A_162 : i32
      %select_n3A_173 = arith.select %and3A_171, %add3A_172, %rem3A_163 : i32
      %eq3A_174 = vector.broadcast %select_n3A_173 : i32 to vector<16xi32>
      %eq3A_175 = arith.cmpi eq, %iota3A, %eq3A_174 : vector<16xi32>
      %slice3A_176 = vector.extract_strided_slice %get3A_77 {offsets = [1], sizes = [1], strides = [1]} : vector<8xf32> to vector<1xf32>
      %squeeze3A_177 = vector.extract %slice3A_176[0] : f32 from vector<1xf32>
      %jit3A_178 = arith.constant 0.000000e+00 : f32
      %broadcast_in_dim3A_179 = vector.broadcast %squeeze3A_177 : f32 to vector<16xf32>
      %broadcast_in_dim3A_180 = vector.broadcast %jit3A_178 : f32 to vector<16xf32>
      %select_n3A_181 = arith.select %eq3A_175, %broadcast_in_dim3A_179, %broadcast_in_dim3A_180 : vector<16xi1>, vector<16xf32>
      %slice3A_182 = vector.extract_strided_slice %get3A_71 {offsets = [1], sizes = [1], strides = [1]} : vector<8xi32> to vector<1xi32>
      %squeeze3A_183 = vector.extract %slice3A_182[0] : i32 from vector<1xi32>
      %swap3A_184 = arith.constant 1 : i32
      %swap3A_185 = arith.index_cast %swap3A_184 : i32 to index
      %swap3A_186 = arith.index_cast %squeeze3A_183 : i32 to index
      %swap3A_187 = arith.index_cast %mul3A_155 : i32 to index
      %swap3A_188 = tpu.vector_load %arg10[%swap3A_185, %swap3A_186, %swap3A_187] {strides = array<i32>} : memref<8x8x640xf32, #tpu.memory_space<vmem>>, vector<1x1x16xf32>,
      %swap3A_189 = vector.shape_cast %swap3A_188 : vector<1x1x16xf32> to vector<16xf32>
      %swap3A_190 = vector.shape_cast %select_n3A_181 : vector<16xf32> to vector<1x1x16xf32>
      tpu.vector_store %arg10[%swap3A_185, %swap3A_186, %swap3A_187], %swap3A_190 {strides = array<i32>} : memref<8x8x640xf32, #tpu.memory_space<vmem>>, vector<1x1x16xf32>,
      %slice3A_191 = vector.extract_strided_slice %get3A_74 {offsets = [2], sizes = [1], strides = [1]} : vector<8xi32> to vector<1xi32>
      %squeeze3A_192 = vector.extract %slice3A_191[0] : i32 from vector<1xi32>
      %jit3A_193 = arith.constant 16 : i32
      %div3A_194 = arith.divsi %squeeze3A_192, %jit3A_193 : i32
      %sign3A_195 = arith.constant 0 : i32
      %sign3A_196 = arith.cmpi sgt, %squeeze3A_192, %sign3A_195 : i32
      %sign3A_197 = arith.extui %sign3A_196 : i1 to i32
      %sign3A_198 = arith.constant 0 : i32
      %sign3A_199 = arith.cmpi slt, %squeeze3A_192, %sign3A_198 : i32
      %sign3A_200 = arith.extui %sign3A_199 : i1 to i32
      %sign3A_201 = arith.subi %sign3A_197, %sign3A_200 : i32
      %sign3A_202 = arith.constant 0 : i32
      %sign3A_203 = arith.cmpi sgt, %jit3A_193, %sign3A_202 : i32
      %sign3A_204 = arith.extui %sign3A_203 : i1 to i32
      %sign3A_205 = arith.constant 0 : i32
      %sign3A_206 = arith.cmpi slt, %jit3A_193, %sign3A_205 : i32
      %sign3A_207 = arith.extui %sign3A_206 : i1 to i32
      %sign3A_208 = arith.subi %sign3A_204, %sign3A_207 : i32
      %ne3A_209 = arith.cmpi ne, %sign3A_201, %sign3A_208 : i32
      %rem3A_210 = arith.remsi %squeeze3A_192, %jit3A_193 : i32
      %ne3A_211 = arith.constant 0 : i32
      %ne3A_212 = arith.cmpi ne, %rem3A_210, %ne3A_211 : i32
      %and3A_213 = arith.andi %ne3A_209, %ne3A_212 : i1
      %sub3A_214 = arith.constant 1 : i32
      %sub3A_215 = arith.subi %div3A_194, %sub3A_214 : i32
      %select_n3A_216 = arith.select %and3A_213, %sub3A_215, %div3A_194 : i32
      %mul3A_217 = arith.constant 16 : i32
      %mul3A_218 = arith.muli %select_n3A_216, %mul3A_217 : i32
      %slice3A_219 = vector.extract_strided_slice %get3A_74 {offsets = [2], sizes = [1], strides = [1]} : vector<8xi32> to vector<1xi32>
      %squeeze3A_220 = vector.extract %slice3A_219[0] : i32 from vector<1xi32>
      %jit3A_221 = arith.constant 16 : i32
      %eq3A_222 = arith.constant 0 : i32
      %eq3A_223 = arith.cmpi eq, %jit3A_221, %eq3A_222 : i32
      %jit3A_224 = arith.constant 1 : i32
      %select_n3A_225 = arith.select %eq3A_223, %jit3A_224, %jit3A_221 : i32
      %rem3A_226 = arith.remsi %squeeze3A_220, %select_n3A_225 : i32
      %ne3A_227 = arith.constant 0 : i32
      %ne3A_228 = arith.cmpi ne, %rem3A_226, %ne3A_227 : i32
      %lt3A_229 = arith.constant 0 : i32
      %lt3A_230 = arith.cmpi slt, %rem3A_226, %lt3A_229 : i32
      %lt3A_231 = arith.constant 0 : i32
      %lt3A_232 = arith.cmpi slt, %select_n3A_225, %lt3A_231 : i32
      %ne3A_233 = arith.xori %lt3A_230, %lt3A_232 : i1
      %and3A_234 = arith.andi %ne3A_233, %ne3A_228 : i1
      %add3A_235 = arith.addi %rem3A_226, %select_n3A_225 : i32
      %select_n3A_236 = arith.select %and3A_234, %add3A_235, %rem3A_226 : i32
      %eq3A_237 = vector.broadcast %select_n3A_236 : i32 to vector<16xi32>
      %eq3A_238 = arith.cmpi eq, %iota3A, %eq3A_237 : vector<16xi32>
      %slice3A_239 = vector.extract_strided_slice %get3A_77 {offsets = [2], sizes = [1], strides = [1]} : vector<8xf32> to vector<1xf32>
      %squeeze3A_240 = vector.extract %slice3A_239[0] : f32 from vector<1xf32>
      %jit3A_241 = arith.constant 0.000000e+00 : f32
      %broadcast_in_dim3A_242 = vector.broadcast %squeeze3A_240 : f32 to vector<16xf32>
      %broadcast_in_dim3A_243 = vector.broadcast %jit3A_241 : f32 to vector<16xf32>
      %select_n3A_244 = arith.select %eq3A_238, %broadcast_in_dim3A_242, %broadcast_in_dim3A_243 : vector<16xi1>, vector<16xf32>
      %slice3A_245 = vector.extract_strided_slice %get3A_71 {offsets = [2], sizes = [1], strides = [1]} : vector<8xi32> to vector<1xi32>
      %squeeze3A_246 = vector.extract %slice3A_245[0] : i32 from vector<1xi32>
      %swap3A_247 = arith.constant 2 : i32
      %swap3A_248 = arith.index_cast %swap3A_247 : i32 to index
      %swap3A_249 = arith.index_cast %squeeze3A_246 : i32 to index
      %swap3A_250 = arith.index_cast %mul3A_218 : i32 to index
      %swap3A_251 = tpu.vector_load %arg10[%swap3A_248, %swap3A_249, %swap3A_250] {strides = array<i32>} : memref<8x8x640xf32, #tpu.memory_space<vmem>>, vector<1x1x16xf32>,
      %swap3A_252 = vector.shape_cast %swap3A_251 : vector<1x1x16xf32> to vector<16xf32>
      %swap3A_253 = vector.shape_cast %select_n3A_244 : vector<16xf32> to vector<1x1x16xf32>
      tpu.vector_store %arg10[%swap3A_248, %swap3A_249, %swap3A_250], %swap3A_253 {strides = array<i32>} : memref<8x8x640xf32, #tpu.memory_space<vmem>>, vector<1x1x16xf32>,
      %slice3A_254 = vector.extract_strided_slice %get3A_74 {offsets = [3], sizes = [1], strides = [1]} : vector<8xi32> to vector<1xi32>
      %squeeze3A_255 = vector.extract %slice3A_254[0] : i32 from vector<1xi32>
      %jit3A_256 = arith.constant 16 : i32
      %div3A_257 = arith.divsi %squeeze3A_255, %jit3A_256 : i32
      %sign3A_258 = arith.constant 0 : i32
      %sign3A_259 = arith.cmpi sgt, %squeeze3A_255, %sign3A_258 : i32
      %sign3A_260 = arith.extui %sign3A_259 : i1 to i32
      %sign3A_261 = arith.constant 0 : i32
      %sign3A_262 = arith.cmpi slt, %squeeze3A_255, %sign3A_261 : i32
      %sign3A_263 = arith.extui %sign3A_262 : i1 to i32
      %sign3A_264 = arith.subi %sign3A_260, %sign3A_263 : i32
      %sign3A_265 = arith.constant 0 : i32
      %sign3A_266 = arith.cmpi sgt, %jit3A_256, %sign3A_265 : i32
      %sign3A_267 = arith.extui %sign3A_266 : i1 to i32
      %sign3A_268 = arith.constant 0 : i32
      %sign3A_269 = arith.cmpi slt, %jit3A_256, %sign3A_268 : i32
      %sign3A_270 = arith.extui %sign3A_269 : i1 to i32
      %sign3A_271 = arith.subi %sign3A_267, %sign3A_270 : i32
      %ne3A_272 = arith.cmpi ne, %sign3A_264, %sign3A_271 : i32
      %rem3A_273 = arith.remsi %squeeze3A_255, %jit3A_256 : i32
      %ne3A_274 = arith.constant 0 : i32
      %ne3A_275 = arith.cmpi ne, %rem3A_273, %ne3A_274 : i32
      %and3A_276 = arith.andi %ne3A_272, %ne3A_275 : i1
      %sub3A_277 = arith.constant 1 : i32
      %sub3A_278 = arith.subi %div3A_257, %sub3A_277 : i32
      %select_n3A_279 = arith.select %and3A_276, %sub3A_278, %div3A_257 : i32
      %mul3A_280 = arith.constant 16 : i32
      %mul3A_281 = arith.muli %select_n3A_279, %mul3A_280 : i32
      %slice3A_282 = vector.extract_strided_slice %get3A_74 {offsets = [3], sizes = [1], strides = [1]} : vector<8xi32> to vector<1xi32>
      %squeeze3A_283 = vector.extract %slice3A_282[0] : i32 from vector<1xi32>
      %jit3A_284 = arith.constant 16 : i32
      %eq3A_285 = arith.constant 0 : i32
      %eq3A_286 = arith.cmpi eq, %jit3A_284, %eq3A_285 : i32
      %jit3A_287 = arith.constant 1 : i32
      %select_n3A_288 = arith.select %eq3A_286, %jit3A_287, %jit3A_284 : i32
      %rem3A_289 = arith.remsi %squeeze3A_283, %select_n3A_288 : i32
      %ne3A_290 = arith.constant 0 : i32
      %ne3A_291 = arith.cmpi ne, %rem3A_289, %ne3A_290 : i32
      %lt3A_292 = arith.constant 0 : i32
      %lt3A_293 = arith.cmpi slt, %rem3A_289, %lt3A_292 : i32
      %lt3A_294 = arith.constant 0 : i32
      %lt3A_295 = arith.cmpi slt, %select_n3A_288, %lt3A_294 : i32
      %ne3A_296 = arith.xori %lt3A_293, %lt3A_295 : i1
      %and3A_297 = arith.andi %ne3A_296, %ne3A_291 : i1
      %add3A_298 = arith.addi %rem3A_289, %select_n3A_288 : i32
      %select_n3A_299 = arith.select %and3A_297, %add3A_298, %rem3A_289 : i32
      %eq3A_300 = vector.broadcast %select_n3A_299 : i32 to vector<16xi32>
      %eq3A_301 = arith.cmpi eq, %iota3A, %eq3A_300 : vector<16xi32>
      %slice3A_302 = vector.extract_strided_slice %get3A_77 {offsets = [3], sizes = [1], strides = [1]} : vector<8xf32> to vector<1xf32>
      %squeeze3A_303 = vector.extract %slice3A_302[0] : f32 from vector<1xf32>
      %jit3A_304 = arith.constant 0.000000e+00 : f32
      %broadcast_in_dim3A_305 = vector.broadcast %squeeze3A_303 : f32 to vector<16xf32>
      %broadcast_in_dim3A_306 = vector.broadcast %jit3A_304 : f32 to vector<16xf32>
      %select_n3A_307 = arith.select %eq3A_301, %broadcast_in_dim3A_305, %broadcast_in_dim3A_306 : vector<16xi1>, vector<16xf32>
      %slice3A_308 = vector.extract_strided_slice %get3A_71 {offsets = [3], sizes = [1], strides = [1]} : vector<8xi32> to vector<1xi32>
      %squeeze3A_309 = vector.extract %slice3A_308[0] : i32 from vector<1xi32>
      %swap3A_310 = arith.constant 3 : i32
      %swap3A_311 = arith.index_cast %swap3A_310 : i32 to index
      %swap3A_312 = arith.index_cast %squeeze3A_309 : i32 to index
      %swap3A_313 = arith.index_cast %mul3A_281 : i32 to index
      %swap3A_314 = tpu.vector_load %arg10[%swap3A_311, %swap3A_312, %swap3A_313] {strides = array<i32>} : memref<8x8x640xf32, #tpu.memory_space<vmem>>, vector<1x1x16xf32>,
      %swap3A_315 = vector.shape_cast %swap3A_314 : vector<1x1x16xf32> to vector<16xf32>
      %swap3A_316 = vector.shape_cast %select_n3A_307 : vector<16xf32> to vector<1x1x16xf32>
      tpu.vector_store %arg10[%swap3A_311, %swap3A_312, %swap3A_313], %swap3A_316 {strides = array<i32>} : memref<8x8x640xf32, #tpu.memory_space<vmem>>, vector<1x1x16xf32>,
      %slice3A_317 = vector.extract_strided_slice %get3A_74 {offsets = [4], sizes = [1], strides = [1]} : vector<8xi32> to vector<1xi32>
      %squeeze3A_318 = vector.extract %slice3A_317[0] : i32 from vector<1xi32>
      %jit3A_319 = arith.constant 16 : i32
      %div3A_320 = arith.divsi %squeeze3A_318, %jit3A_319 : i32
      %sign3A_321 = arith.constant 0 : i32
      %sign3A_322 = arith.cmpi sgt, %squeeze3A_318, %sign3A_321 : i32
      %sign3A_323 = arith.extui %sign3A_322 : i1 to i32
      %sign3A_324 = arith.constant 0 : i32
      %sign3A_325 = arith.cmpi slt, %squeeze3A_318, %sign3A_324 : i32
      %sign3A_326 = arith.extui %sign3A_325 : i1 to i32
      %sign3A_327 = arith.subi %sign3A_323, %sign3A_326 : i32
      %sign3A_328 = arith.constant 0 : i32
      %sign3A_329 = arith.cmpi sgt, %jit3A_319, %sign3A_328 : i32
      %sign3A_330 = arith.extui %sign3A_329 : i1 to i32
      %sign3A_331 = arith.constant 0 : i32
      %sign3A_332 = arith.cmpi slt, %jit3A_319, %sign3A_331 : i32
      %sign3A_333 = arith.extui %sign3A_332 : i1 to i32
      %sign3A_334 = arith.subi %sign3A_330, %sign3A_333 : i32
      %ne3A_335 = arith.cmpi ne, %sign3A_327, %sign3A_334 : i32
      %rem3A_336 = arith.remsi %squeeze3A_318, %jit3A_319 : i32
      %ne3A_337 = arith.constant 0 : i32
      %ne3A_338 = arith.cmpi ne, %rem3A_336, %ne3A_337 : i32
      %and3A_339 = arith.andi %ne3A_335, %ne3A_338 : i1
      %sub3A_340 = arith.constant 1 : i32
      %sub3A_341 = arith.subi %div3A_320, %sub3A_340 : i32
      %select_n3A_342 = arith.select %and3A_339, %sub3A_341, %div3A_320 : i32
      %mul3A_343 = arith.constant 16 : i32
      %mul3A_344 = arith.muli %select_n3A_342, %mul3A_343 : i32
      %slice3A_345 = vector.extract_strided_slice %get3A_74 {offsets = [4], sizes = [1], strides = [1]} : vector<8xi32> to vector<1xi32>
      %squeeze3A_346 = vector.extract %slice3A_345[0] : i32 from vector<1xi32>
      %jit3A_347 = arith.constant 16 : i32
      %eq3A_348 = arith.constant 0 : i32
      %eq3A_349 = arith.cmpi eq, %jit3A_347, %eq3A_348 : i32
      %jit3A_350 = arith.constant 1 : i32
      %select_n3A_351 = arith.select %eq3A_349, %jit3A_350, %jit3A_347 : i32
      %rem3A_352 = arith.remsi %squeeze3A_346, %select_n3A_351 : i32
      %ne3A_353 = arith.constant 0 : i32
      %ne3A_354 = arith.cmpi ne, %rem3A_352, %ne3A_353 : i32
      %lt3A_355 = arith.constant 0 : i32
      %lt3A_356 = arith.cmpi slt, %rem3A_352, %lt3A_355 : i32
      %lt3A_357 = arith.constant 0 : i32
      %lt3A_358 = arith.cmpi slt, %select_n3A_351, %lt3A_357 : i32
      %ne3A_359 = arith.xori %lt3A_356, %lt3A_358 : i1
      %and3A_360 = arith.andi %ne3A_359, %ne3A_354 : i1
      %add3A_361 = arith.addi %rem3A_352, %select_n3A_351 : i32
      %select_n3A_362 = arith.select %and3A_360, %add3A_361, %rem3A_352 : i32
      %eq3A_363 = vector.broadcast %select_n3A_362 : i32 to vector<16xi32>
      %eq3A_364 = arith.cmpi eq, %iota3A, %eq3A_363 : vector<16xi32>
      %slice3A_365 = vector.extract_strided_slice %get3A_77 {offsets = [4], sizes = [1], strides = [1]} : vector<8xf32> to vector<1xf32>
      %squeeze3A_366 = vector.extract %slice3A_365[0] : f32 from vector<1xf32>
      %jit3A_367 = arith.constant 0.000000e+00 : f32
      %broadcast_in_dim3A_368 = vector.broadcast %squeeze3A_366 : f32 to vector<16xf32>
      %broadcast_in_dim3A_369 = vector.broadcast %jit3A_367 : f32 to vector<16xf32>
      %select_n3A_370 = arith.select %eq3A_364, %broadcast_in_dim3A_368, %broadcast_in_dim3A_369 : vector<16xi1>, vector<16xf32>
      %slice3A_371 = vector.extract_strided_slice %get3A_71 {offsets = [4], sizes = [1], strides = [1]} : vector<8xi32> to vector<1xi32>
      %squeeze3A_372 = vector.extract %slice3A_371[0] : i32 from vector<1xi32>
      %swap3A_373 = arith.constant 4 : i32
      %swap3A_374 = arith.index_cast %swap3A_373 : i32 to index
      %swap3A_375 = arith.index_cast %squeeze3A_372 : i32 to index
      %swap3A_376 = arith.index_cast %mul3A_344 : i32 to index
      %swap3A_377 = tpu.vector_load %arg10[%swap3A_374, %swap3A_375, %swap3A_376] {strides = array<i32>} : memref<8x8x640xf32, #tpu.memory_space<vmem>>, vector<1x1x16xf32>,
      %swap3A_378 = vector.shape_cast %swap3A_377 : vector<1x1x16xf32> to vector<16xf32>
      %swap3A_379 = vector.shape_cast %select_n3A_370 : vector<16xf32> to vector<1x1x16xf32>
      tpu.vector_store %arg10[%swap3A_374, %swap3A_375, %swap3A_376], %swap3A_379 {strides = array<i32>} : memref<8x8x640xf32, #tpu.memory_space<vmem>>, vector<1x1x16xf32>,
      %slice3A_380 = vector.extract_strided_slice %get3A_74 {offsets = [5], sizes = [1], strides = [1]} : vector<8xi32> to vector<1xi32>
      %squeeze3A_381 = vector.extract %slice3A_380[0] : i32 from vector<1xi32>
      %jit3A_382 = arith.constant 16 : i32
      %div3A_383 = arith.divsi %squeeze3A_381, %jit3A_382 : i32
      %sign3A_384 = arith.constant 0 : i32
      %sign3A_385 = arith.cmpi sgt, %squeeze3A_381, %sign3A_384 : i32
      %sign3A_386 = arith.extui %sign3A_385 : i1 to i32
      %sign3A_387 = arith.constant 0 : i32
      %sign3A_388 = arith.cmpi slt, %squeeze3A_381, %sign3A_387 : i32
      %sign3A_389 = arith.extui %sign3A_388 : i1 to i32
      %sign3A_390 = arith.subi %sign3A_386, %sign3A_389 : i32
      %sign3A_391 = arith.constant 0 : i32
      %sign3A_392 = arith.cmpi sgt, %jit3A_382, %sign3A_391 : i32
      %sign3A_393 = arith.extui %sign3A_392 : i1 to i32
      %sign3A_394 = arith.constant 0 : i32
      %sign3A_395 = arith.cmpi slt, %jit3A_382, %sign3A_394 : i32
      %sign3A_396 = arith.extui %sign3A_395 : i1 to i32
      %sign3A_397 = arith.subi %sign3A_393, %sign3A_396 : i32
      %ne3A_398 = arith.cmpi ne, %sign3A_390, %sign3A_397 : i32
      %rem3A_399 = arith.remsi %squeeze3A_381, %jit3A_382 : i32
      %ne3A_400 = arith.constant 0 : i32
      %ne3A_401 = arith.cmpi ne, %rem3A_399, %ne3A_400 : i32
      %and3A_402 = arith.andi %ne3A_398, %ne3A_401 : i1
      %sub3A_403 = arith.constant 1 : i32
      %sub3A_404 = arith.subi %div3A_383, %sub3A_403 : i32
      %select_n3A_405 = arith.select %and3A_402, %sub3A_404, %div3A_383 : i32
      %mul3A_406 = arith.constant 16 : i32
      %mul3A_407 = arith.muli %select_n3A_405, %mul3A_406 : i32
      %slice3A_408 = vector.extract_strided_slice %get3A_74 {offsets = [5], sizes = [1], strides = [1]} : vector<8xi32> to vector<1xi32>
      %squeeze3A_409 = vector.extract %slice3A_408[0] : i32 from vector<1xi32>
      %jit3A_410 = arith.constant 16 : i32
      %eq3A_411 = arith.constant 0 : i32
      %eq3A_412 = arith.cmpi eq, %jit3A_410, %eq3A_411 : i32
      %jit3A_413 = arith.constant 1 : i32
      %select_n3A_414 = arith.select %eq3A_412, %jit3A_413, %jit3A_410 : i32
      %rem3A_415 = arith.remsi %squeeze3A_409, %select_n3A_414 : i32
      %ne3A_416 = arith.constant 0 : i32
      %ne3A_417 = arith.cmpi ne, %rem3A_415, %ne3A_416 : i32
      %lt3A_418 = arith.constant 0 : i32
      %lt3A_419 = arith.cmpi slt, %rem3A_415, %lt3A_418 : i32
      %lt3A_420 = arith.constant 0 : i32
      %lt3A_421 = arith.cmpi slt, %select_n3A_414, %lt3A_420 : i32
      %ne3A_422 = arith.xori %lt3A_419, %lt3A_421 : i1
      %and3A_423 = arith.andi %ne3A_422, %ne3A_417 : i1
      %add3A_424 = arith.addi %rem3A_415, %select_n3A_414 : i32
      %select_n3A_425 = arith.select %and3A_423, %add3A_424, %rem3A_415 : i32
      %eq3A_426 = vector.broadcast %select_n3A_425 : i32 to vector<16xi32>
      %eq3A_427 = arith.cmpi eq, %iota3A, %eq3A_426 : vector<16xi32>
      %slice3A_428 = vector.extract_strided_slice %get3A_77 {offsets = [5], sizes = [1], strides = [1]} : vector<8xf32> to vector<1xf32>
      %squeeze3A_429 = vector.extract %slice3A_428[0] : f32 from vector<1xf32>
      %jit3A_430 = arith.constant 0.000000e+00 : f32
      %broadcast_in_dim3A_431 = vector.broadcast %squeeze3A_429 : f32 to vector<16xf32>
      %broadcast_in_dim3A_432 = vector.broadcast %jit3A_430 : f32 to vector<16xf32>
      %select_n3A_433 = arith.select %eq3A_427, %broadcast_in_dim3A_431, %broadcast_in_dim3A_432 : vector<16xi1>, vector<16xf32>
      %slice3A_434 = vector.extract_strided_slice %get3A_71 {offsets = [5], sizes = [1], strides = [1]} : vector<8xi32> to vector<1xi32>
      %squeeze3A_435 = vector.extract %slice3A_434[0] : i32 from vector<1xi32>
      %swap3A_436 = arith.constant 5 : i32
      %swap3A_437 = arith.index_cast %swap3A_436 : i32 to index
      %swap3A_438 = arith.index_cast %squeeze3A_435 : i32 to index
      %swap3A_439 = arith.index_cast %mul3A_407 : i32 to index
      %swap3A_440 = tpu.vector_load %arg10[%swap3A_437, %swap3A_438, %swap3A_439] {strides = array<i32>} : memref<8x8x640xf32, #tpu.memory_space<vmem>>, vector<1x1x16xf32>,
      %swap3A_441 = vector.shape_cast %swap3A_440 : vector<1x1x16xf32> to vector<16xf32>
      %swap3A_442 = vector.shape_cast %select_n3A_433 : vector<16xf32> to vector<1x1x16xf32>
      tpu.vector_store %arg10[%swap3A_437, %swap3A_438, %swap3A_439], %swap3A_442 {strides = array<i32>} : memref<8x8x640xf32, #tpu.memory_space<vmem>>, vector<1x1x16xf32>,
      %slice3A_443 = vector.extract_strided_slice %get3A_74 {offsets = [6], sizes = [1], strides = [1]} : vector<8xi32> to vector<1xi32>
      %squeeze3A_444 = vector.extract %slice3A_443[0] : i32 from vector<1xi32>
      %jit3A_445 = arith.constant 16 : i32
      %div3A_446 = arith.divsi %squeeze3A_444, %jit3A_445 : i32
      %sign3A_447 = arith.constant 0 : i32
      %sign3A_448 = arith.cmpi sgt, %squeeze3A_444, %sign3A_447 : i32
      %sign3A_449 = arith.extui %sign3A_448 : i1 to i32
      %sign3A_450 = arith.constant 0 : i32
      %sign3A_451 = arith.cmpi slt, %squeeze3A_444, %sign3A_450 : i32
      %sign3A_452 = arith.extui %sign3A_451 : i1 to i32
      %sign3A_453 = arith.subi %sign3A_449, %sign3A_452 : i32
      %sign3A_454 = arith.constant 0 : i32
      %sign3A_455 = arith.cmpi sgt, %jit3A_445, %sign3A_454 : i32
      %sign3A_456 = arith.extui %sign3A_455 : i1 to i32
      %sign3A_457 = arith.constant 0 : i32
      %sign3A_458 = arith.cmpi slt, %jit3A_445, %sign3A_457 : i32
      %sign3A_459 = arith.extui %sign3A_458 : i1 to i32
      %sign3A_460 = arith.subi %sign3A_456, %sign3A_459 : i32
      %ne3A_461 = arith.cmpi ne, %sign3A_453, %sign3A_460 : i32
      %rem3A_462 = arith.remsi %squeeze3A_444, %jit3A_445 : i32
      %ne3A_463 = arith.constant 0 : i32
      %ne3A_464 = arith.cmpi ne, %rem3A_462, %ne3A_463 : i32
      %and3A_465 = arith.andi %ne3A_461, %ne3A_464 : i1
      %sub3A_466 = arith.constant 1 : i32
      %sub3A_467 = arith.subi %div3A_446, %sub3A_466 : i32
      %select_n3A_468 = arith.select %and3A_465, %sub3A_467, %div3A_446 : i32
      %mul3A_469 = arith.constant 16 : i32
      %mul3A_470 = arith.muli %select_n3A_468, %mul3A_469 : i32
      %slice3A_471 = vector.extract_strided_slice %get3A_74 {offsets = [6], sizes = [1], strides = [1]} : vector<8xi32> to vector<1xi32>
      %squeeze3A_472 = vector.extract %slice3A_471[0] : i32 from vector<1xi32>
      %jit3A_473 = arith.constant 16 : i32
      %eq3A_474 = arith.constant 0 : i32
      %eq3A_475 = arith.cmpi eq, %jit3A_473, %eq3A_474 : i32
      %jit3A_476 = arith.constant 1 : i32
      %select_n3A_477 = arith.select %eq3A_475, %jit3A_476, %jit3A_473 : i32
      %rem3A_478 = arith.remsi %squeeze3A_472, %select_n3A_477 : i32
      %ne3A_479 = arith.constant 0 : i32
      %ne3A_480 = arith.cmpi ne, %rem3A_478, %ne3A_479 : i32
      %lt3A_481 = arith.constant 0 : i32
      %lt3A_482 = arith.cmpi slt, %rem3A_478, %lt3A_481 : i32
      %lt3A_483 = arith.constant 0 : i32
      %lt3A_484 = arith.cmpi slt, %select_n3A_477, %lt3A_483 : i32
      %ne3A_485 = arith.xori %lt3A_482, %lt3A_484 : i1
      %and3A_486 = arith.andi %ne3A_485, %ne3A_480 : i1
      %add3A_487 = arith.addi %rem3A_478, %select_n3A_477 : i32
      %select_n3A_488 = arith.select %and3A_486, %add3A_487, %rem3A_478 : i32
      %eq3A_489 = vector.broadcast %select_n3A_488 : i32 to vector<16xi32>
      %eq3A_490 = arith.cmpi eq, %iota3A, %eq3A_489 : vector<16xi32>
      %slice3A_491 = vector.extract_strided_slice %get3A_77 {offsets = [6], sizes = [1], strides = [1]} : vector<8xf32> to vector<1xf32>
      %squeeze3A_492 = vector.extract %slice3A_491[0] : f32 from vector<1xf32>
      %jit3A_493 = arith.constant 0.000000e+00 : f32
      %broadcast_in_dim3A_494 = vector.broadcast %squeeze3A_492 : f32 to vector<16xf32>
      %broadcast_in_dim3A_495 = vector.broadcast %jit3A_493 : f32 to vector<16xf32>
      %select_n3A_496 = arith.select %eq3A_490, %broadcast_in_dim3A_494, %broadcast_in_dim3A_495 : vector<16xi1>, vector<16xf32>
      %slice3A_497 = vector.extract_strided_slice %get3A_71 {offsets = [6], sizes = [1], strides = [1]} : vector<8xi32> to vector<1xi32>
      %squeeze3A_498 = vector.extract %slice3A_497[0] : i32 from vector<1xi32>
      %swap3A_499 = arith.constant 6 : i32
      %swap3A_500 = arith.index_cast %swap3A_499 : i32 to index
      %swap3A_501 = arith.index_cast %squeeze3A_498 : i32 to index
      %swap3A_502 = arith.index_cast %mul3A_470 : i32 to index
      %swap3A_503 = tpu.vector_load %arg10[%swap3A_500, %swap3A_501, %swap3A_502] {strides = array<i32>} : memref<8x8x640xf32, #tpu.memory_space<vmem>>, vector<1x1x16xf32>,
      %swap3A_504 = vector.shape_cast %swap3A_503 : vector<1x1x16xf32> to vector<16xf32>
      %swap3A_505 = vector.shape_cast %select_n3A_496 : vector<16xf32> to vector<1x1x16xf32>
      tpu.vector_store %arg10[%swap3A_500, %swap3A_501, %swap3A_502], %swap3A_505 {strides = array<i32>} : memref<8x8x640xf32, #tpu.memory_space<vmem>>, vector<1x1x16xf32>,
      %slice3A_506 = vector.extract_strided_slice %get3A_74 {offsets = [7], sizes = [1], strides = [1]} : vector<8xi32> to vector<1xi32>
      %squeeze3A_507 = vector.extract %slice3A_506[0] : i32 from vector<1xi32>
      %jit3A_508 = arith.constant 16 : i32
      %div3A_509 = arith.divsi %squeeze3A_507, %jit3A_508 : i32
      %sign3A_510 = arith.constant 0 : i32
      %sign3A_511 = arith.cmpi sgt, %squeeze3A_507, %sign3A_510 : i32
      %sign3A_512 = arith.extui %sign3A_511 : i1 to i32
      %sign3A_513 = arith.constant 0 : i32
      %sign3A_514 = arith.cmpi slt, %squeeze3A_507, %sign3A_513 : i32
      %sign3A_515 = arith.extui %sign3A_514 : i1 to i32
      %sign3A_516 = arith.subi %sign3A_512, %sign3A_515 : i32
      %sign3A_517 = arith.constant 0 : i32
      %sign3A_518 = arith.cmpi sgt, %jit3A_508, %sign3A_517 : i32
      %sign3A_519 = arith.extui %sign3A_518 : i1 to i32
      %sign3A_520 = arith.constant 0 : i32
      %sign3A_521 = arith.cmpi slt, %jit3A_508, %sign3A_520 : i32
      %sign3A_522 = arith.extui %sign3A_521 : i1 to i32
      %sign3A_523 = arith.subi %sign3A_519, %sign3A_522 : i32
      %ne3A_524 = arith.cmpi ne, %sign3A_516, %sign3A_523 : i32
      %rem3A_525 = arith.remsi %squeeze3A_507, %jit3A_508 : i32
      %ne3A_526 = arith.constant 0 : i32
      %ne3A_527 = arith.cmpi ne, %rem3A_525, %ne3A_526 : i32
      %and3A_528 = arith.andi %ne3A_524, %ne3A_527 : i1
      %sub3A_529 = arith.constant 1 : i32
      %sub3A_530 = arith.subi %div3A_509, %sub3A_529 : i32
      %select_n3A_531 = arith.select %and3A_528, %sub3A_530, %div3A_509 : i32
      %mul3A_532 = arith.constant 16 : i32
      %mul3A_533 = arith.muli %select_n3A_531, %mul3A_532 : i32
      %slice3A_534 = vector.extract_strided_slice %get3A_74 {offsets = [7], sizes = [1], strides = [1]} : vector<8xi32> to vector<1xi32>
      %squeeze3A_535 = vector.extract %slice3A_534[0] : i32 from vector<1xi32>
      %jit3A_536 = arith.constant 16 : i32
      %eq3A_537 = arith.constant 0 : i32
      %eq3A_538 = arith.cmpi eq, %jit3A_536, %eq3A_537 : i32
      %jit3A_539 = arith.constant 1 : i32
      %select_n3A_540 = arith.select %eq3A_538, %jit3A_539, %jit3A_536 : i32
      %rem3A_541 = arith.remsi %squeeze3A_535, %select_n3A_540 : i32
      %ne3A_542 = arith.constant 0 : i32
      %ne3A_543 = arith.cmpi ne, %rem3A_541, %ne3A_542 : i32
      %lt3A_544 = arith.constant 0 : i32
      %lt3A_545 = arith.cmpi slt, %rem3A_541, %lt3A_544 : i32
      %lt3A_546 = arith.constant 0 : i32
      %lt3A_547 = arith.cmpi slt, %select_n3A_540, %lt3A_546 : i32
      %ne3A_548 = arith.xori %lt3A_545, %lt3A_547 : i1
      %and3A_549 = arith.andi %ne3A_548, %ne3A_543 : i1
      %add3A_550 = arith.addi %rem3A_541, %select_n3A_540 : i32
      %select_n3A_551 = arith.select %and3A_549, %add3A_550, %rem3A_541 : i32
      %eq3A_552 = vector.broadcast %select_n3A_551 : i32 to vector<16xi32>
      %eq3A_553 = arith.cmpi eq, %iota3A, %eq3A_552 : vector<16xi32>
      %slice3A_554 = vector.extract_strided_slice %get3A_77 {offsets = [7], sizes = [1], strides = [1]} : vector<8xf32> to vector<1xf32>
      %squeeze3A_555 = vector.extract %slice3A_554[0] : f32 from vector<1xf32>
      %jit3A_556 = arith.constant 0.000000e+00 : f32
      %broadcast_in_dim3A_557 = vector.broadcast %squeeze3A_555 : f32 to vector<16xf32>
      %broadcast_in_dim3A_558 = vector.broadcast %jit3A_556 : f32 to vector<16xf32>
      %select_n3A_559 = arith.select %eq3A_553, %broadcast_in_dim3A_557, %broadcast_in_dim3A_558 : vector<16xi1>, vector<16xf32>
      %slice3A_560 = vector.extract_strided_slice %get3A_71 {offsets = [7], sizes = [1], strides = [1]} : vector<8xi32> to vector<1xi32>
      %squeeze3A_561 = vector.extract %slice3A_560[0] : i32 from vector<1xi32>
      %swap3A_562 = arith.constant 7 : i32
      %swap3A_563 = arith.index_cast %swap3A_562 : i32 to index
      %swap3A_564 = arith.index_cast %squeeze3A_561 : i32 to index
      %swap3A_565 = arith.index_cast %mul3A_533 : i32 to index
      %swap3A_566 = tpu.vector_load %arg10[%swap3A_563, %swap3A_564, %swap3A_565] {strides = array<i32>} : memref<8x8x640xf32, #tpu.memory_space<vmem>>, vector<1x1x16xf32>,
      %swap3A_567 = vector.shape_cast %swap3A_566 : vector<1x1x16xf32> to vector<16xf32>
      %swap3A_568 = vector.shape_cast %select_n3A_559 : vector<16xf32> to vector<1x1x16xf32>
      tpu.vector_store %arg10[%swap3A_563, %swap3A_564, %swap3A_565], %swap3A_568 {strides = array<i32>} : memref<8x8x640xf32, #tpu.memory_space<vmem>>, vector<1x1x16xf32>,
      %mul3A_569 = arith.constant 8 : i32
      %mul3A_570 = arith.muli %mul3A_61, %mul3A_569 : i32
      %add3A_571 = arith.addi %mul3A_2, %mul3A_570 : i32
      %dma_start3A_572 = arith.constant 0 : i32
      %dma_start3A_573 = arith.constant 0 : i32
      %dma_start3A_574 = tpu.memref_slice %arg6[%add3A_571, %dma_start3A_572, %dma_start3A_573] : memref<4096x8x640xf32, #tpu.memory_space<hbm>> -> memref<8x8x640xf32, #tpu.memory_space<hbm>>
      %dma_start3A_575 = arith.constant 0 : i32
      %dma_start3A_576 = arith.constant 0 : i32
      %dma_start3A_577 = tpu.memref_slice %arg6[%add3A_571, %dma_start3A_575, %dma_start3A_576] : memref<4096x8x640xf32, #tpu.memory_space<hbm>> -> memref<8x8x640xf32, #tpu.memory_space<hbm>>
      tpu.enqueue_dma source(%arg10 : memref<8x8x640xf32, #tpu.memory_space<vmem>>) target(%dma_start3A_577 : memref<8x8x640xf32, #tpu.memory_space<hbm>>) target_semaphore(%arg12 : memref<!tpu.dma_semaphore, #tpu.memory_space<semaphore_mem>>)
      %gt3A_578 = arith.constant 0 : i32
      %gt3A_579 = arith.cmpi sgt, %scan3A_59, %gt3A_578 : i32
      %convert_element_type3A_580 = arith.extui %gt3A_579 : i1 to i32
      %cond3A_581 = arith.constant 0 : i32
      %cond3A_582 = arith.cmpi ne, %convert_element_type3A_580, %cond3A_581 : i32
      scf.if %cond3A_582 {
        %sub3A_1107 = arith.constant 2 : i32
        %sub3A_1108 = arith.subi %add3A_65, %sub3A_1107 : i32
        %mul3A_1109 = arith.constant 8 : i32
        %mul3A_1110 = arith.muli %sub3A_1108, %mul3A_1109 : i32
        %add3A_1111 = arith.addi %mul3A_2, %mul3A_1110 : i32
        %dma_wait3A_1112 = arith.constant 0 : i32
        %dma_wait3A_1113 = arith.constant 0 : i32
        %dma_wait3A_1114 = tpu.memref_slice %arg6[%add3A_1111, %dma_wait3A_1112, %dma_wait3A_1113] : memref<4096x8x640xf32, #tpu.memory_space<hbm>> -> memref<8x8x640xf32, #tpu.memory_space<hbm>>
        %dma_wait3A_1115 = arith.constant 0 : i32
        %dma_wait3A_1116 = arith.constant 0 : i32
        %dma_wait3A_1117 = tpu.memref_slice %arg6[%add3A_1111, %dma_wait3A_1115, %dma_wait3A_1116] : memref<4096x8x640xf32, #tpu.memory_space<hbm>> -> memref<8x8x640xf32, #tpu.memory_space<hbm>>
        tpu.wait_dma2 semaphore(%arg13 : memref<!tpu.dma_semaphore, #tpu.memory_space<semaphore_mem>>) src(%arg11 : memref<8x8x640xf32, #tpu.memory_space<vmem>>) dst(%dma_wait3A_1117 : memref<8x8x640xf32, #tpu.memory_space<hbm>>)
        %sub3A_1118 = arith.constant 2 : i32
        %sub3A_1119 = arith.subi %add3A_65, %sub3A_1118 : i32
        %mul3A_1120 = arith.constant 8 : i32
        %mul3A_1121 = arith.muli %sub3A_1119, %mul3A_1120 : i32
        %get3A_1122 = arith.index_cast %mul3A_1121 : i32 to index
        %get3A_1123 = tpu.vector_load %arg7[%get3A_1122] {strides = array<i32>} : memref<128xi32, #tpu.memory_space<vmem>>, vector<8xi32>,
        %get3A_1124 = vector.shape_cast %get3A_1123 : vector<8xi32> to vector<8xi32>
        %get3A_1125 = arith.index_cast %mul3A_1121 : i32 to index
        %get3A_1126 = tpu.vector_load %arg8[%get3A_1125] {strides = array<i32>} : memref<128xi32, #tpu.memory_space<vmem>>, vector<8xi32>,
        %get3A_1127 = vector.shape_cast %get3A_1126 : vector<8xi32> to vector<8xi32>
        %slice3A_1128 = vector.extract_strided_slice %get3A_1127 {offsets = [0], sizes = [1], strides = [1]} : vector<8xi32> to vector<1xi32>
        %squeeze3A_1129 = vector.extract %slice3A_1128[0] : i32 from vector<1xi32>
        %jit3A_1130 = arith.constant 16 : i32
        %div3A_1131 = arith.divsi %squeeze3A_1129, %jit3A_1130 : i32
        %sign3A_1132 = arith.constant 0 : i32
        %sign3A_1133 = arith.cmpi sgt, %squeeze3A_1129, %sign3A_1132 : i32
        %sign3A_1134 = arith.extui %sign3A_1133 : i1 to i32
        %sign3A_1135 = arith.constant 0 : i32
        %sign3A_1136 = arith.cmpi slt, %squeeze3A_1129, %sign3A_1135 : i32
        %sign3A_1137 = arith.extui %sign3A_1136 : i1 to i32
        %sign3A_1138 = arith.subi %sign3A_1134, %sign3A_1137 : i32
        %sign3A_1139 = arith.constant 0 : i32
        %sign3A_1140 = arith.cmpi sgt, %jit3A_1130, %sign3A_1139 : i32
        %sign3A_1141 = arith.extui %sign3A_1140 : i1 to i32
        %sign3A_1142 = arith.constant 0 : i32
        %sign3A_1143 = arith.cmpi slt, %jit3A_1130, %sign3A_1142 : i32
        %sign3A_1144 = arith.extui %sign3A_1143 : i1 to i32
        %sign3A_1145 = arith.subi %sign3A_1141, %sign3A_1144 : i32
        %ne3A_1146 = arith.cmpi ne, %sign3A_1138, %sign3A_1145 : i32
        %rem3A_1147 = arith.remsi %squeeze3A_1129, %jit3A_1130 : i32
        %ne3A_1148 = arith.constant 0 : i32
        %ne3A_1149 = arith.cmpi ne, %rem3A_1147, %ne3A_1148 : i32
        %and3A_1150 = arith.andi %ne3A_1146, %ne3A_1149 : i1
        %sub3A_1151 = arith.constant 1 : i32
        %sub3A_1152 = arith.subi %div3A_1131, %sub3A_1151 : i32
        %select_n3A_1153 = arith.select %and3A_1150, %sub3A_1152, %div3A_1131 : i32
        %mul3A_1154 = arith.constant 16 : i32
        %mul3A_1155 = arith.muli %select_n3A_1153, %mul3A_1154 : i32
        %slice3A_1156 = vector.extract_strided_slice %get3A_1124 {offsets = [0], sizes = [1], strides = [1]} : vector<8xi32> to vector<1xi32>
        %squeeze3A_1157 = vector.extract %slice3A_1156[0] : i32 from vector<1xi32>
        %swap3A_1158 = arith.constant 0 : i32
        %swap3A_1159 = arith.index_cast %swap3A_1158 : i32 to index
        %swap3A_1160 = arith.index_cast %squeeze3A_1157 : i32 to index
        %swap3A_1161 = arith.index_cast %mul3A_1155 : i32 to index
        %swap3A_1162 = tpu.vector_load %arg11[%swap3A_1159, %swap3A_1160, %swap3A_1161] {strides = array<i32>} : memref<8x8x640xf32, #tpu.memory_space<vmem>>, vector<1x1x16xf32>,
        %swap3A_1163 = vector.shape_cast %swap3A_1162 : vector<1x1x16xf32> to vector<16xf32>
        %swap3A_1164 = vector.shape_cast %broadcast_in_dim3A_37 : vector<16xf32> to vector<1x1x16xf32>
        tpu.vector_store %arg11[%swap3A_1159, %swap3A_1160, %swap3A_1161], %swap3A_1164 {strides = array<i32>} : memref<8x8x640xf32, #tpu.memory_space<vmem>>, vector<1x1x16xf32>,
        %slice3A_1165 = vector.extract_strided_slice %get3A_1127 {offsets = [1], sizes = [1], strides = [1]} : vector<8xi32> to vector<1xi32>
        %squeeze3A_1166 = vector.extract %slice3A_1165[0] : i32 from vector<1xi32>
        %jit3A_1167 = arith.constant 16 : i32
        %div3A_1168 = arith.divsi %squeeze3A_1166, %jit3A_1167 : i32
        %sign3A_1169 = arith.constant 0 : i32
        %sign3A_1170 = arith.cmpi sgt, %squeeze3A_1166, %sign3A_1169 : i32
        %sign3A_1171 = arith.extui %sign3A_1170 : i1 to i32
        %sign3A_1172 = arith.constant 0 : i32
        %sign3A_1173 = arith.cmpi slt, %squeeze3A_1166, %sign3A_1172 : i32
        %sign3A_1174 = arith.extui %sign3A_1173 : i1 to i32
        %sign3A_1175 = arith.subi %sign3A_1171, %sign3A_1174 : i32
        %sign3A_1176 = arith.constant 0 : i32
        %sign3A_1177 = arith.cmpi sgt, %jit3A_1167, %sign3A_1176 : i32
        %sign3A_1178 = arith.extui %sign3A_1177 : i1 to i32
        %sign3A_1179 = arith.constant 0 : i32
        %sign3A_1180 = arith.cmpi slt, %jit3A_1167, %sign3A_1179 : i32
        %sign3A_1181 = arith.extui %sign3A_1180 : i1 to i32
        %sign3A_1182 = arith.subi %sign3A_1178, %sign3A_1181 : i32
        %ne3A_1183 = arith.cmpi ne, %sign3A_1175, %sign3A_1182 : i32
        %rem3A_1184 = arith.remsi %squeeze3A_1166, %jit3A_1167 : i32
        %ne3A_1185 = arith.constant 0 : i32
        %ne3A_1186 = arith.cmpi ne, %rem3A_1184, %ne3A_1185 : i32
        %and3A_1187 = arith.andi %ne3A_1183, %ne3A_1186 : i1
        %sub3A_1188 = arith.constant 1 : i32
        %sub3A_1189 = arith.subi %div3A_1168, %sub3A_1188 : i32
        %select_n3A_1190 = arith.select %and3A_1187, %sub3A_1189, %div3A_1168 : i32
        %mul3A_1191 = arith.constant 16 : i32
        %mul3A_1192 = arith.muli %select_n3A_1190, %mul3A_1191 : i32
        %slice3A_1193 = vector.extract_strided_slice %get3A_1124 {offsets = [1], sizes = [1], strides = [1]} : vector<8xi32> to vector<1xi32>
        %squeeze3A_1194 = vector.extract %slice3A_1193[0] : i32 from vector<1xi32>
        %swap3A_1195 = arith.constant 1 : i32
        %swap3A_1196 = arith.index_cast %swap3A_1195 : i32 to index
        %swap3A_1197 = arith.index_cast %squeeze3A_1194 : i32 to index
        %swap3A_1198 = arith.index_cast %mul3A_1192 : i32 to index
        %swap3A_1199 = tpu.vector_load %arg11[%swap3A_1196, %swap3A_1197, %swap3A_1198] {strides = array<i32>} : memref<8x8x640xf32, #tpu.memory_space<vmem>>, vector<1x1x16xf32>,
        %swap3A_1200 = vector.shape_cast %swap3A_1199 : vector<1x1x16xf32> to vector<16xf32>
        %swap3A_1201 = vector.shape_cast %broadcast_in_dim3A_37 : vector<16xf32> to vector<1x1x16xf32>
        tpu.vector_store %arg11[%swap3A_1196, %swap3A_1197, %swap3A_1198], %swap3A_1201 {strides = array<i32>} : memref<8x8x640xf32, #tpu.memory_space<vmem>>, vector<1x1x16xf32>,
        %slice3A_1202 = vector.extract_strided_slice %get3A_1127 {offsets = [2], sizes = [1], strides = [1]} : vector<8xi32> to vector<1xi32>
        %squeeze3A_1203 = vector.extract %slice3A_1202[0] : i32 from vector<1xi32>
        %jit3A_1204 = arith.constant 16 : i32
        %div3A_1205 = arith.divsi %squeeze3A_1203, %jit3A_1204 : i32
        %sign3A_1206 = arith.constant 0 : i32
        %sign3A_1207 = arith.cmpi sgt, %squeeze3A_1203, %sign3A_1206 : i32
        %sign3A_1208 = arith.extui %sign3A_1207 : i1 to i32
        %sign3A_1209 = arith.constant 0 : i32
        %sign3A_1210 = arith.cmpi slt, %squeeze3A_1203, %sign3A_1209 : i32
        %sign3A_1211 = arith.extui %sign3A_1210 : i1 to i32
        %sign3A_1212 = arith.subi %sign3A_1208, %sign3A_1211 : i32
        %sign3A_1213 = arith.constant 0 : i32
        %sign3A_1214 = arith.cmpi sgt, %jit3A_1204, %sign3A_1213 : i32
        %sign3A_1215 = arith.extui %sign3A_1214 : i1 to i32
        %sign3A_1216 = arith.constant 0 : i32
        %sign3A_1217 = arith.cmpi slt, %jit3A_1204, %sign3A_1216 : i32
        %sign3A_1218 = arith.extui %sign3A_1217 : i1 to i32
        %sign3A_1219 = arith.subi %sign3A_1215, %sign3A_1218 : i32
        %ne3A_1220 = arith.cmpi ne, %sign3A_1212, %sign3A_1219 : i32
        %rem3A_1221 = arith.remsi %squeeze3A_1203, %jit3A_1204 : i32
        %ne3A_1222 = arith.constant 0 : i32
        %ne3A_1223 = arith.cmpi ne, %rem3A_1221, %ne3A_1222 : i32
        %and3A_1224 = arith.andi %ne3A_1220, %ne3A_1223 : i1
        %sub3A_1225 = arith.constant 1 : i32
        %sub3A_1226 = arith.subi %div3A_1205, %sub3A_1225 : i32
        %select_n3A_1227 = arith.select %and3A_1224, %sub3A_1226, %div3A_1205 : i32
        %mul3A_1228 = arith.constant 16 : i32
        %mul3A_1229 = arith.muli %select_n3A_1227, %mul3A_1228 : i32
        %slice3A_1230 = vector.extract_strided_slice %get3A_1124 {offsets = [2], sizes = [1], strides = [1]} : vector<8xi32> to vector<1xi32>
        %squeeze3A_1231 = vector.extract %slice3A_1230[0] : i32 from vector<1xi32>
        %swap3A_1232 = arith.constant 2 : i32
        %swap3A_1233 = arith.index_cast %swap3A_1232 : i32 to index
        %swap3A_1234 = arith.index_cast %squeeze3A_1231 : i32 to index
        %swap3A_1235 = arith.index_cast %mul3A_1229 : i32 to index
        %swap3A_1236 = tpu.vector_load %arg11[%swap3A_1233, %swap3A_1234, %swap3A_1235] {strides = array<i32>} : memref<8x8x640xf32, #tpu.memory_space<vmem>>, vector<1x1x16xf32>,
        %swap3A_1237 = vector.shape_cast %swap3A_1236 : vector<1x1x16xf32> to vector<16xf32>
        %swap3A_1238 = vector.shape_cast %broadcast_in_dim3A_37 : vector<16xf32> to vector<1x1x16xf32>
        tpu.vector_store %arg11[%swap3A_1233, %swap3A_1234, %swap3A_1235], %swap3A_1238 {strides = array<i32>} : memref<8x8x640xf32, #tpu.memory_space<vmem>>, vector<1x1x16xf32>,
        %slice3A_1239 = vector.extract_strided_slice %get3A_1127 {offsets = [3], sizes = [1], strides = [1]} : vector<8xi32> to vector<1xi32>
        %squeeze3A_1240 = vector.extract %slice3A_1239[0] : i32 from vector<1xi32>
        %jit3A_1241 = arith.constant 16 : i32
        %div3A_1242 = arith.divsi %squeeze3A_1240, %jit3A_1241 : i32
        %sign3A_1243 = arith.constant 0 : i32
        %sign3A_1244 = arith.cmpi sgt, %squeeze3A_1240, %sign3A_1243 : i32
        %sign3A_1245 = arith.extui %sign3A_1244 : i1 to i32
        %sign3A_1246 = arith.constant 0 : i32
        %sign3A_1247 = arith.cmpi slt, %squeeze3A_1240, %sign3A_1246 : i32
        %sign3A_1248 = arith.extui %sign3A_1247 : i1 to i32
        %sign3A_1249 = arith.subi %sign3A_1245, %sign3A_1248 : i32
        %sign3A_1250 = arith.constant 0 : i32
        %sign3A_1251 = arith.cmpi sgt, %jit3A_1241, %sign3A_1250 : i32
        %sign3A_1252 = arith.extui %sign3A_1251 : i1 to i32
        %sign3A_1253 = arith.constant 0 : i32
        %sign3A_1254 = arith.cmpi slt, %jit3A_1241, %sign3A_1253 : i32
        %sign3A_1255 = arith.extui %sign3A_1254 : i1 to i32
        %sign3A_1256 = arith.subi %sign3A_1252, %sign3A_1255 : i32
        %ne3A_1257 = arith.cmpi ne, %sign3A_1249, %sign3A_1256 : i32
        %rem3A_1258 = arith.remsi %squeeze3A_1240, %jit3A_1241 : i32
        %ne3A_1259 = arith.constant 0 : i32
        %ne3A_1260 = arith.cmpi ne, %rem3A_1258, %ne3A_1259 : i32
        %and3A_1261 = arith.andi %ne3A_1257, %ne3A_1260 : i1
        %sub3A_1262 = arith.constant 1 : i32
        %sub3A_1263 = arith.subi %div3A_1242, %sub3A_1262 : i32
        %select_n3A_1264 = arith.select %and3A_1261, %sub3A_1263, %div3A_1242 : i32
        %mul3A_1265 = arith.constant 16 : i32
        %mul3A_1266 = arith.muli %select_n3A_1264, %mul3A_1265 : i32
        %slice3A_1267 = vector.extract_strided_slice %get3A_1124 {offsets = [3], sizes = [1], strides = [1]} : vector<8xi32> to vector<1xi32>
        %squeeze3A_1268 = vector.extract %slice3A_1267[0] : i32 from vector<1xi32>
        %swap3A_1269 = arith.constant 3 : i32
        %swap3A_1270 = arith.index_cast %swap3A_1269 : i32 to index
        %swap3A_1271 = arith.index_cast %squeeze3A_1268 : i32 to index
        %swap3A_1272 = arith.index_cast %mul3A_1266 : i32 to index
        %swap3A_1273 = tpu.vector_load %arg11[%swap3A_1270, %swap3A_1271, %swap3A_1272] {strides = array<i32>} : memref<8x8x640xf32, #tpu.memory_space<vmem>>, vector<1x1x16xf32>,
        %swap3A_1274 = vector.shape_cast %swap3A_1273 : vector<1x1x16xf32> to vector<16xf32>
        %swap3A_1275 = vector.shape_cast %broadcast_in_dim3A_37 : vector<16xf32> to vector<1x1x16xf32>
        tpu.vector_store %arg11[%swap3A_1270, %swap3A_1271, %swap3A_1272], %swap3A_1275 {strides = array<i32>} : memref<8x8x640xf32, #tpu.memory_space<vmem>>, vector<1x1x16xf32>,
        %slice3A_1276 = vector.extract_strided_slice %get3A_1127 {offsets = [4], sizes = [1], strides = [1]} : vector<8xi32> to vector<1xi32>
        %squeeze3A_1277 = vector.extract %slice3A_1276[0] : i32 from vector<1xi32>
        %jit3A_1278 = arith.constant 16 : i32
        %div3A_1279 = arith.divsi %squeeze3A_1277, %jit3A_1278 : i32
        %sign3A_1280 = arith.constant 0 : i32
        %sign3A_1281 = arith.cmpi sgt, %squeeze3A_1277, %sign3A_1280 : i32
        %sign3A_1282 = arith.extui %sign3A_1281 : i1 to i32
        %sign3A_1283 = arith.constant 0 : i32
        %sign3A_1284 = arith.cmpi slt, %squeeze3A_1277, %sign3A_1283 : i32
        %sign3A_1285 = arith.extui %sign3A_1284 : i1 to i32
        %sign3A_1286 = arith.subi %sign3A_1282, %sign3A_1285 : i32
        %sign3A_1287 = arith.constant 0 : i32
        %sign3A_1288 = arith.cmpi sgt, %jit3A_1278, %sign3A_1287 : i32
        %sign3A_1289 = arith.extui %sign3A_1288 : i1 to i32
        %sign3A_1290 = arith.constant 0 : i32
        %sign3A_1291 = arith.cmpi slt, %jit3A_1278, %sign3A_1290 : i32
        %sign3A_1292 = arith.extui %sign3A_1291 : i1 to i32
        %sign3A_1293 = arith.subi %sign3A_1289, %sign3A_1292 : i32
        %ne3A_1294 = arith.cmpi ne, %sign3A_1286, %sign3A_1293 : i32
        %rem3A_1295 = arith.remsi %squeeze3A_1277, %jit3A_1278 : i32
        %ne3A_1296 = arith.constant 0 : i32
        %ne3A_1297 = arith.cmpi ne, %rem3A_1295, %ne3A_1296 : i32
        %and3A_1298 = arith.andi %ne3A_1294, %ne3A_1297 : i1
        %sub3A_1299 = arith.constant 1 : i32
        %sub3A_1300 = arith.subi %div3A_1279, %sub3A_1299 : i32
        %select_n3A_1301 = arith.select %and3A_1298, %sub3A_1300, %div3A_1279 : i32
        %mul3A_1302 = arith.constant 16 : i32
        %mul3A_1303 = arith.muli %select_n3A_1301, %mul3A_1302 : i32
        %slice3A_1304 = vector.extract_strided_slice %get3A_1124 {offsets = [4], sizes = [1], strides = [1]} : vector<8xi32> to vector<1xi32>
        %squeeze3A_1305 = vector.extract %slice3A_1304[0] : i32 from vector<1xi32>
        %swap3A_1306 = arith.constant 4 : i32
        %swap3A_1307 = arith.index_cast %swap3A_1306 : i32 to index
        %swap3A_1308 = arith.index_cast %squeeze3A_1305 : i32 to index
        %swap3A_1309 = arith.index_cast %mul3A_1303 : i32 to index
        %swap3A_1310 = tpu.vector_load %arg11[%swap3A_1307, %swap3A_1308, %swap3A_1309] {strides = array<i32>} : memref<8x8x640xf32, #tpu.memory_space<vmem>>, vector<1x1x16xf32>,
        %swap3A_1311 = vector.shape_cast %swap3A_1310 : vector<1x1x16xf32> to vector<16xf32>
        %swap3A_1312 = vector.shape_cast %broadcast_in_dim3A_37 : vector<16xf32> to vector<1x1x16xf32>
        tpu.vector_store %arg11[%swap3A_1307, %swap3A_1308, %swap3A_1309], %swap3A_1312 {strides = array<i32>} : memref<8x8x640xf32, #tpu.memory_space<vmem>>, vector<1x1x16xf32>,
        %slice3A_1313 = vector.extract_strided_slice %get3A_1127 {offsets = [5], sizes = [1], strides = [1]} : vector<8xi32> to vector<1xi32>
        %squeeze3A_1314 = vector.extract %slice3A_1313[0] : i32 from vector<1xi32>
        %jit3A_1315 = arith.constant 16 : i32
        %div3A_1316 = arith.divsi %squeeze3A_1314, %jit3A_1315 : i32
        %sign3A_1317 = arith.constant 0 : i32
        %sign3A_1318 = arith.cmpi sgt, %squeeze3A_1314, %sign3A_1317 : i32
        %sign3A_1319 = arith.extui %sign3A_1318 : i1 to i32
        %sign3A_1320 = arith.constant 0 : i32
        %sign3A_1321 = arith.cmpi slt, %squeeze3A_1314, %sign3A_1320 : i32
        %sign3A_1322 = arith.extui %sign3A_1321 : i1 to i32
        %sign3A_1323 = arith.subi %sign3A_1319, %sign3A_1322 : i32
        %sign3A_1324 = arith.constant 0 : i32
        %sign3A_1325 = arith.cmpi sgt, %jit3A_1315, %sign3A_1324 : i32
        %sign3A_1326 = arith.extui %sign3A_1325 : i1 to i32
        %sign3A_1327 = arith.constant 0 : i32
        %sign3A_1328 = arith.cmpi slt, %jit3A_1315, %sign3A_1327 : i32
        %sign3A_1329 = arith.extui %sign3A_1328 : i1 to i32
        %sign3A_1330 = arith.subi %sign3A_1326, %sign3A_1329 : i32
        %ne3A_1331 = arith.cmpi ne, %sign3A_1323, %sign3A_1330 : i32
        %rem3A_1332 = arith.remsi %squeeze3A_1314, %jit3A_1315 : i32
        %ne3A_1333 = arith.constant 0 : i32
        %ne3A_1334 = arith.cmpi ne, %rem3A_1332, %ne3A_1333 : i32
        %and3A_1335 = arith.andi %ne3A_1331, %ne3A_1334 : i1
        %sub3A_1336 = arith.constant 1 : i32
        %sub3A_1337 = arith.subi %div3A_1316, %sub3A_1336 : i32
        %select_n3A_1338 = arith.select %and3A_1335, %sub3A_1337, %div3A_1316 : i32
        %mul3A_1339 = arith.constant 16 : i32
        %mul3A_1340 = arith.muli %select_n3A_1338, %mul3A_1339 : i32
        %slice3A_1341 = vector.extract_strided_slice %get3A_1124 {offsets = [5], sizes = [1], strides = [1]} : vector<8xi32> to vector<1xi32>
        %squeeze3A_1342 = vector.extract %slice3A_1341[0] : i32 from vector<1xi32>
        %swap3A_1343 = arith.constant 5 : i32
        %swap3A_1344 = arith.index_cast %swap3A_1343 : i32 to index
        %swap3A_1345 = arith.index_cast %squeeze3A_1342 : i32 to index
        %swap3A_1346 = arith.index_cast %mul3A_1340 : i32 to index
        %swap3A_1347 = tpu.vector_load %arg11[%swap3A_1344, %swap3A_1345, %swap3A_1346] {strides = array<i32>} : memref<8x8x640xf32, #tpu.memory_space<vmem>>, vector<1x1x16xf32>,
        %swap3A_1348 = vector.shape_cast %swap3A_1347 : vector<1x1x16xf32> to vector<16xf32>
        %swap3A_1349 = vector.shape_cast %broadcast_in_dim3A_37 : vector<16xf32> to vector<1x1x16xf32>
        tpu.vector_store %arg11[%swap3A_1344, %swap3A_1345, %swap3A_1346], %swap3A_1349 {strides = array<i32>} : memref<8x8x640xf32, #tpu.memory_space<vmem>>, vector<1x1x16xf32>,
        %slice3A_1350 = vector.extract_strided_slice %get3A_1127 {offsets = [6], sizes = [1], strides = [1]} : vector<8xi32> to vector<1xi32>
        %squeeze3A_1351 = vector.extract %slice3A_1350[0] : i32 from vector<1xi32>
        %jit3A_1352 = arith.constant 16 : i32
        %div3A_1353 = arith.divsi %squeeze3A_1351, %jit3A_1352 : i32
        %sign3A_1354 = arith.constant 0 : i32
        %sign3A_1355 = arith.cmpi sgt, %squeeze3A_1351, %sign3A_1354 : i32
        %sign3A_1356 = arith.extui %sign3A_1355 : i1 to i32
        %sign3A_1357 = arith.constant 0 : i32
        %sign3A_1358 = arith.cmpi slt, %squeeze3A_1351, %sign3A_1357 : i32
        %sign3A_1359 = arith.extui %sign3A_1358 : i1 to i32
        %sign3A_1360 = arith.subi %sign3A_1356, %sign3A_1359 : i32
        %sign3A_1361 = arith.constant 0 : i32
        %sign3A_1362 = arith.cmpi sgt, %jit3A_1352, %sign3A_1361 : i32
        %sign3A_1363 = arith.extui %sign3A_1362 : i1 to i32
        %sign3A_1364 = arith.constant 0 : i32
        %sign3A_1365 = arith.cmpi slt, %jit3A_1352, %sign3A_1364 : i32
        %sign3A_1366 = arith.extui %sign3A_1365 : i1 to i32
        %sign3A_1367 = arith.subi %sign3A_1363, %sign3A_1366 : i32
        %ne3A_1368 = arith.cmpi ne, %sign3A_1360, %sign3A_1367 : i32
        %rem3A_1369 = arith.remsi %squeeze3A_1351, %jit3A_1352 : i32
        %ne3A_1370 = arith.constant 0 : i32
        %ne3A_1371 = arith.cmpi ne, %rem3A_1369, %ne3A_1370 : i32
        %and3A_1372 = arith.andi %ne3A_1368, %ne3A_1371 : i1
        %sub3A_1373 = arith.constant 1 : i32
        %sub3A_1374 = arith.subi %div3A_1353, %sub3A_1373 : i32
        %select_n3A_1375 = arith.select %and3A_1372, %sub3A_1374, %div3A_1353 : i32
        %mul3A_1376 = arith.constant 16 : i32
        %mul3A_1377 = arith.muli %select_n3A_1375, %mul3A_1376 : i32
        %slice3A_1378 = vector.extract_strided_slice %get3A_1124 {offsets = [6], sizes = [1], strides = [1]} : vector<8xi32> to vector<1xi32>
        %squeeze3A_1379 = vector.extract %slice3A_1378[0] : i32 from vector<1xi32>
        %swap3A_1380 = arith.constant 6 : i32
        %swap3A_1381 = arith.index_cast %swap3A_1380 : i32 to index
        %swap3A_1382 = arith.index_cast %squeeze3A_1379 : i32 to index
        %swap3A_1383 = arith.index_cast %mul3A_1377 : i32 to index
        %swap3A_1384 = tpu.vector_load %arg11[%swap3A_1381, %swap3A_1382, %swap3A_1383] {strides = array<i32>} : memref<8x8x640xf32, #tpu.memory_space<vmem>>, vector<1x1x16xf32>,
        %swap3A_1385 = vector.shape_cast %swap3A_1384 : vector<1x1x16xf32> to vector<16xf32>
        %swap3A_1386 = vector.shape_cast %broadcast_in_dim3A_37 : vector<16xf32> to vector<1x1x16xf32>
        tpu.vector_store %arg11[%swap3A_1381, %swap3A_1382, %swap3A_1383], %swap3A_1386 {strides = array<i32>} : memref<8x8x640xf32, #tpu.memory_space<vmem>>, vector<1x1x16xf32>,
        %slice3A_1387 = vector.extract_strided_slice %get3A_1127 {offsets = [7], sizes = [1], strides = [1]} : vector<8xi32> to vector<1xi32>
        %squeeze3A_1388 = vector.extract %slice3A_1387[0] : i32 from vector<1xi32>
        %jit3A_1389 = arith.constant 16 : i32
        %div3A_1390 = arith.divsi %squeeze3A_1388, %jit3A_1389 : i32
        %sign3A_1391 = arith.constant 0 : i32
        %sign3A_1392 = arith.cmpi sgt, %squeeze3A_1388, %sign3A_1391 : i32
        %sign3A_1393 = arith.extui %sign3A_1392 : i1 to i32
        %sign3A_1394 = arith.constant 0 : i32
        %sign3A_1395 = arith.cmpi slt, %squeeze3A_1388, %sign3A_1394 : i32
        %sign3A_1396 = arith.extui %sign3A_1395 : i1 to i32
        %sign3A_1397 = arith.subi %sign3A_1393, %sign3A_1396 : i32
        %sign3A_1398 = arith.constant 0 : i32
        %sign3A_1399 = arith.cmpi sgt, %jit3A_1389, %sign3A_1398 : i32
        %sign3A_1400 = arith.extui %sign3A_1399 : i1 to i32
        %sign3A_1401 = arith.constant 0 : i32
        %sign3A_1402 = arith.cmpi slt, %jit3A_1389, %sign3A_1401 : i32
        %sign3A_1403 = arith.extui %sign3A_1402 : i1 to i32
        %sign3A_1404 = arith.subi %sign3A_1400, %sign3A_1403 : i32
        %ne3A_1405 = arith.cmpi ne, %sign3A_1397, %sign3A_1404 : i32
        %rem3A_1406 = arith.remsi %squeeze3A_1388, %jit3A_1389 : i32
        %ne3A_1407 = arith.constant 0 : i32
        %ne3A_1408 = arith.cmpi ne, %rem3A_1406, %ne3A_1407 : i32
        %and3A_1409 = arith.andi %ne3A_1405, %ne3A_1408 : i1
        %sub3A_1410 = arith.constant 1 : i32
        %sub3A_1411 = arith.subi %div3A_1390, %sub3A_1410 : i32
        %select_n3A_1412 = arith.select %and3A_1409, %sub3A_1411, %div3A_1390 : i32
        %mul3A_1413 = arith.constant 16 : i32
        %mul3A_1414 = arith.muli %select_n3A_1412, %mul3A_1413 : i32
        %slice3A_1415 = vector.extract_strided_slice %get3A_1124 {offsets = [7], sizes = [1], strides = [1]} : vector<8xi32> to vector<1xi32>
        %squeeze3A_1416 = vector.extract %slice3A_1415[0] : i32 from vector<1xi32>
        %swap3A_1417 = arith.constant 7 : i32
        %swap3A_1418 = arith.index_cast %swap3A_1417 : i32 to index
        %swap3A_1419 = arith.index_cast %squeeze3A_1416 : i32 to index
        %swap3A_1420 = arith.index_cast %mul3A_1414 : i32 to index
        %swap3A_1421 = tpu.vector_load %arg11[%swap3A_1418, %swap3A_1419, %swap3A_1420] {strides = array<i32>} : memref<8x8x640xf32, #tpu.memory_space<vmem>>, vector<1x1x16xf32>,
        %swap3A_1422 = vector.shape_cast %swap3A_1421 : vector<1x1x16xf32> to vector<16xf32>
        %swap3A_1423 = vector.shape_cast %broadcast_in_dim3A_37 : vector<16xf32> to vector<1x1x16xf32>
        tpu.vector_store %arg11[%swap3A_1418, %swap3A_1419, %swap3A_1420], %swap3A_1423 {strides = array<i32>} : memref<8x8x640xf32, #tpu.memory_space<vmem>>, vector<1x1x16xf32>,
      } else {
      }
      %mul3A_583 = arith.constant 8 : i32
      %mul3A_584 = arith.muli %add3A_65, %mul3A_583 : i32
      %get3A_585 = arith.index_cast %mul3A_584 : i32 to index
      %get3A_586 = tpu.vector_load %arg7[%get3A_585] {strides = array<i32>} : memref<128xi32, #tpu.memory_space<vmem>>, vector<8xi32>,
      %get3A_587 = vector.shape_cast %get3A_586 : vector<8xi32> to vector<8xi32>
      %get3A_588 = arith.index_cast %mul3A_584 : i32 to index
      %get3A_589 = tpu.vector_load %arg8[%get3A_588] {strides = array<i32>} : memref<128xi32, #tpu.memory_space<vmem>>, vector<8xi32>,
      %get3A_590 = vector.shape_cast %get3A_589 : vector<8xi32> to vector<8xi32>
      %get3A_591 = arith.index_cast %mul3A_584 : i32 to index
      %get3A_592 = tpu.vector_load %arg9[%get3A_591] {strides = array<i32>} : memref<128xf32, #tpu.memory_space<vmem>>, vector<8xf32>,
      %get3A_593 = vector.shape_cast %get3A_592 : vector<8xf32> to vector<8xf32>
      %slice3A_594 = vector.extract_strided_slice %get3A_590 {offsets = [0], sizes = [1], strides = [1]} : vector<8xi32> to vector<1xi32>
      %squeeze3A_595 = vector.extract %slice3A_594[0] : i32 from vector<1xi32>
      %jit3A_596 = arith.constant 16 : i32
      %div3A_597 = arith.divsi %squeeze3A_595, %jit3A_596 : i32
      %sign3A_598 = arith.constant 0 : i32
      %sign3A_599 = arith.cmpi sgt, %squeeze3A_595, %sign3A_598 : i32
      %sign3A_600 = arith.extui %sign3A_599 : i1 to i32
      %sign3A_601 = arith.constant 0 : i32
      %sign3A_602 = arith.cmpi slt, %squeeze3A_595, %sign3A_601 : i32
      %sign3A_603 = arith.extui %sign3A_602 : i1 to i32
      %sign3A_604 = arith.subi %sign3A_600, %sign3A_603 : i32
      %sign3A_605 = arith.constant 0 : i32
      %sign3A_606 = arith.cmpi sgt, %jit3A_596, %sign3A_605 : i32
      %sign3A_607 = arith.extui %sign3A_606 : i1 to i32
      %sign3A_608 = arith.constant 0 : i32
      %sign3A_609 = arith.cmpi slt, %jit3A_596, %sign3A_608 : i32
      %sign3A_610 = arith.extui %sign3A_609 : i1 to i32
      %sign3A_611 = arith.subi %sign3A_607, %sign3A_610 : i32
      %ne3A_612 = arith.cmpi ne, %sign3A_604, %sign3A_611 : i32
      %rem3A_613 = arith.remsi %squeeze3A_595, %jit3A_596 : i32
      %ne3A_614 = arith.constant 0 : i32
      %ne3A_615 = arith.cmpi ne, %rem3A_613, %ne3A_614 : i32
      %and3A_616 = arith.andi %ne3A_612, %ne3A_615 : i1
      %sub3A_617 = arith.constant 1 : i32
      %sub3A_618 = arith.subi %div3A_597, %sub3A_617 : i32
      %select_n3A_619 = arith.select %and3A_616, %sub3A_618, %div3A_597 : i32
      %mul3A_620 = arith.constant 16 : i32
      %mul3A_621 = arith.muli %select_n3A_619, %mul3A_620 : i32
      %slice3A_622 = vector.extract_strided_slice %get3A_590 {offsets = [0], sizes = [1], strides = [1]} : vector<8xi32> to vector<1xi32>
      %squeeze3A_623 = vector.extract %slice3A_622[0] : i32 from vector<1xi32>
      %jit3A_624 = arith.constant 16 : i32
      %eq3A_625 = arith.constant 0 : i32
      %eq3A_626 = arith.cmpi eq, %jit3A_624, %eq3A_625 : i32
      %jit3A_627 = arith.constant 1 : i32
      %select_n3A_628 = arith.select %eq3A_626, %jit3A_627, %jit3A_624 : i32
      %rem3A_629 = arith.remsi %squeeze3A_623, %select_n3A_628 : i32
      %ne3A_630 = arith.constant 0 : i32
      %ne3A_631 = arith.cmpi ne, %rem3A_629, %ne3A_630 : i32
      %lt3A_632 = arith.constant 0 : i32
      %lt3A_633 = arith.cmpi slt, %rem3A_629, %lt3A_632 : i32
      %lt3A_634 = arith.constant 0 : i32
      %lt3A_635 = arith.cmpi slt, %select_n3A_628, %lt3A_634 : i32
      %ne3A_636 = arith.xori %lt3A_633, %lt3A_635 : i1
      %and3A_637 = arith.andi %ne3A_636, %ne3A_631 : i1
      %add3A_638 = arith.addi %rem3A_629, %select_n3A_628 : i32
      %select_n3A_639 = arith.select %and3A_637, %add3A_638, %rem3A_629 : i32
      %eq3A_640 = vector.broadcast %select_n3A_639 : i32 to vector<16xi32>
      %eq3A_641 = arith.cmpi eq, %iota3A, %eq3A_640 : vector<16xi32>
      %slice3A_642 = vector.extract_strided_slice %get3A_593 {offsets = [0], sizes = [1], strides = [1]} : vector<8xf32> to vector<1xf32>
      %squeeze3A_643 = vector.extract %slice3A_642[0] : f32 from vector<1xf32>
      %jit3A_644 = arith.constant 0.000000e+00 : f32
      %broadcast_in_dim3A_645 = vector.broadcast %squeeze3A_643 : f32 to vector<16xf32>
      %broadcast_in_dim3A_646 = vector.broadcast %jit3A_644 : f32 to vector<16xf32>
      %select_n3A_647 = arith.select %eq3A_641, %broadcast_in_dim3A_645, %broadcast_in_dim3A_646 : vector<16xi1>, vector<16xf32>
      %slice3A_648 = vector.extract_strided_slice %get3A_587 {offsets = [0], sizes = [1], strides = [1]} : vector<8xi32> to vector<1xi32>
      %squeeze3A_649 = vector.extract %slice3A_648[0] : i32 from vector<1xi32>
      %swap3A_650 = arith.constant 0 : i32
      %swap3A_651 = arith.index_cast %swap3A_650 : i32 to index
      %swap3A_652 = arith.index_cast %squeeze3A_649 : i32 to index
      %swap3A_653 = arith.index_cast %mul3A_621 : i32 to index
      %swap3A_654 = tpu.vector_load %arg11[%swap3A_651, %swap3A_652, %swap3A_653] {strides = array<i32>} : memref<8x8x640xf32, #tpu.memory_space<vmem>>, vector<1x1x16xf32>,
      %swap3A_655 = vector.shape_cast %swap3A_654 : vector<1x1x16xf32> to vector<16xf32>
      %swap3A_656 = vector.shape_cast %select_n3A_647 : vector<16xf32> to vector<1x1x16xf32>
      tpu.vector_store %arg11[%swap3A_651, %swap3A_652, %swap3A_653], %swap3A_656 {strides = array<i32>} : memref<8x8x640xf32, #tpu.memory_space<vmem>>, vector<1x1x16xf32>,
      %slice3A_657 = vector.extract_strided_slice %get3A_590 {offsets = [1], sizes = [1], strides = [1]} : vector<8xi32> to vector<1xi32>
      %squeeze3A_658 = vector.extract %slice3A_657[0] : i32 from vector<1xi32>
      %jit3A_659 = arith.constant 16 : i32
      %div3A_660 = arith.divsi %squeeze3A_658, %jit3A_659 : i32
      %sign3A_661 = arith.constant 0 : i32
      %sign3A_662 = arith.cmpi sgt, %squeeze3A_658, %sign3A_661 : i32
      %sign3A_663 = arith.extui %sign3A_662 : i1 to i32
      %sign3A_664 = arith.constant 0 : i32
      %sign3A_665 = arith.cmpi slt, %squeeze3A_658, %sign3A_664 : i32
      %sign3A_666 = arith.extui %sign3A_665 : i1 to i32
      %sign3A_667 = arith.subi %sign3A_663, %sign3A_666 : i32
      %sign3A_668 = arith.constant 0 : i32
      %sign3A_669 = arith.cmpi sgt, %jit3A_659, %sign3A_668 : i32
      %sign3A_670 = arith.extui %sign3A_669 : i1 to i32
      %sign3A_671 = arith.constant 0 : i32
      %sign3A_672 = arith.cmpi slt, %jit3A_659, %sign3A_671 : i32
      %sign3A_673 = arith.extui %sign3A_672 : i1 to i32
      %sign3A_674 = arith.subi %sign3A_670, %sign3A_673 : i32
      %ne3A_675 = arith.cmpi ne, %sign3A_667, %sign3A_674 : i32
      %rem3A_676 = arith.remsi %squeeze3A_658, %jit3A_659 : i32
      %ne3A_677 = arith.constant 0 : i32
      %ne3A_678 = arith.cmpi ne, %rem3A_676, %ne3A_677 : i32
      %and3A_679 = arith.andi %ne3A_675, %ne3A_678 : i1
      %sub3A_680 = arith.constant 1 : i32
      %sub3A_681 = arith.subi %div3A_660, %sub3A_680 : i32
      %select_n3A_682 = arith.select %and3A_679, %sub3A_681, %div3A_660 : i32
      %mul3A_683 = arith.constant 16 : i32
      %mul3A_684 = arith.muli %select_n3A_682, %mul3A_683 : i32
      %slice3A_685 = vector.extract_strided_slice %get3A_590 {offsets = [1], sizes = [1], strides = [1]} : vector<8xi32> to vector<1xi32>
      %squeeze3A_686 = vector.extract %slice3A_685[0] : i32 from vector<1xi32>
      %jit3A_687 = arith.constant 16 : i32
      %eq3A_688 = arith.constant 0 : i32
      %eq3A_689 = arith.cmpi eq, %jit3A_687, %eq3A_688 : i32
      %jit3A_690 = arith.constant 1 : i32
      %select_n3A_691 = arith.select %eq3A_689, %jit3A_690, %jit3A_687 : i32
      %rem3A_692 = arith.remsi %squeeze3A_686, %select_n3A_691 : i32
      %ne3A_693 = arith.constant 0 : i32
      %ne3A_694 = arith.cmpi ne, %rem3A_692, %ne3A_693 : i32
      %lt3A_695 = arith.constant 0 : i32
      %lt3A_696 = arith.cmpi slt, %rem3A_692, %lt3A_695 : i32
      %lt3A_697 = arith.constant 0 : i32
      %lt3A_698 = arith.cmpi slt, %select_n3A_691, %lt3A_697 : i32
      %ne3A_699 = arith.xori %lt3A_696, %lt3A_698 : i1
      %and3A_700 = arith.andi %ne3A_699, %ne3A_694 : i1
      %add3A_701 = arith.addi %rem3A_692, %select_n3A_691 : i32
      %select_n3A_702 = arith.select %and3A_700, %add3A_701, %rem3A_692 : i32
      %eq3A_703 = vector.broadcast %select_n3A_702 : i32 to vector<16xi32>
      %eq3A_704 = arith.cmpi eq, %iota3A, %eq3A_703 : vector<16xi32>
      %slice3A_705 = vector.extract_strided_slice %get3A_593 {offsets = [1], sizes = [1], strides = [1]} : vector<8xf32> to vector<1xf32>
      %squeeze3A_706 = vector.extract %slice3A_705[0] : f32 from vector<1xf32>
      %jit3A_707 = arith.constant 0.000000e+00 : f32
      %broadcast_in_dim3A_708 = vector.broadcast %squeeze3A_706 : f32 to vector<16xf32>
      %broadcast_in_dim3A_709 = vector.broadcast %jit3A_707 : f32 to vector<16xf32>
      %select_n3A_710 = arith.select %eq3A_704, %broadcast_in_dim3A_708, %broadcast_in_dim3A_709 : vector<16xi1>, vector<16xf32>
      %slice3A_711 = vector.extract_strided_slice %get3A_587 {offsets = [1], sizes = [1], strides = [1]} : vector<8xi32> to vector<1xi32>
      %squeeze3A_712 = vector.extract %slice3A_711[0] : i32 from vector<1xi32>
      %swap3A_713 = arith.constant 1 : i32
      %swap3A_714 = arith.index_cast %swap3A_713 : i32 to index
      %swap3A_715 = arith.index_cast %squeeze3A_712 : i32 to index
      %swap3A_716 = arith.index_cast %mul3A_684 : i32 to index
      %swap3A_717 = tpu.vector_load %arg11[%swap3A_714, %swap3A_715, %swap3A_716] {strides = array<i32>} : memref<8x8x640xf32, #tpu.memory_space<vmem>>, vector<1x1x16xf32>,
      %swap3A_718 = vector.shape_cast %swap3A_717 : vector<1x1x16xf32> to vector<16xf32>
      %swap3A_719 = vector.shape_cast %select_n3A_710 : vector<16xf32> to vector<1x1x16xf32>
      tpu.vector_store %arg11[%swap3A_714, %swap3A_715, %swap3A_716], %swap3A_719 {strides = array<i32>} : memref<8x8x640xf32, #tpu.memory_space<vmem>>, vector<1x1x16xf32>,
      %slice3A_720 = vector.extract_strided_slice %get3A_590 {offsets = [2], sizes = [1], strides = [1]} : vector<8xi32> to vector<1xi32>
      %squeeze3A_721 = vector.extract %slice3A_720[0] : i32 from vector<1xi32>
      %jit3A_722 = arith.constant 16 : i32
      %div3A_723 = arith.divsi %squeeze3A_721, %jit3A_722 : i32
      %sign3A_724 = arith.constant 0 : i32
      %sign3A_725 = arith.cmpi sgt, %squeeze3A_721, %sign3A_724 : i32
      %sign3A_726 = arith.extui %sign3A_725 : i1 to i32
      %sign3A_727 = arith.constant 0 : i32
      %sign3A_728 = arith.cmpi slt, %squeeze3A_721, %sign3A_727 : i32
      %sign3A_729 = arith.extui %sign3A_728 : i1 to i32
      %sign3A_730 = arith.subi %sign3A_726, %sign3A_729 : i32
      %sign3A_731 = arith.constant 0 : i32
      %sign3A_732 = arith.cmpi sgt, %jit3A_722, %sign3A_731 : i32
      %sign3A_733 = arith.extui %sign3A_732 : i1 to i32
      %sign3A_734 = arith.constant 0 : i32
      %sign3A_735 = arith.cmpi slt, %jit3A_722, %sign3A_734 : i32
      %sign3A_736 = arith.extui %sign3A_735 : i1 to i32
      %sign3A_737 = arith.subi %sign3A_733, %sign3A_736 : i32
      %ne3A_738 = arith.cmpi ne, %sign3A_730, %sign3A_737 : i32
      %rem3A_739 = arith.remsi %squeeze3A_721, %jit3A_722 : i32
      %ne3A_740 = arith.constant 0 : i32
      %ne3A_741 = arith.cmpi ne, %rem3A_739, %ne3A_740 : i32
      %and3A_742 = arith.andi %ne3A_738, %ne3A_741 : i1
      %sub3A_743 = arith.constant 1 : i32
      %sub3A_744 = arith.subi %div3A_723, %sub3A_743 : i32
      %select_n3A_745 = arith.select %and3A_742, %sub3A_744, %div3A_723 : i32
      %mul3A_746 = arith.constant 16 : i32
      %mul3A_747 = arith.muli %select_n3A_745, %mul3A_746 : i32
      %slice3A_748 = vector.extract_strided_slice %get3A_590 {offsets = [2], sizes = [1], strides = [1]} : vector<8xi32> to vector<1xi32>
      %squeeze3A_749 = vector.extract %slice3A_748[0] : i32 from vector<1xi32>
      %jit3A_750 = arith.constant 16 : i32
      %eq3A_751 = arith.constant 0 : i32
      %eq3A_752 = arith.cmpi eq, %jit3A_750, %eq3A_751 : i32
      %jit3A_753 = arith.constant 1 : i32
      %select_n3A_754 = arith.select %eq3A_752, %jit3A_753, %jit3A_750 : i32
      %rem3A_755 = arith.remsi %squeeze3A_749, %select_n3A_754 : i32
      %ne3A_756 = arith.constant 0 : i32
      %ne3A_757 = arith.cmpi ne, %rem3A_755, %ne3A_756 : i32
      %lt3A_758 = arith.constant 0 : i32
      %lt3A_759 = arith.cmpi slt, %rem3A_755, %lt3A_758 : i32
      %lt3A_760 = arith.constant 0 : i32
      %lt3A_761 = arith.cmpi slt, %select_n3A_754, %lt3A_760 : i32
      %ne3A_762 = arith.xori %lt3A_759, %lt3A_761 : i1
      %and3A_763 = arith.andi %ne3A_762, %ne3A_757 : i1
      %add3A_764 = arith.addi %rem3A_755, %select_n3A_754 : i32
      %select_n3A_765 = arith.select %and3A_763, %add3A_764, %rem3A_755 : i32
      %eq3A_766 = vector.broadcast %select_n3A_765 : i32 to vector<16xi32>
      %eq3A_767 = arith.cmpi eq, %iota3A, %eq3A_766 : vector<16xi32>
      %slice3A_768 = vector.extract_strided_slice %get3A_593 {offsets = [2], sizes = [1], strides = [1]} : vector<8xf32> to vector<1xf32>
      %squeeze3A_769 = vector.extract %slice3A_768[0] : f32 from vector<1xf32>
      %jit3A_770 = arith.constant 0.000000e+00 : f32
      %broadcast_in_dim3A_771 = vector.broadcast %squeeze3A_769 : f32 to vector<16xf32>
      %broadcast_in_dim3A_772 = vector.broadcast %jit3A_770 : f32 to vector<16xf32>
      %select_n3A_773 = arith.select %eq3A_767, %broadcast_in_dim3A_771, %broadcast_in_dim3A_772 : vector<16xi1>, vector<16xf32>
      %slice3A_774 = vector.extract_strided_slice %get3A_587 {offsets = [2], sizes = [1], strides = [1]} : vector<8xi32> to vector<1xi32>
      %squeeze3A_775 = vector.extract %slice3A_774[0] : i32 from vector<1xi32>
      %swap3A_776 = arith.constant 2 : i32
      %swap3A_777 = arith.index_cast %swap3A_776 : i32 to index
      %swap3A_778 = arith.index_cast %squeeze3A_775 : i32 to index
      %swap3A_779 = arith.index_cast %mul3A_747 : i32 to index
      %swap3A_780 = tpu.vector_load %arg11[%swap3A_777, %swap3A_778, %swap3A_779] {strides = array<i32>} : memref<8x8x640xf32, #tpu.memory_space<vmem>>, vector<1x1x16xf32>,
      %swap3A_781 = vector.shape_cast %swap3A_780 : vector<1x1x16xf32> to vector<16xf32>
      %swap3A_782 = vector.shape_cast %select_n3A_773 : vector<16xf32> to vector<1x1x16xf32>
      tpu.vector_store %arg11[%swap3A_777, %swap3A_778, %swap3A_779], %swap3A_782 {strides = array<i32>} : memref<8x8x640xf32, #tpu.memory_space<vmem>>, vector<1x1x16xf32>,
      %slice3A_783 = vector.extract_strided_slice %get3A_590 {offsets = [3], sizes = [1], strides = [1]} : vector<8xi32> to vector<1xi32>
      %squeeze3A_784 = vector.extract %slice3A_783[0] : i32 from vector<1xi32>
      %jit3A_785 = arith.constant 16 : i32
      %div3A_786 = arith.divsi %squeeze3A_784, %jit3A_785 : i32
      %sign3A_787 = arith.constant 0 : i32
      %sign3A_788 = arith.cmpi sgt, %squeeze3A_784, %sign3A_787 : i32
      %sign3A_789 = arith.extui %sign3A_788 : i1 to i32
      %sign3A_790 = arith.constant 0 : i32
      %sign3A_791 = arith.cmpi slt, %squeeze3A_784, %sign3A_790 : i32
      %sign3A_792 = arith.extui %sign3A_791 : i1 to i32
      %sign3A_793 = arith.subi %sign3A_789, %sign3A_792 : i32
      %sign3A_794 = arith.constant 0 : i32
      %sign3A_795 = arith.cmpi sgt, %jit3A_785, %sign3A_794 : i32
      %sign3A_796 = arith.extui %sign3A_795 : i1 to i32
      %sign3A_797 = arith.constant 0 : i32
      %sign3A_798 = arith.cmpi slt, %jit3A_785, %sign3A_797 : i32
      %sign3A_799 = arith.extui %sign3A_798 : i1 to i32
      %sign3A_800 = arith.subi %sign3A_796, %sign3A_799 : i32
      %ne3A_801 = arith.cmpi ne, %sign3A_793, %sign3A_800 : i32
      %rem3A_802 = arith.remsi %squeeze3A_784, %jit3A_785 : i32
      %ne3A_803 = arith.constant 0 : i32
      %ne3A_804 = arith.cmpi ne, %rem3A_802, %ne3A_803 : i32
      %and3A_805 = arith.andi %ne3A_801, %ne3A_804 : i1
      %sub3A_806 = arith.constant 1 : i32
      %sub3A_807 = arith.subi %div3A_786, %sub3A_806 : i32
      %select_n3A_808 = arith.select %and3A_805, %sub3A_807, %div3A_786 : i32
      %mul3A_809 = arith.constant 16 : i32
      %mul3A_810 = arith.muli %select_n3A_808, %mul3A_809 : i32
      %slice3A_811 = vector.extract_strided_slice %get3A_590 {offsets = [3], sizes = [1], strides = [1]} : vector<8xi32> to vector<1xi32>
      %squeeze3A_812 = vector.extract %slice3A_811[0] : i32 from vector<1xi32>
      %jit3A_813 = arith.constant 16 : i32
      %eq3A_814 = arith.constant 0 : i32
      %eq3A_815 = arith.cmpi eq, %jit3A_813, %eq3A_814 : i32
      %jit3A_816 = arith.constant 1 : i32
      %select_n3A_817 = arith.select %eq3A_815, %jit3A_816, %jit3A_813 : i32
      %rem3A_818 = arith.remsi %squeeze3A_812, %select_n3A_817 : i32
      %ne3A_819 = arith.constant 0 : i32
      %ne3A_820 = arith.cmpi ne, %rem3A_818, %ne3A_819 : i32
      %lt3A_821 = arith.constant 0 : i32
      %lt3A_822 = arith.cmpi slt, %rem3A_818, %lt3A_821 : i32
      %lt3A_823 = arith.constant 0 : i32
      %lt3A_824 = arith.cmpi slt, %select_n3A_817, %lt3A_823 : i32
      %ne3A_825 = arith.xori %lt3A_822, %lt3A_824 : i1
      %and3A_826 = arith.andi %ne3A_825, %ne3A_820 : i1
      %add3A_827 = arith.addi %rem3A_818, %select_n3A_817 : i32
      %select_n3A_828 = arith.select %and3A_826, %add3A_827, %rem3A_818 : i32
      %eq3A_829 = vector.broadcast %select_n3A_828 : i32 to vector<16xi32>
      %eq3A_830 = arith.cmpi eq, %iota3A, %eq3A_829 : vector<16xi32>
      %slice3A_831 = vector.extract_strided_slice %get3A_593 {offsets = [3], sizes = [1], strides = [1]} : vector<8xf32> to vector<1xf32>
      %squeeze3A_832 = vector.extract %slice3A_831[0] : f32 from vector<1xf32>
      %jit3A_833 = arith.constant 0.000000e+00 : f32
      %broadcast_in_dim3A_834 = vector.broadcast %squeeze3A_832 : f32 to vector<16xf32>
      %broadcast_in_dim3A_835 = vector.broadcast %jit3A_833 : f32 to vector<16xf32>
      %select_n3A_836 = arith.select %eq3A_830, %broadcast_in_dim3A_834, %broadcast_in_dim3A_835 : vector<16xi1>, vector<16xf32>
      %slice3A_837 = vector.extract_strided_slice %get3A_587 {offsets = [3], sizes = [1], strides = [1]} : vector<8xi32> to vector<1xi32>
      %squeeze3A_838 = vector.extract %slice3A_837[0] : i32 from vector<1xi32>
      %swap3A_839 = arith.constant 3 : i32
      %swap3A_840 = arith.index_cast %swap3A_839 : i32 to index
      %swap3A_841 = arith.index_cast %squeeze3A_838 : i32 to index
      %swap3A_842 = arith.index_cast %mul3A_810 : i32 to index
      %swap3A_843 = tpu.vector_load %arg11[%swap3A_840, %swap3A_841, %swap3A_842] {strides = array<i32>} : memref<8x8x640xf32, #tpu.memory_space<vmem>>, vector<1x1x16xf32>,
      %swap3A_844 = vector.shape_cast %swap3A_843 : vector<1x1x16xf32> to vector<16xf32>
      %swap3A_845 = vector.shape_cast %select_n3A_836 : vector<16xf32> to vector<1x1x16xf32>
      tpu.vector_store %arg11[%swap3A_840, %swap3A_841, %swap3A_842], %swap3A_845 {strides = array<i32>} : memref<8x8x640xf32, #tpu.memory_space<vmem>>, vector<1x1x16xf32>,
      %slice3A_846 = vector.extract_strided_slice %get3A_590 {offsets = [4], sizes = [1], strides = [1]} : vector<8xi32> to vector<1xi32>
      %squeeze3A_847 = vector.extract %slice3A_846[0] : i32 from vector<1xi32>
      %jit3A_848 = arith.constant 16 : i32
      %div3A_849 = arith.divsi %squeeze3A_847, %jit3A_848 : i32
      %sign3A_850 = arith.constant 0 : i32
      %sign3A_851 = arith.cmpi sgt, %squeeze3A_847, %sign3A_850 : i32
      %sign3A_852 = arith.extui %sign3A_851 : i1 to i32
      %sign3A_853 = arith.constant 0 : i32
      %sign3A_854 = arith.cmpi slt, %squeeze3A_847, %sign3A_853 : i32
      %sign3A_855 = arith.extui %sign3A_854 : i1 to i32
      %sign3A_856 = arith.subi %sign3A_852, %sign3A_855 : i32
      %sign3A_857 = arith.constant 0 : i32
      %sign3A_858 = arith.cmpi sgt, %jit3A_848, %sign3A_857 : i32
      %sign3A_859 = arith.extui %sign3A_858 : i1 to i32
      %sign3A_860 = arith.constant 0 : i32
      %sign3A_861 = arith.cmpi slt, %jit3A_848, %sign3A_860 : i32
      %sign3A_862 = arith.extui %sign3A_861 : i1 to i32
      %sign3A_863 = arith.subi %sign3A_859, %sign3A_862 : i32
      %ne3A_864 = arith.cmpi ne, %sign3A_856, %sign3A_863 : i32
      %rem3A_865 = arith.remsi %squeeze3A_847, %jit3A_848 : i32
      %ne3A_866 = arith.constant 0 : i32
      %ne3A_867 = arith.cmpi ne, %rem3A_865, %ne3A_866 : i32
      %and3A_868 = arith.andi %ne3A_864, %ne3A_867 : i1
      %sub3A_869 = arith.constant 1 : i32
      %sub3A_870 = arith.subi %div3A_849, %sub3A_869 : i32
      %select_n3A_871 = arith.select %and3A_868, %sub3A_870, %div3A_849 : i32
      %mul3A_872 = arith.constant 16 : i32
      %mul3A_873 = arith.muli %select_n3A_871, %mul3A_872 : i32
      %slice3A_874 = vector.extract_strided_slice %get3A_590 {offsets = [4], sizes = [1], strides = [1]} : vector<8xi32> to vector<1xi32>
      %squeeze3A_875 = vector.extract %slice3A_874[0] : i32 from vector<1xi32>
      %jit3A_876 = arith.constant 16 : i32
      %eq3A_877 = arith.constant 0 : i32
      %eq3A_878 = arith.cmpi eq, %jit3A_876, %eq3A_877 : i32
      %jit3A_879 = arith.constant 1 : i32
      %select_n3A_880 = arith.select %eq3A_878, %jit3A_879, %jit3A_876 : i32
      %rem3A_881 = arith.remsi %squeeze3A_875, %select_n3A_880 : i32
      %ne3A_882 = arith.constant 0 : i32
      %ne3A_883 = arith.cmpi ne, %rem3A_881, %ne3A_882 : i32
      %lt3A_884 = arith.constant 0 : i32
      %lt3A_885 = arith.cmpi slt, %rem3A_881, %lt3A_884 : i32
      %lt3A_886 = arith.constant 0 : i32
      %lt3A_887 = arith.cmpi slt, %select_n3A_880, %lt3A_886 : i32
      %ne3A_888 = arith.xori %lt3A_885, %lt3A_887 : i1
      %and3A_889 = arith.andi %ne3A_888, %ne3A_883 : i1
      %add3A_890 = arith.addi %rem3A_881, %select_n3A_880 : i32
      %select_n3A_891 = arith.select %and3A_889, %add3A_890, %rem3A_881 : i32
      %eq3A_892 = vector.broadcast %select_n3A_891 : i32 to vector<16xi32>
      %eq3A_893 = arith.cmpi eq, %iota3A, %eq3A_892 : vector<16xi32>
      %slice3A_894 = vector.extract_strided_slice %get3A_593 {offsets = [4], sizes = [1], strides = [1]} : vector<8xf32> to vector<1xf32>
      %squeeze3A_895 = vector.extract %slice3A_894[0] : f32 from vector<1xf32>
      %jit3A_896 = arith.constant 0.000000e+00 : f32
      %broadcast_in_dim3A_897 = vector.broadcast %squeeze3A_895 : f32 to vector<16xf32>
      %broadcast_in_dim3A_898 = vector.broadcast %jit3A_896 : f32 to vector<16xf32>
      %select_n3A_899 = arith.select %eq3A_893, %broadcast_in_dim3A_897, %broadcast_in_dim3A_898 : vector<16xi1>, vector<16xf32>
      %slice3A_900 = vector.extract_strided_slice %get3A_587 {offsets = [4], sizes = [1], strides = [1]} : vector<8xi32> to vector<1xi32>
      %squeeze3A_901 = vector.extract %slice3A_900[0] : i32 from vector<1xi32>
      %swap3A_902 = arith.constant 4 : i32
      %swap3A_903 = arith.index_cast %swap3A_902 : i32 to index
      %swap3A_904 = arith.index_cast %squeeze3A_901 : i32 to index
      %swap3A_905 = arith.index_cast %mul3A_873 : i32 to index
      %swap3A_906 = tpu.vector_load %arg11[%swap3A_903, %swap3A_904, %swap3A_905] {strides = array<i32>} : memref<8x8x640xf32, #tpu.memory_space<vmem>>, vector<1x1x16xf32>,
      %swap3A_907 = vector.shape_cast %swap3A_906 : vector<1x1x16xf32> to vector<16xf32>
      %swap3A_908 = vector.shape_cast %select_n3A_899 : vector<16xf32> to vector<1x1x16xf32>
      tpu.vector_store %arg11[%swap3A_903, %swap3A_904, %swap3A_905], %swap3A_908 {strides = array<i32>} : memref<8x8x640xf32, #tpu.memory_space<vmem>>, vector<1x1x16xf32>,
      %slice3A_909 = vector.extract_strided_slice %get3A_590 {offsets = [5], sizes = [1], strides = [1]} : vector<8xi32> to vector<1xi32>
      %squeeze3A_910 = vector.extract %slice3A_909[0] : i32 from vector<1xi32>
      %jit3A_911 = arith.constant 16 : i32
      %div3A_912 = arith.divsi %squeeze3A_910, %jit3A_911 : i32
      %sign3A_913 = arith.constant 0 : i32
      %sign3A_914 = arith.cmpi sgt, %squeeze3A_910, %sign3A_913 : i32
      %sign3A_915 = arith.extui %sign3A_914 : i1 to i32
      %sign3A_916 = arith.constant 0 : i32
      %sign3A_917 = arith.cmpi slt, %squeeze3A_910, %sign3A_916 : i32
      %sign3A_918 = arith.extui %sign3A_917 : i1 to i32
      %sign3A_919 = arith.subi %sign3A_915, %sign3A_918 : i32
      %sign3A_920 = arith.constant 0 : i32
      %sign3A_921 = arith.cmpi sgt, %jit3A_911, %sign3A_920 : i32
      %sign3A_922 = arith.extui %sign3A_921 : i1 to i32
      %sign3A_923 = arith.constant 0 : i32
      %sign3A_924 = arith.cmpi slt, %jit3A_911, %sign3A_923 : i32
      %sign3A_925 = arith.extui %sign3A_924 : i1 to i32
      %sign3A_926 = arith.subi %sign3A_922, %sign3A_925 : i32
      %ne3A_927 = arith.cmpi ne, %sign3A_919, %sign3A_926 : i32
      %rem3A_928 = arith.remsi %squeeze3A_910, %jit3A_911 : i32
      %ne3A_929 = arith.constant 0 : i32
      %ne3A_930 = arith.cmpi ne, %rem3A_928, %ne3A_929 : i32
      %and3A_931 = arith.andi %ne3A_927, %ne3A_930 : i1
      %sub3A_932 = arith.constant 1 : i32
      %sub3A_933 = arith.subi %div3A_912, %sub3A_932 : i32
      %select_n3A_934 = arith.select %and3A_931, %sub3A_933, %div3A_912 : i32
      %mul3A_935 = arith.constant 16 : i32
      %mul3A_936 = arith.muli %select_n3A_934, %mul3A_935 : i32
      %slice3A_937 = vector.extract_strided_slice %get3A_590 {offsets = [5], sizes = [1], strides = [1]} : vector<8xi32> to vector<1xi32>
      %squeeze3A_938 = vector.extract %slice3A_937[0] : i32 from vector<1xi32>
      %jit3A_939 = arith.constant 16 : i32
      %eq3A_940 = arith.constant 0 : i32
      %eq3A_941 = arith.cmpi eq, %jit3A_939, %eq3A_940 : i32
      %jit3A_942 = arith.constant 1 : i32
      %select_n3A_943 = arith.select %eq3A_941, %jit3A_942, %jit3A_939 : i32
      %rem3A_944 = arith.remsi %squeeze3A_938, %select_n3A_943 : i32
      %ne3A_945 = arith.constant 0 : i32
      %ne3A_946 = arith.cmpi ne, %rem3A_944, %ne3A_945 : i32
      %lt3A_947 = arith.constant 0 : i32
      %lt3A_948 = arith.cmpi slt, %rem3A_944, %lt3A_947 : i32
      %lt3A_949 = arith.constant 0 : i32
      %lt3A_950 = arith.cmpi slt, %select_n3A_943, %lt3A_949 : i32
      %ne3A_951 = arith.xori %lt3A_948, %lt3A_950 : i1
      %and3A_952 = arith.andi %ne3A_951, %ne3A_946 : i1
      %add3A_953 = arith.addi %rem3A_944, %select_n3A_943 : i32
      %select_n3A_954 = arith.select %and3A_952, %add3A_953, %rem3A_944 : i32
      %eq3A_955 = vector.broadcast %select_n3A_954 : i32 to vector<16xi32>
      %eq3A_956 = arith.cmpi eq, %iota3A, %eq3A_955 : vector<16xi32>
      %slice3A_957 = vector.extract_strided_slice %get3A_593 {offsets = [5], sizes = [1], strides = [1]} : vector<8xf32> to vector<1xf32>
      %squeeze3A_958 = vector.extract %slice3A_957[0] : f32 from vector<1xf32>
      %jit3A_959 = arith.constant 0.000000e+00 : f32
      %broadcast_in_dim3A_960 = vector.broadcast %squeeze3A_958 : f32 to vector<16xf32>
      %broadcast_in_dim3A_961 = vector.broadcast %jit3A_959 : f32 to vector<16xf32>
      %select_n3A_962 = arith.select %eq3A_956, %broadcast_in_dim3A_960, %broadcast_in_dim3A_961 : vector<16xi1>, vector<16xf32>
      %slice3A_963 = vector.extract_strided_slice %get3A_587 {offsets = [5], sizes = [1], strides = [1]} : vector<8xi32> to vector<1xi32>
      %squeeze3A_964 = vector.extract %slice3A_963[0] : i32 from vector<1xi32>
      %swap3A_965 = arith.constant 5 : i32
      %swap3A_966 = arith.index_cast %swap3A_965 : i32 to index
      %swap3A_967 = arith.index_cast %squeeze3A_964 : i32 to index
      %swap3A_968 = arith.index_cast %mul3A_936 : i32 to index
      %swap3A_969 = tpu.vector_load %arg11[%swap3A_966, %swap3A_967, %swap3A_968] {strides = array<i32>} : memref<8x8x640xf32, #tpu.memory_space<vmem>>, vector<1x1x16xf32>,
      %swap3A_970 = vector.shape_cast %swap3A_969 : vector<1x1x16xf32> to vector<16xf32>
      %swap3A_971 = vector.shape_cast %select_n3A_962 : vector<16xf32> to vector<1x1x16xf32>
      tpu.vector_store %arg11[%swap3A_966, %swap3A_967, %swap3A_968], %swap3A_971 {strides = array<i32>} : memref<8x8x640xf32, #tpu.memory_space<vmem>>, vector<1x1x16xf32>,
      %slice3A_972 = vector.extract_strided_slice %get3A_590 {offsets = [6], sizes = [1], strides = [1]} : vector<8xi32> to vector<1xi32>
      %squeeze3A_973 = vector.extract %slice3A_972[0] : i32 from vector<1xi32>
      %jit3A_974 = arith.constant 16 : i32
      %div3A_975 = arith.divsi %squeeze3A_973, %jit3A_974 : i32
      %sign3A_976 = arith.constant 0 : i32
      %sign3A_977 = arith.cmpi sgt, %squeeze3A_973, %sign3A_976 : i32
      %sign3A_978 = arith.extui %sign3A_977 : i1 to i32
      %sign3A_979 = arith.constant 0 : i32
      %sign3A_980 = arith.cmpi slt, %squeeze3A_973, %sign3A_979 : i32
      %sign3A_981 = arith.extui %sign3A_980 : i1 to i32
      %sign3A_982 = arith.subi %sign3A_978, %sign3A_981 : i32
      %sign3A_983 = arith.constant 0 : i32
      %sign3A_984 = arith.cmpi sgt, %jit3A_974, %sign3A_983 : i32
      %sign3A_985 = arith.extui %sign3A_984 : i1 to i32
      %sign3A_986 = arith.constant 0 : i32
      %sign3A_987 = arith.cmpi slt, %jit3A_974, %sign3A_986 : i32
      %sign3A_988 = arith.extui %sign3A_987 : i1 to i32
      %sign3A_989 = arith.subi %sign3A_985, %sign3A_988 : i32
      %ne3A_990 = arith.cmpi ne, %sign3A_982, %sign3A_989 : i32
      %rem3A_991 = arith.remsi %squeeze3A_973, %jit3A_974 : i32
      %ne3A_992 = arith.constant 0 : i32
      %ne3A_993 = arith.cmpi ne, %rem3A_991, %ne3A_992 : i32
      %and3A_994 = arith.andi %ne3A_990, %ne3A_993 : i1
      %sub3A_995 = arith.constant 1 : i32
      %sub3A_996 = arith.subi %div3A_975, %sub3A_995 : i32
      %select_n3A_997 = arith.select %and3A_994, %sub3A_996, %div3A_975 : i32
      %mul3A_998 = arith.constant 16 : i32
      %mul3A_999 = arith.muli %select_n3A_997, %mul3A_998 : i32
      %slice3A_1000 = vector.extract_strided_slice %get3A_590 {offsets = [6], sizes = [1], strides = [1]} : vector<8xi32> to vector<1xi32>
      %squeeze3A_1001 = vector.extract %slice3A_1000[0] : i32 from vector<1xi32>
      %jit3A_1002 = arith.constant 16 : i32
      %eq3A_1003 = arith.constant 0 : i32
      %eq3A_1004 = arith.cmpi eq, %jit3A_1002, %eq3A_1003 : i32
      %jit3A_1005 = arith.constant 1 : i32
      %select_n3A_1006 = arith.select %eq3A_1004, %jit3A_1005, %jit3A_1002 : i32
      %rem3A_1007 = arith.remsi %squeeze3A_1001, %select_n3A_1006 : i32
      %ne3A_1008 = arith.constant 0 : i32
      %ne3A_1009 = arith.cmpi ne, %rem3A_1007, %ne3A_1008 : i32
      %lt3A_1010 = arith.constant 0 : i32
      %lt3A_1011 = arith.cmpi slt, %rem3A_1007, %lt3A_1010 : i32
      %lt3A_1012 = arith.constant 0 : i32
      %lt3A_1013 = arith.cmpi slt, %select_n3A_1006, %lt3A_1012 : i32
      %ne3A_1014 = arith.xori %lt3A_1011, %lt3A_1013 : i1
      %and3A_1015 = arith.andi %ne3A_1014, %ne3A_1009 : i1
      %add3A_1016 = arith.addi %rem3A_1007, %select_n3A_1006 : i32
      %select_n3A_1017 = arith.select %and3A_1015, %add3A_1016, %rem3A_1007 : i32
      %eq3A_1018 = vector.broadcast %select_n3A_1017 : i32 to vector<16xi32>
      %eq3A_1019 = arith.cmpi eq, %iota3A, %eq3A_1018 : vector<16xi32>
      %slice3A_1020 = vector.extract_strided_slice %get3A_593 {offsets = [6], sizes = [1], strides = [1]} : vector<8xf32> to vector<1xf32>
      %squeeze3A_1021 = vector.extract %slice3A_1020[0] : f32 from vector<1xf32>
      %jit3A_1022 = arith.constant 0.000000e+00 : f32
      %broadcast_in_dim3A_1023 = vector.broadcast %squeeze3A_1021 : f32 to vector<16xf32>
      %broadcast_in_dim3A_1024 = vector.broadcast %jit3A_1022 : f32 to vector<16xf32>
      %select_n3A_1025 = arith.select %eq3A_1019, %broadcast_in_dim3A_1023, %broadcast_in_dim3A_1024 : vector<16xi1>, vector<16xf32>
      %slice3A_1026 = vector.extract_strided_slice %get3A_587 {offsets = [6], sizes = [1], strides = [1]} : vector<8xi32> to vector<1xi32>
      %squeeze3A_1027 = vector.extract %slice3A_1026[0] : i32 from vector<1xi32>
      %swap3A_1028 = arith.constant 6 : i32
      %swap3A_1029 = arith.index_cast %swap3A_1028 : i32 to index
      %swap3A_1030 = arith.index_cast %squeeze3A_1027 : i32 to index
      %swap3A_1031 = arith.index_cast %mul3A_999 : i32 to index
      %swap3A_1032 = tpu.vector_load %arg11[%swap3A_1029, %swap3A_1030, %swap3A_1031] {strides = array<i32>} : memref<8x8x640xf32, #tpu.memory_space<vmem>>, vector<1x1x16xf32>,
      %swap3A_1033 = vector.shape_cast %swap3A_1032 : vector<1x1x16xf32> to vector<16xf32>
      %swap3A_1034 = vector.shape_cast %select_n3A_1025 : vector<16xf32> to vector<1x1x16xf32>
      tpu.vector_store %arg11[%swap3A_1029, %swap3A_1030, %swap3A_1031], %swap3A_1034 {strides = array<i32>} : memref<8x8x640xf32, #tpu.memory_space<vmem>>, vector<1x1x16xf32>,
      %slice3A_1035 = vector.extract_strided_slice %get3A_590 {offsets = [7], sizes = [1], strides = [1]} : vector<8xi32> to vector<1xi32>
      %squeeze3A_1036 = vector.extract %slice3A_1035[0] : i32 from vector<1xi32>
      %jit3A_1037 = arith.constant 16 : i32
      %div3A_1038 = arith.divsi %squeeze3A_1036, %jit3A_1037 : i32
      %sign3A_1039 = arith.constant 0 : i32
      %sign3A_1040 = arith.cmpi sgt, %squeeze3A_1036, %sign3A_1039 : i32
      %sign3A_1041 = arith.extui %sign3A_1040 : i1 to i32
      %sign3A_1042 = arith.constant 0 : i32
      %sign3A_1043 = arith.cmpi slt, %squeeze3A_1036, %sign3A_1042 : i32
      %sign3A_1044 = arith.extui %sign3A_1043 : i1 to i32
      %sign3A_1045 = arith.subi %sign3A_1041, %sign3A_1044 : i32
      %sign3A_1046 = arith.constant 0 : i32
      %sign3A_1047 = arith.cmpi sgt, %jit3A_1037, %sign3A_1046 : i32
      %sign3A_1048 = arith.extui %sign3A_1047 : i1 to i32
      %sign3A_1049 = arith.constant 0 : i32
      %sign3A_1050 = arith.cmpi slt, %jit3A_1037, %sign3A_1049 : i32
      %sign3A_1051 = arith.extui %sign3A_1050 : i1 to i32
      %sign3A_1052 = arith.subi %sign3A_1048, %sign3A_1051 : i32
      %ne3A_1053 = arith.cmpi ne, %sign3A_1045, %sign3A_1052 : i32
      %rem3A_1054 = arith.remsi %squeeze3A_1036, %jit3A_1037 : i32
      %ne3A_1055 = arith.constant 0 : i32
      %ne3A_1056 = arith.cmpi ne, %rem3A_1054, %ne3A_1055 : i32
      %and3A_1057 = arith.andi %ne3A_1053, %ne3A_1056 : i1
      %sub3A_1058 = arith.constant 1 : i32
      %sub3A_1059 = arith.subi %div3A_1038, %sub3A_1058 : i32
      %select_n3A_1060 = arith.select %and3A_1057, %sub3A_1059, %div3A_1038 : i32
      %mul3A_1061 = arith.constant 16 : i32
      %mul3A_1062 = arith.muli %select_n3A_1060, %mul3A_1061 : i32
      %slice3A_1063 = vector.extract_strided_slice %get3A_590 {offsets = [7], sizes = [1], strides = [1]} : vector<8xi32> to vector<1xi32>
      %squeeze3A_1064 = vector.extract %slice3A_1063[0] : i32 from vector<1xi32>
      %jit3A_1065 = arith.constant 16 : i32
      %eq3A_1066 = arith.constant 0 : i32
      %eq3A_1067 = arith.cmpi eq, %jit3A_1065, %eq3A_1066 : i32
      %jit3A_1068 = arith.constant 1 : i32
      %select_n3A_1069 = arith.select %eq3A_1067, %jit3A_1068, %jit3A_1065 : i32
      %rem3A_1070 = arith.remsi %squeeze3A_1064, %select_n3A_1069 : i32
      %ne3A_1071 = arith.constant 0 : i32
      %ne3A_1072 = arith.cmpi ne, %rem3A_1070, %ne3A_1071 : i32
      %lt3A_1073 = arith.constant 0 : i32
      %lt3A_1074 = arith.cmpi slt, %rem3A_1070, %lt3A_1073 : i32
      %lt3A_1075 = arith.constant 0 : i32
      %lt3A_1076 = arith.cmpi slt, %select_n3A_1069, %lt3A_1075 : i32
      %ne3A_1077 = arith.xori %lt3A_1074, %lt3A_1076 : i1
      %and3A_1078 = arith.andi %ne3A_1077, %ne3A_1072 : i1
      %add3A_1079 = arith.addi %rem3A_1070, %select_n3A_1069 : i32
      %select_n3A_1080 = arith.select %and3A_1078, %add3A_1079, %rem3A_1070 : i32
      %eq3A_1081 = vector.broadcast %select_n3A_1080 : i32 to vector<16xi32>
      %eq3A_1082 = arith.cmpi eq, %iota3A, %eq3A_1081 : vector<16xi32>
      %slice3A_1083 = vector.extract_strided_slice %get3A_593 {offsets = [7], sizes = [1], strides = [1]} : vector<8xf32> to vector<1xf32>
      %squeeze3A_1084 = vector.extract %slice3A_1083[0] : f32 from vector<1xf32>
      %jit3A_1085 = arith.constant 0.000000e+00 : f32
      %broadcast_in_dim3A_1086 = vector.broadcast %squeeze3A_1084 : f32 to vector<16xf32>
      %broadcast_in_dim3A_1087 = vector.broadcast %jit3A_1085 : f32 to vector<16xf32>
      %select_n3A_1088 = arith.select %eq3A_1082, %broadcast_in_dim3A_1086, %broadcast_in_dim3A_1087 : vector<16xi1>, vector<16xf32>
      %slice3A_1089 = vector.extract_strided_slice %get3A_587 {offsets = [7], sizes = [1], strides = [1]} : vector<8xi32> to vector<1xi32>
      %squeeze3A_1090 = vector.extract %slice3A_1089[0] : i32 from vector<1xi32>
      %swap3A_1091 = arith.constant 7 : i32
      %swap3A_1092 = arith.index_cast %swap3A_1091 : i32 to index
      %swap3A_1093 = arith.index_cast %squeeze3A_1090 : i32 to index
      %swap3A_1094 = arith.index_cast %mul3A_1062 : i32 to index
      %swap3A_1095 = tpu.vector_load %arg11[%swap3A_1092, %swap3A_1093, %swap3A_1094] {strides = array<i32>} : memref<8x8x640xf32, #tpu.memory_space<vmem>>, vector<1x1x16xf32>,
      %swap3A_1096 = vector.shape_cast %swap3A_1095 : vector<1x1x16xf32> to vector<16xf32>
      %swap3A_1097 = vector.shape_cast %select_n3A_1088 : vector<16xf32> to vector<1x1x16xf32>
      tpu.vector_store %arg11[%swap3A_1092, %swap3A_1093, %swap3A_1094], %swap3A_1097 {strides = array<i32>} : memref<8x8x640xf32, #tpu.memory_space<vmem>>, vector<1x1x16xf32>,
      %mul3A_1098 = arith.constant 8 : i32
      %mul3A_1099 = arith.muli %add3A_65, %mul3A_1098 : i32
      %add3A_1100 = arith.addi %mul3A_2, %mul3A_1099 : i32
      %dma_start3A_1101 = arith.constant 0 : i32
      %dma_start3A_1102 = arith.constant 0 : i32
      %dma_start3A_1103 = tpu.memref_slice %arg6[%add3A_1100, %dma_start3A_1101, %dma_start3A_1102] : memref<4096x8x640xf32, #tpu.memory_space<hbm>> -> memref<8x8x640xf32, #tpu.memory_space<hbm>>
      %dma_start3A_1104 = arith.constant 0 : i32
      %dma_start3A_1105 = arith.constant 0 : i32
      %dma_start3A_1106 = tpu.memref_slice %arg6[%add3A_1100, %dma_start3A_1104, %dma_start3A_1105] : memref<4096x8x640xf32, #tpu.memory_space<hbm>> -> memref<8x8x640xf32, #tpu.memory_space<hbm>>
      tpu.enqueue_dma source(%arg11 : memref<8x8x640xf32, #tpu.memory_space<vmem>>) target(%dma_start3A_1106 : memref<8x8x640xf32, #tpu.memory_space<hbm>>) target_semaphore(%arg13 : memref<!tpu.dma_semaphore, #tpu.memory_space<semaphore_mem>>)
    }
    %scan3A_42 = arith.constant 8 : i32
    %add3A_43 = arith.constant 0 : i32
    %add3A_44 = arith.addi %mul3A_2, %add3A_43 : i32
    %dma_wait3A_45 = arith.constant 0 : i32
    %dma_wait3A_46 = arith.constant 0 : i32
    %dma_wait3A_47 = tpu.memref_slice %arg6[%add3A_44, %dma_wait3A_45, %dma_wait3A_46] : memref<4096x8x640xf32, #tpu.memory_space<hbm>> -> memref<8x8x640xf32, #tpu.memory_space<hbm>>
    %dma_wait3A_48 = arith.constant 0 : i32
    %dma_wait3A_49 = arith.constant 0 : i32
    %dma_wait3A_50 = tpu.memref_slice %arg6[%add3A_44, %dma_wait3A_48, %dma_wait3A_49] : memref<4096x8x640xf32, #tpu.memory_space<hbm>> -> memref<8x8x640xf32, #tpu.memory_space<hbm>>
    tpu.wait_dma2 semaphore(%arg12 : memref<!tpu.dma_semaphore, #tpu.memory_space<semaphore_mem>>) src(%arg10 : memref<8x8x640xf32, #tpu.memory_space<vmem>>) dst(%dma_wait3A_50 : memref<8x8x640xf32, #tpu.memory_space<hbm>>)
    %add3A_51 = arith.constant 8 : i32
    %add3A_52 = arith.addi %mul3A_2, %add3A_51 : i32
    %dma_wait3A_53 = arith.constant 0 : i32
    %dma_wait3A_54 = arith.constant 0 : i32
    %dma_wait3A_55 = tpu.memref_slice %arg6[%add3A_52, %dma_wait3A_53, %dma_wait3A_54] : memref<4096x8x640xf32, #tpu.memory_space<hbm>> -> memref<8x8x640xf32, #tpu.memory_space<hbm>>
    %dma_wait3A_56 = arith.constant 0 : i32
    %dma_wait3A_57 = arith.constant 0 : i32
    %dma_wait3A_58 = tpu.memref_slice %arg6[%add3A_52, %dma_wait3A_56, %dma_wait3A_57] : memref<4096x8x640xf32, #tpu.memory_space<hbm>> -> memref<8x8x640xf32, #tpu.memory_space<hbm>>
    tpu.wait_dma2 semaphore(%arg13 : memref<!tpu.dma_semaphore, #tpu.memory_space<semaphore_mem>>) src(%arg11 : memref<8x8x640xf32, #tpu.memory_space<vmem>>) dst(%dma_wait3A_58 : memref<8x8x640xf32, #tpu.memory_space<hbm>>)
    return
  }
}

module attributes {stable_mosaic.version = 14 : i64} {
  func.func @_route_block(%arg0: i32, %arg1: memref<1024x768xf32, #tpu.memory_space<vmem>>, %arg2: memref<768x8xf32, #tpu.memory_space<vmem>>, %arg3: memref<1x8xf32, #tpu.memory_space<vmem>>, %arg4: memref<8x128xi32, #tpu.memory_space<vmem>>, %arg5: memref<8x128xi32, #tpu.memory_space<vmem>>, %arg6: memref<8x128xf32, #tpu.memory_space<vmem>>, %arg7: memref<1x8xf32, #tpu.memory_space<vmem>>) attributes {dimension_semantics = [#tpu.dimension_semantics<arbitrary>], iteration_bounds = array<i64: 4>, scalar_prefetch = 0 : i64, scratch_operands = 1 : i64, tpu.core_type = #tpu.core_type<tc>, window_params = [{transform_indices = @transform_0, window_bounds = array<i64: 1024, 768>}, {pipeline_mode = #tpu.pipeline_mode<synchronous>, transform_indices = @transform_1, window_bounds = array<i64: 768, 8>}, {pipeline_mode = #tpu.pipeline_mode<synchronous>, transform_indices = @transform_2, window_bounds = array<i64: 1, 8>}, {transform_indices = @transform_3, window_bounds = array<i64: 8, 128>}, {transform_indices = @transform_4, window_bounds = array<i64: 8, 128>}, {transform_indices = @transform_5, window_bounds = array<i64: 8, 128>}]} {
    %eq3A = arith.constant 0 : i32
    %eq3A_0 = arith.cmpi eq, %arg0, %eq3A : i32
    %convert_element_type3A = arith.extui %eq3A_0 : i1 to i32
    %cond3A = arith.constant 0 : i32
    %cond3A_1 = arith.cmpi ne, %convert_element_type3A, %cond3A : i32
    scf.if %cond3A_1 {
      %broadcast_in_dim3A_142 = arith.constant 0.000000e+00 : f32
      %broadcast_in_dim3A_143 = vector.broadcast %broadcast_in_dim3A_142 : f32 to vector<1x8xf32>
      %swap3A_144 = arith.constant 0 : index
      %swap3A_145 = arith.constant 0 : index
      %swap3A_146 = vector.load %arg7[%swap3A_144, %swap3A_145] : memref<1x8xf32, #tpu.memory_space<vmem>>, vector<1x8xf32>
      tpu.vector_store %arg7[%swap3A_144, %swap3A_145], %broadcast_in_dim3A_143 {strides = array<i32>} : memref<1x8xf32, #tpu.memory_space<vmem>>, vector<1x8xf32>,
    } else {
    }
    %get3A = arith.constant 0 : index
    %get3A_2 = arith.constant 0 : index
    %get3A_3 = vector.load %arg1[%get3A, %get3A_2] : memref<1024x768xf32, #tpu.memory_space<vmem>>, vector<1024x768xf32>
    %get3A_4 = arith.constant 0 : index
    %get3A_5 = arith.constant 0 : index
    %get3A_6 = vector.load %arg2[%get3A_4, %get3A_5] : memref<768x8xf32, #tpu.memory_space<vmem>>, vector<768x8xf32>
    %get3A_7 = arith.constant 0 : index
    %get3A_8 = arith.constant 0 : index
    %get3A_9 = vector.load %arg3[%get3A_7, %get3A_8] : memref<1x8xf32, #tpu.memory_space<vmem>>, vector<1x8xf32>
    %dot_general3A = arith.constant dense<0.000000e+00> : vector<1024x8xf32>
    %dot_general3A_10 = tpu.matmul %get3A_3, %get3A_6, %dot_general3A {dimension_numbers = #tpu.dot_dimension_numbers<[1], [0], [0], [1], [0, 0, 1, 1], [], []>, transpose_lhs_hint = false} : vector<1024x768xf32>, vector<768x8xf32>, vector<1024x8xf32> -> vector<1024x8xf32>
    %add3A = vector.broadcast %get3A_9 : vector<1x8xf32> to vector<1024x8xf32>
    %add3A_11 = arith.addf %dot_general3A_10, %add3A : vector<1024x8xf32>
    %reduce_max3A = arith.constant dense<0xFF800000> : vector<1024xf32>
    %reduce_max3A_12 = vector.multi_reduction <maximumf>, %add3A_11, %reduce_max3A [1] : vector<1024x8xf32> to vector<1024xf32>
    %broadcast_in_dim3A = vector.shape_cast %reduce_max3A_12 : vector<1024xf32> to vector<1024x1xf32>
    %sub3A = vector.broadcast %broadcast_in_dim3A : vector<1024x1xf32> to vector<1024x8xf32>
    %sub3A_13 = arith.subf %add3A_11, %sub3A : vector<1024x8xf32>
    %exp3A = math.exp %sub3A_13 : vector<1024x8xf32>
    %reduce_sum3A = arith.constant dense<0.000000e+00> : vector<1024xf32>
    %reduce_sum3A_14 = vector.multi_reduction <add>, %exp3A, %reduce_sum3A [1] : vector<1024x8xf32> to vector<1024xf32>
    %broadcast_in_dim3A_15 = vector.shape_cast %reduce_sum3A_14 : vector<1024xf32> to vector<1024x1xf32>
    %div3A = arith.constant 1.000000e+00 : f32
    %div3A_16 = vector.broadcast %div3A : f32 to vector<1024x1xf32>
    %div3A_17 = arith.divf %div3A_16, %broadcast_in_dim3A_15 : vector<1024x1xf32>
    %iota3A = tpu.iota {dimensions = array<i32: 1>} : vector<1024x8xi32>
    %eq3A_18 = vector.broadcast %broadcast_in_dim3A : vector<1024x1xf32> to vector<1024x8xf32>
    %eq3A_19 = arith.cmpf oeq, %add3A_11, %eq3A_18 : vector<1024x8xf32>
    %jit3A = arith.constant 8 : i32
    %broadcast_in_dim3A_20 = vector.broadcast %jit3A : i32 to vector<1024x8xi32>
    %select_n3A = arith.select %eq3A_19, %iota3A, %broadcast_in_dim3A_20 : vector<1024x8xi1>, vector<1024x8xi32>
    %reduce_min3A = arith.constant dense<2147483647> : vector<1024xi32>
    %reduce_min3A_21 = vector.multi_reduction <minsi>, %select_n3A, %reduce_min3A [1] : vector<1024x8xi32> to vector<1024xi32>
    %broadcast_in_dim3A_22 = vector.shape_cast %reduce_min3A_21 : vector<1024xi32> to vector<1024x1xi32>
    %eq3A_23 = vector.broadcast %broadcast_in_dim3A_22 : vector<1024x1xi32> to vector<1024x8xi32>
    %eq3A_24 = arith.cmpi eq, %iota3A, %eq3A_23 : vector<1024x8xi32>
    %convert_element_type3A_25 = arith.extui %eq3A_24 : vector<1024x8xi1> to vector<1024x8xi32>
    %convert_element_type3A_26 = arith.sitofp %convert_element_type3A_25 : vector<1024x8xi32> to vector<1024x8xf32>
    %iota3A_27 = tpu.iota {dimensions = array<i32: 0>} : vector<1024x1024xi32>
    %iota3A_28 = tpu.iota {dimensions = array<i32: 1>} : vector<1024x1024xi32>
    %ge3A = arith.cmpi sge, %iota3A_27, %iota3A_28 : vector<1024x1024xi32>
    %convert_element_type3A_29 = arith.extui %ge3A : vector<1024x1024xi1> to vector<1024x1024xi32>
    %convert_element_type3A_30 = arith.sitofp %convert_element_type3A_29 : vector<1024x1024xi32> to vector<1024x1024xf32>
    %dot_general3A_31 = arith.constant dense<0.000000e+00> : vector<1024x8xf32>
    %dot_general3A_32 = tpu.matmul %convert_element_type3A_30, %convert_element_type3A_26, %dot_general3A_31 {dimension_numbers = #tpu.dot_dimension_numbers<[1], [0], [0], [1], [0, 0, 1, 1], [], []>, transpose_lhs_hint = false} : vector<1024x1024xf32>, vector<1024x8xf32>, vector<1024x8xf32> -> vector<1024x8xf32>
    %get3A_33 = arith.constant 0 : index
    %get3A_34 = arith.constant 0 : index
    %get3A_35 = vector.load %arg7[%get3A_33, %get3A_34] : memref<1x8xf32, #tpu.memory_space<vmem>>, vector<1x8xf32>
    %add3A_36 = vector.broadcast %get3A_35 : vector<1x8xf32> to vector<1024x8xf32>
    %add3A_37 = arith.addf %dot_general3A_32, %add3A_36 : vector<1024x8xf32>
    %mul3A = arith.mulf %convert_element_type3A_26, %add3A_37 : vector<1024x8xf32>
    %reduce_sum3A_38 = arith.constant dense<0.000000e+00> : vector<1024xf32>
    %reduce_sum3A_39 = vector.multi_reduction <add>, %mul3A, %reduce_sum3A_38 [1] : vector<1024x8xf32> to vector<1024xf32>
    %broadcast_in_dim3A_40 = vector.shape_cast %reduce_sum3A_39 : vector<1024xf32> to vector<1024x1xf32>
    %reduce_sum3A_41 = arith.constant dense<0.000000e+00> : vector<8xf32>
    %reduce_sum3A_42 = vector.multi_reduction <add>, %convert_element_type3A_26, %reduce_sum3A_41 [0] : vector<1024x8xf32> to vector<8xf32>
    %broadcast_in_dim3A_43 = vector.shape_cast %reduce_sum3A_42 : vector<8xf32> to vector<1x8xf32>
    %add3A_44 = arith.addf %get3A_35, %broadcast_in_dim3A_43 : vector<1x8xf32>
    %swap3A = arith.constant 0 : index
    %swap3A_45 = arith.constant 0 : index
    %swap3A_46 = vector.load %arg7[%swap3A, %swap3A_45] : memref<1x8xf32, #tpu.memory_space<vmem>>, vector<1x8xf32>
    tpu.vector_store %arg7[%swap3A, %swap3A_45], %add3A_44 {strides = array<i32>} : memref<1x8xf32, #tpu.memory_space<vmem>>, vector<1x8xf32>,
    %convert_element_type3A_47 = arith.fptosi %broadcast_in_dim3A_40 : vector<1024x1xf32> to vector<1024x1xi32>
    %ge3A_48 = arith.constant 640 : i32
    %ge3A_49 = vector.broadcast %ge3A_48 : i32 to vector<1024x1xi32>
    %ge3A_50 = arith.cmpi sge, %convert_element_type3A_47, %ge3A_49 : vector<1024x1xi32>
    %convert_element_type3A_51 = arith.sitofp %broadcast_in_dim3A_22 : vector<1024x1xi32> to vector<1024x1xf32>
    %jit3A_52 = arith.constant 0.000000e+00 : f32
    %broadcast_in_dim3A_53 = vector.broadcast %jit3A_52 : f32 to vector<1024x1xf32>
    %select_n3A_54 = arith.select %ge3A_50, %broadcast_in_dim3A_53, %convert_element_type3A_51 : vector<1024x1xi1>, vector<1024x1xf32>
    %jit3A_55 = arith.constant 0.000000e+00 : f32
    %broadcast_in_dim3A_56 = vector.broadcast %jit3A_55 : f32 to vector<1024x1xf32>
    %select_n3A_57 = arith.select %ge3A_50, %broadcast_in_dim3A_56, %broadcast_in_dim3A_40 : vector<1024x1xi1>, vector<1024x1xf32>
    %jit3A_58 = arith.constant 0.000000e+00 : f32
    %broadcast_in_dim3A_59 = vector.broadcast %jit3A_58 : f32 to vector<1024x1xf32>
    %select_n3A_60 = arith.select %ge3A_50, %broadcast_in_dim3A_59, %div3A_17 : vector<1024x1xi1>, vector<1024x1xf32>
    %iota3A_61 = tpu.iota {dimensions = array<i32: 1>} : vector<8x1024xi32>
    %iota3A_62 = tpu.iota {dimensions = array<i32: 0>} : vector<8x1024xi32>
    %jit3A_63 = arith.constant 128 : i32
    %div3A_64 = vector.broadcast %jit3A_63 : i32 to vector<8x1024xi32>
    %div3A_65 = arith.divsi %iota3A_61, %div3A_64 : vector<8x1024xi32>
    %sign3A = arith.constant 0 : i32
    %sign3A_66 = vector.broadcast %sign3A : i32 to vector<8x1024xi32>
    %sign3A_67 = arith.cmpi sgt, %iota3A_61, %sign3A_66 : vector<8x1024xi32>
    %sign3A_68 = arith.extui %sign3A_67 : vector<8x1024xi1> to vector<8x1024xi32>
    %sign3A_69 = arith.constant 0 : i32
    %sign3A_70 = vector.broadcast %sign3A_69 : i32 to vector<8x1024xi32>
    %sign3A_71 = arith.cmpi slt, %iota3A_61, %sign3A_70 : vector<8x1024xi32>
    %sign3A_72 = arith.extui %sign3A_71 : vector<8x1024xi1> to vector<8x1024xi32>
    %sign3A_73 = arith.subi %sign3A_68, %sign3A_72 : vector<8x1024xi32>
    %sign3A_74 = arith.constant 0 : i32
    %sign3A_75 = arith.cmpi sgt, %jit3A_63, %sign3A_74 : i32
    %sign3A_76 = arith.extui %sign3A_75 : i1 to i32
    %sign3A_77 = arith.constant 0 : i32
    %sign3A_78 = arith.cmpi slt, %jit3A_63, %sign3A_77 : i32
    %sign3A_79 = arith.extui %sign3A_78 : i1 to i32
    %sign3A_80 = arith.subi %sign3A_76, %sign3A_79 : i32
    %ne3A = vector.broadcast %sign3A_80 : i32 to vector<8x1024xi32>
    %ne3A_81 = arith.cmpi ne, %sign3A_73, %ne3A : vector<8x1024xi32>
    %rem3A = vector.broadcast %jit3A_63 : i32 to vector<8x1024xi32>
    %rem3A_82 = arith.remsi %iota3A_61, %rem3A : vector<8x1024xi32>
    %ne3A_83 = arith.constant 0 : i32
    %ne3A_84 = vector.broadcast %ne3A_83 : i32 to vector<8x1024xi32>
    %ne3A_85 = arith.cmpi ne, %rem3A_82, %ne3A_84 : vector<8x1024xi32>
    %and3A = arith.andi %ne3A_81, %ne3A_85 : vector<8x1024xi1>
    %sub3A_86 = arith.constant 1 : i32
    %sub3A_87 = vector.broadcast %sub3A_86 : i32 to vector<8x1024xi32>
    %sub3A_88 = arith.subi %div3A_65, %sub3A_87 : vector<8x1024xi32>
    %select_n3A_89 = arith.select %and3A, %sub3A_88, %div3A_65 : vector<8x1024xi1>, vector<8x1024xi32>
    %eq3A_90 = arith.cmpi eq, %select_n3A_89, %iota3A_62 : vector<8x1024xi32>
    %convert_element_type3A_91 = arith.extui %eq3A_90 : vector<8x1024xi1> to vector<8x1024xi32>
    %convert_element_type3A_92 = arith.sitofp %convert_element_type3A_91 : vector<8x1024xi32> to vector<8x1024xf32>
    %iota3A_93 = tpu.iota {dimensions = array<i32: 0>} : vector<1024x128xi32>
    %iota3A_94 = tpu.iota {dimensions = array<i32: 1>} : vector<1024x128xi32>
    %jit3A_95 = arith.constant 128 : i32
    %eq3A_96 = arith.constant 0 : i32
    %eq3A_97 = arith.cmpi eq, %jit3A_95, %eq3A_96 : i32
    %jit3A_98 = arith.constant 1 : i32
    %select_n3A_99 = arith.select %eq3A_97, %jit3A_98, %jit3A_95 : i32
    %rem3A_100 = vector.broadcast %select_n3A_99 : i32 to vector<1024x128xi32>
    %rem3A_101 = arith.remsi %iota3A_93, %rem3A_100 : vector<1024x128xi32>
    %ne3A_102 = arith.constant 0 : i32
    %ne3A_103 = vector.broadcast %ne3A_102 : i32 to vector<1024x128xi32>
    %ne3A_104 = arith.cmpi ne, %rem3A_101, %ne3A_103 : vector<1024x128xi32>
    %lt3A = arith.constant 0 : i32
    %lt3A_105 = vector.broadcast %lt3A : i32 to vector<1024x128xi32>
    %lt3A_106 = arith.cmpi slt, %rem3A_101, %lt3A_105 : vector<1024x128xi32>
    %lt3A_107 = arith.constant 0 : i32
    %lt3A_108 = arith.cmpi slt, %select_n3A_99, %lt3A_107 : i32
    %ne3A_109 = vector.broadcast %lt3A_108 : i1 to vector<1024x128xi1>
    %ne3A_110 = vector.broadcast %ne3A_109 : vector<1024x128xi1> to vector<1024x128xi1>
    %ne3A_111 = arith.xori %lt3A_106, %ne3A_110 : vector<1024x128xi1>
    %and3A_112 = arith.andi %ne3A_111, %ne3A_104 : vector<1024x128xi1>
    %add3A_113 = vector.broadcast %select_n3A_99 : i32 to vector<1024x128xi32>
    %add3A_114 = arith.addi %rem3A_101, %add3A_113 : vector<1024x128xi32>
    %select_n3A_115 = arith.select %and3A_112, %add3A_114, %rem3A_101 : vector<1024x128xi1>, vector<1024x128xi32>
    %eq3A_116 = arith.cmpi eq, %select_n3A_115, %iota3A_94 : vector<1024x128xi32>
    %convert_element_type3A_117 = arith.extui %eq3A_116 : vector<1024x128xi1> to vector<1024x128xi32>
    %convert_element_type3A_118 = arith.sitofp %convert_element_type3A_117 : vector<1024x128xi32> to vector<1024x128xf32>
    %mul3A_119 = vector.broadcast %select_n3A_54 : vector<1024x1xf32> to vector<1024x128xf32>
    %mul3A_120 = arith.mulf %mul3A_119, %convert_element_type3A_118 : vector<1024x128xf32>
    %dot_general3A_121 = arith.constant dense<0.000000e+00> : vector<8x128xf32>
    %dot_general3A_122 = tpu.matmul %convert_element_type3A_92, %mul3A_120, %dot_general3A_121 {dimension_numbers = #tpu.dot_dimension_numbers<[1], [0], [0], [1], [0, 0, 1, 1], [], []>, precision = #tpu.contract_precision<fp32>, transpose_lhs_hint = false} : vector<8x1024xf32>, vector<1024x128xf32>, vector<8x128xf32> -> vector<8x128xf32>
    %convert_element_type3A_123 = arith.fptosi %dot_general3A_122 : vector<8x128xf32> to vector<8x128xi32>
    %swap3A_124 = arith.constant 0 : index
    %swap3A_125 = arith.constant 0 : index
    %swap3A_126 = vector.load %arg4[%swap3A_124, %swap3A_125] : memref<8x128xi32, #tpu.memory_space<vmem>>, vector<8x128xi32>
    tpu.vector_store %arg4[%swap3A_124, %swap3A_125], %convert_element_type3A_123 {strides = array<i32>} : memref<8x128xi32, #tpu.memory_space<vmem>>, vector<8x128xi32>,
    %mul3A_127 = vector.broadcast %select_n3A_57 : vector<1024x1xf32> to vector<1024x128xf32>
    %mul3A_128 = arith.mulf %mul3A_127, %convert_element_type3A_118 : vector<1024x128xf32>
    %dot_general3A_129 = arith.constant dense<0.000000e+00> : vector<8x128xf32>
    %dot_general3A_130 = tpu.matmul %convert_element_type3A_92, %mul3A_128, %dot_general3A_129 {dimension_numbers = #tpu.dot_dimension_numbers<[1], [0], [0], [1], [0, 0, 1, 1], [], []>, precision = #tpu.contract_precision<fp32>, transpose_lhs_hint = false} : vector<8x1024xf32>, vector<1024x128xf32>, vector<8x128xf32> -> vector<8x128xf32>
    %convert_element_type3A_131 = arith.fptosi %dot_general3A_130 : vector<8x128xf32> to vector<8x128xi32>
    %swap3A_132 = arith.constant 0 : index
    %swap3A_133 = arith.constant 0 : index
    %swap3A_134 = vector.load %arg5[%swap3A_132, %swap3A_133] : memref<8x128xi32, #tpu.memory_space<vmem>>, vector<8x128xi32>
    tpu.vector_store %arg5[%swap3A_132, %swap3A_133], %convert_element_type3A_131 {strides = array<i32>} : memref<8x128xi32, #tpu.memory_space<vmem>>, vector<8x128xi32>,
    %mul3A_135 = vector.broadcast %select_n3A_60 : vector<1024x1xf32> to vector<1024x128xf32>
    %mul3A_136 = arith.mulf %mul3A_135, %convert_element_type3A_118 : vector<1024x128xf32>
    %dot_general3A_137 = arith.constant dense<0.000000e+00> : vector<8x128xf32>
    %dot_general3A_138 = tpu.matmul %convert_element_type3A_92, %mul3A_136, %dot_general3A_137 {dimension_numbers = #tpu.dot_dimension_numbers<[1], [0], [0], [1], [0, 0, 1, 1], [], []>, precision = #tpu.contract_precision<fp32>, transpose_lhs_hint = false} : vector<8x1024xf32>, vector<1024x128xf32>, vector<8x128xf32> -> vector<8x128xf32>
    %swap3A_139 = arith.constant 0 : index
    %swap3A_140 = arith.constant 0 : index
    %swap3A_141 = vector.load %arg6[%swap3A_139, %swap3A_140] : memref<8x128xf32, #tpu.memory_space<vmem>>, vector<8x128xf32>
    tpu.vector_store %arg6[%swap3A_139, %swap3A_140], %dot_general3A_138 {strides = array<i32>} : memref<8x128xf32, #tpu.memory_space<vmem>>, vector<8x128xf32>,
    return
  }
  func.func @transform_0(%arg0: i32) -> (i32, i32) {
    %c0_i32 = arith.constant 0 : i32
    %c0_i32_0 = arith.constant 0 : i32
    return %arg0, %c0_i32 : i32, i32
  }
  func.func @transform_1(%arg0: i32) -> (i32, i32) {
    %c0_i32 = arith.constant 0 : i32
    %c0_i32_0 = arith.constant 0 : i32
    %c0_i32_1 = arith.constant 0 : i32
    return %c0_i32, %c0_i32_0 : i32, i32
  }
  func.func @transform_2(%arg0: i32) -> (i32, i32) {
    %c0_i32 = arith.constant 0 : i32
    %c0_i32_0 = arith.constant 0 : i32
    %c0_i32_1 = arith.constant 0 : i32
    return %c0_i32, %c0_i32_0 : i32, i32
  }
  func.func @transform_3(%arg0: i32) -> (i32, i32) {
    %c0_i32 = arith.constant 0 : i32
    %c0_i32_0 = arith.constant 0 : i32
    return %arg0, %c0_i32 : i32, i32
  }
  func.func @transform_4(%arg0: i32) -> (i32, i32) {
    %c0_i32 = arith.constant 0 : i32
    %c0_i32_0 = arith.constant 0 : i32
    return %arg0, %c0_i32 : i32, i32
  }
  func.func @transform_5(%arg0: i32) -> (i32, i32) {
    %c0_i32 = arith.constant 0 : i32
    %c0_i32_0 = arith.constant 0 : i32
    return %arg0, %c0_i32 : i32, i32
  }
}

module attributes {stable_mosaic.version = 14 : i64} {
  func.func @_dispatch_block(%arg0: i32, %arg1: memref<256x768xf32, #tpu.memory_space<vmem>>, %arg2: memref<768x8xf32, #tpu.memory_space<vmem>>, %arg3: memref<1x8xf32, #tpu.memory_space<vmem>>, %arg4: memref<256x8x640xf32, #tpu.memory_space<vmem>>, %arg5: memref<1x8xf32, #tpu.memory_space<vmem>>) attributes {dimension_semantics = [#tpu.dimension_semantics<arbitrary>], iteration_bounds = array<i64: 16>, scalar_prefetch = 0 : i64, scratch_operands = 1 : i64, tpu.core_type = #tpu.core_type<tc>, window_params = [{transform_indices = @transform_0, window_bounds = array<i64: 256, 768>}, {pipeline_mode = #tpu.pipeline_mode<synchronous>, transform_indices = @transform_1, window_bounds = array<i64: 768, 8>}, {pipeline_mode = #tpu.pipeline_mode<synchronous>, transform_indices = @transform_2, window_bounds = array<i64: 1, 8>}, {transform_indices = @transform_3, window_bounds = array<i64: 256, 8, 640>}]} {
    %eq3A = arith.constant 0 : i32
    %eq3A_0 = arith.cmpi eq, %arg0, %eq3A : i32
    %convert_element_type3A = arith.extui %eq3A_0 : i1 to i32
    %cond3A = arith.constant 0 : i32
    %cond3A_1 = arith.cmpi ne, %convert_element_type3A, %cond3A : i32
    scf.if %cond3A_1 {
      %broadcast_in_dim3A_65 = arith.constant 0.000000e+00 : f32
      %broadcast_in_dim3A_66 = vector.broadcast %broadcast_in_dim3A_65 : f32 to vector<1x8xf32>
      %swap3A_67 = arith.constant 0 : index
      %swap3A_68 = arith.constant 0 : index
      %swap3A_69 = vector.load %arg5[%swap3A_67, %swap3A_68] : memref<1x8xf32, #tpu.memory_space<vmem>>, vector<1x8xf32>
      tpu.vector_store %arg5[%swap3A_67, %swap3A_68], %broadcast_in_dim3A_66 {strides = array<i32>} : memref<1x8xf32, #tpu.memory_space<vmem>>, vector<1x8xf32>,
    } else {
    }
    %get3A = arith.constant 0 : index
    %get3A_2 = arith.constant 0 : index
    %get3A_3 = vector.load %arg1[%get3A, %get3A_2] : memref<256x768xf32, #tpu.memory_space<vmem>>, vector<256x768xf32>
    %get3A_4 = arith.constant 0 : index
    %get3A_5 = arith.constant 0 : index
    %get3A_6 = vector.load %arg2[%get3A_4, %get3A_5] : memref<768x8xf32, #tpu.memory_space<vmem>>, vector<768x8xf32>
    %get3A_7 = arith.constant 0 : index
    %get3A_8 = arith.constant 0 : index
    %get3A_9 = vector.load %arg3[%get3A_7, %get3A_8] : memref<1x8xf32, #tpu.memory_space<vmem>>, vector<1x8xf32>
    %dot_general3A = arith.constant dense<0.000000e+00> : vector<256x8xf32>
    %dot_general3A_10 = tpu.matmul %get3A_3, %get3A_6, %dot_general3A {dimension_numbers = #tpu.dot_dimension_numbers<[1], [0], [0], [1], [0, 0, 1, 1], [], []>, transpose_lhs_hint = false} : vector<256x768xf32>, vector<768x8xf32>, vector<256x8xf32> -> vector<256x8xf32>
    %add3A = vector.broadcast %get3A_9 : vector<1x8xf32> to vector<256x8xf32>
    %add3A_11 = arith.addf %dot_general3A_10, %add3A : vector<256x8xf32>
    %reduce_max3A = arith.constant dense<0xFF800000> : vector<256xf32>
    %reduce_max3A_12 = vector.multi_reduction <maximumf>, %add3A_11, %reduce_max3A [1] : vector<256x8xf32> to vector<256xf32>
    %broadcast_in_dim3A = vector.shape_cast %reduce_max3A_12 : vector<256xf32> to vector<256x1xf32>
    %sub3A = vector.broadcast %broadcast_in_dim3A : vector<256x1xf32> to vector<256x8xf32>
    %sub3A_13 = arith.subf %add3A_11, %sub3A : vector<256x8xf32>
    %exp3A = math.exp %sub3A_13 : vector<256x8xf32>
    %reduce_sum3A = arith.constant dense<0.000000e+00> : vector<256xf32>
    %reduce_sum3A_14 = vector.multi_reduction <add>, %exp3A, %reduce_sum3A [1] : vector<256x8xf32> to vector<256xf32>
    %broadcast_in_dim3A_15 = vector.shape_cast %reduce_sum3A_14 : vector<256xf32> to vector<256x1xf32>
    %div3A = arith.constant 1.000000e+00 : f32
    %div3A_16 = vector.broadcast %div3A : f32 to vector<256x1xf32>
    %div3A_17 = arith.divf %div3A_16, %broadcast_in_dim3A_15 : vector<256x1xf32>
    %iota3A = tpu.iota {dimensions = array<i32: 1>} : vector<256x8xi32>
    %eq3A_18 = vector.broadcast %broadcast_in_dim3A : vector<256x1xf32> to vector<256x8xf32>
    %eq3A_19 = arith.cmpf oeq, %add3A_11, %eq3A_18 : vector<256x8xf32>
    %jit3A = arith.constant 8 : i32
    %broadcast_in_dim3A_20 = vector.broadcast %jit3A : i32 to vector<256x8xi32>
    %select_n3A = arith.select %eq3A_19, %iota3A, %broadcast_in_dim3A_20 : vector<256x8xi1>, vector<256x8xi32>
    %reduce_min3A = arith.constant dense<2147483647> : vector<256xi32>
    %reduce_min3A_21 = vector.multi_reduction <minsi>, %select_n3A, %reduce_min3A [1] : vector<256x8xi32> to vector<256xi32>
    %broadcast_in_dim3A_22 = vector.shape_cast %reduce_min3A_21 : vector<256xi32> to vector<256x1xi32>
    %eq3A_23 = vector.broadcast %broadcast_in_dim3A_22 : vector<256x1xi32> to vector<256x8xi32>
    %eq3A_24 = arith.cmpi eq, %iota3A, %eq3A_23 : vector<256x8xi32>
    %convert_element_type3A_25 = arith.extui %eq3A_24 : vector<256x8xi1> to vector<256x8xi32>
    %convert_element_type3A_26 = arith.sitofp %convert_element_type3A_25 : vector<256x8xi32> to vector<256x8xf32>
    %iota3A_27 = tpu.iota {dimensions = array<i32: 0>} : vector<256x256xi32>
    %iota3A_28 = tpu.iota {dimensions = array<i32: 1>} : vector<256x256xi32>
    %ge3A = arith.cmpi sge, %iota3A_27, %iota3A_28 : vector<256x256xi32>
    %convert_element_type3A_29 = arith.extui %ge3A : vector<256x256xi1> to vector<256x256xi32>
    %convert_element_type3A_30 = arith.sitofp %convert_element_type3A_29 : vector<256x256xi32> to vector<256x256xf32>
    %dot_general3A_31 = arith.constant dense<0.000000e+00> : vector<256x8xf32>
    %dot_general3A_32 = tpu.matmul %convert_element_type3A_30, %convert_element_type3A_26, %dot_general3A_31 {dimension_numbers = #tpu.dot_dimension_numbers<[1], [0], [0], [1], [0, 0, 1, 1], [], []>, transpose_lhs_hint = false} : vector<256x256xf32>, vector<256x8xf32>, vector<256x8xf32> -> vector<256x8xf32>
    %get3A_33 = arith.constant 0 : index
    %get3A_34 = arith.constant 0 : index
    %get3A_35 = vector.load %arg5[%get3A_33, %get3A_34] : memref<1x8xf32, #tpu.memory_space<vmem>>, vector<1x8xf32>
    %add3A_36 = vector.broadcast %get3A_35 : vector<1x8xf32> to vector<256x8xf32>
    %add3A_37 = arith.addf %dot_general3A_32, %add3A_36 : vector<256x8xf32>
    %mul3A = arith.mulf %convert_element_type3A_26, %add3A_37 : vector<256x8xf32>
    %reduce_sum3A_38 = arith.constant dense<0.000000e+00> : vector<256xf32>
    %reduce_sum3A_39 = vector.multi_reduction <add>, %mul3A, %reduce_sum3A_38 [1] : vector<256x8xf32> to vector<256xf32>
    %broadcast_in_dim3A_40 = vector.shape_cast %reduce_sum3A_39 : vector<256xf32> to vector<256x1xf32>
    %reduce_sum3A_41 = arith.constant dense<0.000000e+00> : vector<8xf32>
    %reduce_sum3A_42 = vector.multi_reduction <add>, %convert_element_type3A_26, %reduce_sum3A_41 [0] : vector<256x8xf32> to vector<8xf32>
    %broadcast_in_dim3A_43 = vector.shape_cast %reduce_sum3A_42 : vector<8xf32> to vector<1x8xf32>
    %add3A_44 = arith.addf %get3A_35, %broadcast_in_dim3A_43 : vector<1x8xf32>
    %swap3A = arith.constant 0 : index
    %swap3A_45 = arith.constant 0 : index
    %swap3A_46 = vector.load %arg5[%swap3A, %swap3A_45] : memref<1x8xf32, #tpu.memory_space<vmem>>, vector<1x8xf32>
    tpu.vector_store %arg5[%swap3A, %swap3A_45], %add3A_44 {strides = array<i32>} : memref<1x8xf32, #tpu.memory_space<vmem>>, vector<1x8xf32>,
    %convert_element_type3A_47 = arith.fptosi %broadcast_in_dim3A_40 : vector<256x1xf32> to vector<256x1xi32>
    %reshape3A = vector.shape_cast %convert_element_type3A_47 : vector<256x1xi32> to vector<256x1x1xi32>
    %reshape3A_48 = vector.shape_cast %broadcast_in_dim3A_22 : vector<256x1xi32> to vector<256x1x1xi32>
    %reshape3A_49 = vector.shape_cast %div3A_17 : vector<256x1xf32> to vector<256x1x1xf32>
    %iota3A_50 = tpu.iota {dimensions = array<i32: 1>} : vector<256x8x640xi32>
    %iota3A_51 = tpu.iota {dimensions = array<i32: 2>} : vector<256x8x640xi32>
    %eq3A_52 = vector.broadcast %reshape3A_48 : vector<256x1x1xi32> to vector<256x8x640xi32>
    %eq3A_53 = arith.cmpi eq, %iota3A_50, %eq3A_52 : vector<256x8x640xi32>
    %eq3A_54 = vector.broadcast %reshape3A : vector<256x1x1xi32> to vector<256x8x640xi32>
    %eq3A_55 = arith.cmpi eq, %iota3A_51, %eq3A_54 : vector<256x8x640xi32>
    %and3A = arith.andi %eq3A_53, %eq3A_55 : vector<256x8x640xi1>
    %jit3A_56 = arith.constant 0.000000e+00 : f32
    %broadcast_in_dim3A_57 = vector.shape_cast %reshape3A_49 : vector<256x1x1xf32> to vector<256x1x1xf32>
    %broadcast_in_dim3A_58 = vector.broadcast %broadcast_in_dim3A_57 : vector<256x1x1xf32> to vector<256x8x640xf32>
    %broadcast_in_dim3A_59 = vector.broadcast %jit3A_56 : f32 to vector<256x8x640xf32>
    %select_n3A_60 = arith.select %and3A, %broadcast_in_dim3A_58, %broadcast_in_dim3A_59 : vector<256x8x640xi1>, vector<256x8x640xf32>
    %swap3A_61 = arith.constant 0 : index
    %swap3A_62 = arith.constant 0 : index
    %swap3A_63 = arith.constant 0 : index
    %swap3A_64 = vector.load %arg4[%swap3A_61, %swap3A_62, %swap3A_63] : memref<256x8x640xf32, #tpu.memory_space<vmem>>, vector<256x8x640xf32>
    tpu.vector_store %arg4[%swap3A_61, %swap3A_62, %swap3A_63], %select_n3A_60 {strides = array<i32>} : memref<256x8x640xf32, #tpu.memory_space<vmem>>, vector<256x8x640xf32>,
    return
  }
  func.func @transform_0(%arg0: i32) -> (i32, i32) {
    %c0_i32 = arith.constant 0 : i32
    %c0_i32_0 = arith.constant 0 : i32
    return %arg0, %c0_i32 : i32, i32
  }
  func.func @transform_1(%arg0: i32) -> (i32, i32) {
    %c0_i32 = arith.constant 0 : i32
    %c0_i32_0 = arith.constant 0 : i32
    %c0_i32_1 = arith.constant 0 : i32
    return %c0_i32, %c0_i32_0 : i32, i32
  }
  func.func @transform_2(%arg0: i32) -> (i32, i32) {
    %c0_i32 = arith.constant 0 : i32
    %c0_i32_0 = arith.constant 0 : i32
    %c0_i32_1 = arith.constant 0 : i32
    return %c0_i32, %c0_i32_0 : i32, i32
  }
  func.func @transform_3(%arg0: i32) -> (i32, i32, i32) {
    %c0_i32 = arith.constant 0 : i32
    %c0_i32_0 = arith.constant 0 : i32
    %c0_i32_1 = arith.constant 0 : i32
    return %arg0, %c0_i32, %c0_i32_0 : i32, i32, i32
  }
}

</mosaic_0001>

<sc_bundles>
// kernel: kernel.5.cloned.1.call-start
scs
__scs_entry_jumppad:
0x0: {  	(pc) =	sbr.rel $0x88, $3  }
0x1: {  	(tag) =	ssettag $0x0;
	lr =	simm.s32 $0x1  }
0x2: {  	[smem:$0x3F9E] =	sst lr;
	_ =	strace $0xD0000000  }
0x3: {  	_ = 	snop  }
0x4: {  	_ = 	snop  }
0x5: {  	_ = 	snop  }
0x6: {  	_ = 	snop  }
0x7: {  	_ = 	snop  }
__scs_overlays_trampoline_lowered:
0x8: {  	[smem:$0x3FAD] =	sst s0  }
0x9: {  	[smem:$0x3FAE] =	sst s1  }
0xa: {  	[smem:$0x3FAF] =	sst s2  }
0xb: {  	[smem:$0x3FB0] =	sst s3  }
0xc: {  	[smem:$0x3FB1] =	sst s4  }
0xd: {  	[smem:$0x3FB2] =	sst s5  }
0xe: {  	[smem:$0x3FB3] =	sst s6  }
0xf: {  	[smem:$0x3FB4] =	sst s7  }
0x10: {  	[smem:$0x3FB5] =	sst s8  }
0x11: {  	[smem:$0x3FB6] =	sst s9;
	s0 =	simm.s32 @!p0 $0x0  }
0x12: {  	s1 =	sld [smem:$0x3F9C];
	s0 =	simm.s32 @p0 $0x1  }
0x13: {  	[smem:$0x3FB7] =	sst s0;
	s0 =	simm.s32 @!p1 $0x0  }
0x14: {  	s2 =	sld [smem:$0x3F9B];
	s0 =	simm.s32 @p1 $0x1  }
0x15: {  	[smem:$0x3FB8] =	sst s0;
	s0 =	simm.s32 @!p2 $0x0  }
0x16: {  	s3 =	sld [smem:$0x3FDB];
	s0 =	simm.s32 @p2 $0x1  }
0x17: {  	s4 =	simm.s32 $0x1BF5;
	[smem:$0x3FBA] =	sst s0  }
0x18: {  	s0 =	sld [smem:$0x3F9D];
	_ =	swait.ge [sflag:s4], $0x0  }
0x19: {  	s7 =	sld [smem:$0x3F9E]  }
0x1a: {  	s8 =	sadd.s32 $0xFFFFE003, lr  }
0x1b: {  	s9 =	sadd.s32 $0xFFFFFEF7, lr;
	s5 =	simm.s32 $0xFFFFFFFF;
	p2 =	slt.u32 s8, $0xFFFFF086  }
0x1c: {  	p1 =	slt.u32 s9, $0xF7A;
	s5 =	simm.s32 @!p2 $0x0  }
0x1d: {  	s5 =	simm.s32 @p1 $0x1;
	p0 =	seq.s32 s7, s2  }
0x1e: {  	s7 =	smul.u32 @!p0 $0xF7A, s2;
	p2 =	seq.s32 @!p0 s5, $0x0  }
0x1f: {  	s9 =	smul.u32 $0xF7A, s1;
	s8 =	simm.s32 @!p0 $0x1BF5;
	p2 =	por !p2, p0  }
0x20: {  	[sflag:s8] =	ssyncset.s32 @!p0 $0xFFFFF086;
	s6 =	sadd.s32 @!p0 s3, s7;
	s7 =	simm.s32 @!p0 $0x108  }
0x21: {  	s3 =	sadd.s32 s3, s9;
	s6 =	sadd.s32 @!p0 $0x88, s6;
	s7 =	simm.s32 @p2 $0x1082  }
0x22: {  	[simem:s7], [sflag:s8] =	dma.local @!p0 [hbm:s6], $0xF7A  }
0x23: {  	s9 =	sor.u32 $0xD0000000, s2;
	s6 =	simm.s32 $0x108;
	_ =	swait.ge @!p0 [sflag:s8], $0x0  }
0x24: {  	s3 =	sadd.s32 $0x88, s3;
	s6 =	simm.s32 @!p1 $0x1082;
	[sflag:s4] =	ssyncset.s32 $0xFFFFF086  }
0x25: {  	[simem:s6], [sflag:s4] =	dma.local [hbm:s3], $0xF7A  }
0x26: {  	[smem:$0x3F9E] =	sst s1;
	(tag) =	ssettag s2;
	_ =	strace s9  }
0x27: {  	s1 =	sld [smem:$0x3FAE]  }
0x28: {  	s2 =	sld [smem:$0x3FAF]  }
0x29: {  	s4 =	sld [smem:$0x3FB1]  }
0x2a: {  	p0 =	seq.s32 s5, $0x0;
	s5 =	sld [smem:$0x3FB2]  }
0x2b: {  	s6 =	sld [smem:$0x3FB3]  }
0x2c: {  	s7 =	sld [smem:$0x3FB4]  }
0x2d: {  	s3 =	simm.s32 $0x108;
	s8 =	sld [smem:$0x3FB5]  }
0x2e: {  	s3 =	simm.s32 @!p0 $0x1082;
	s9 =	sld [smem:$0x3FB6]  }
0x2f: {  	lr =	sadd.s32 s0, s3;
	s0 =	sld [smem:$0x3FAD]  }
0x30: {  	s3 =	sld [smem:$0x3FB0]  }
0x31: {  	[smem:$0x3FB9] =	sst s10  }
0x32: {  	s10 =	sld [smem:$0x3FB7];
	_ =	sdelay $0x3  }
0x33: {  	p0 =	seq.s32 s10, $0x1;
	s10 =	sld [smem:$0x3FB9];
	_ =	sdelay $0x3  }
0x34: {  	[smem:$0x3FB9] =	sst s10  }
0x35: {  	s10 =	sld [smem:$0x3FB8];
	_ =	sdelay $0x3  }
0x36: {  	p1 =	seq.s32 s10, $0x1;
	s10 =	sld [smem:$0x3FB9];
	_ =	sdelay $0x3  }
0x37: {  	[smem:$0x3FB9] =	sst s10  }
0x38: {  	s10 =	sld [smem:$0x3FBA]  }
0x39: {  	_ = 	snop;
	(pc) =	sbr.ind lr, $3  }
0x3a: {  	_ = 	snop  }
0x3b: {  	_ = 	snop  }
0x3c: {  	p2 =	seq.s32 s10, $0x1;
	s10 =	sld [smem:$0x3FB9]  }
0x3d: {  	_ =	shalt  }
0x3e: {  	_ =	shalt  }
0x3f: {  	_ =	shalt  }
0x40: {  	_ =	shalt  }
0x41: {  	_ =	shalt  }
0x42: {  	_ =	shalt  }
0x43: {  	_ =	shalt  }
0x44: {  	_ =	shalt  }
0x45: {  	_ =	shalt  }
0x46: {  	_ =	shalt  }
0x47: {  	_ =	shalt  }
0x48: {  	_ =	shalt  }
0x49: {  	_ =	shalt  }
0x4a: {  	_ =	shalt  }
0x4b: {  	_ =	shalt  }
0x4c: {  	_ =	shalt  }
0x4d: {  	_ =	shalt  }
0x4e: {  	_ =	shalt  }
0x4f: {  	_ =	shalt  }
0x50: {  	_ =	shalt  }
0x51: {  	_ =	shalt  }
0x52: {  	_ =	shalt  }
0x53: {  	_ =	shalt  }
0x54: {  	_ =	shalt  }
0x55: {  	_ =	shalt  }
0x56: {  	_ =	shalt  }
0x57: {  	_ =	shalt  }
0x58: {  	_ =	shalt  }
0x59: {  	_ =	shalt  }
0x5a: {  	_ =	shalt  }
0x5b: {  	_ =	shalt  }
0x5c: {  	_ =	shalt  }
0x5d: {  	_ =	shalt  }
0x5e: {  	_ =	shalt  }
0x5f: {  	_ =	shalt  }
0x60: {  	_ =	shalt  }
0x61: {  	_ =	shalt  }
0x62: {  	_ =	shalt  }
0x63: {  	_ =	shalt  }
0x64: {  	_ =	shalt  }
0x65: {  	_ =	shalt  }
0x66: {  	_ =	shalt  }
0x67: {  	_ =	shalt  }
0x68: {  	_ =	shalt  }
0x69: {  	_ =	shalt  }
0x6a: {  	_ =	shalt  }
0x6b: {  	_ =	shalt  }
0x6c: {  	_ =	shalt  }
0x6d: {  	_ =	shalt  }
0x6e: {  	_ =	shalt  }
0x6f: {  	_ =	shalt  }
0x70: {  	_ =	shalt  }
0x71: {  	_ =	shalt  }
0x72: {  	_ =	shalt  }
0x73: {  	_ =	shalt  }
0x74: {  	_ =	shalt  }
0x75: {  	_ =	shalt  }
0x76: {  	_ =	shalt  }
0x77: {  	_ =	shalt  }
0x78: {  	_ =	shalt  }
0x79: {  	_ =	shalt  }
0x7a: {  	_ =	shalt  }
0x7b: {  	_ =	shalt  }
0x7c: {  	_ =	shalt  }
0x7d: {  	_ =	shalt  }
0x7e: {  	_ =	shalt  }
0x7f: {  	_ =	shalt  }
0x80: {  	_ =	shalt  }
0x81: {  	_ =	shalt  }
0x82: {  	_ =	shalt  }
0x83: {  	_ =	shalt  }
0x84: {  	_ =	shalt  }
0x85: {  	_ =	shalt  }
0x86: {  	_ =	shalt  }
0x87: {  	_ =	shalt  }
.Lfunc_end0:
.L_simem_size_0:
called_computation_lowered:
.L_overlay_start_0:
0x88: {  	s2 =	sld [smem:$0x3FD9]  }
0x89: {  	s3 =	sld [smem:$0x3FFE];
	_ =	sdelay $0x1  }
0x8a: {  	s1 =	srdreg.scid  }
0x8b: {  	s0 =	sand.u32 $0x1, s1  }
0x8c: {  	s14 =	sshll.u32 s0, $0xA;
	s2 =	sadd.s32 s3, s2  }
0x8d: {  	s2 =	sadd.s32 s2, s14  }
0x8e: {  	[smem:$0x3FC5] =	sst s2  }
0x8f: {  	_ = 	snop  }
0x90: {  	s2 =	sld [smem:$0x3FD0];
	_ =	sdelay $0x2  }
0x91: {  	s15 =	simm.s32 $0xA;
	s4 =	simm.s32 $0x10  }
0x92: {  	[smem:s4], [sflag:s15] =	dma.local [hbm:s2], $0x1  }
0x93: {  	_ =	swait.eq [sflag:s15], $0x1  }
0x94: {  	[sflag:s15] =	ssyncset.done $0x0  }
0x95: {  	[sflag:s15] =	ssyncadd.s32 $0xFFFFFFFF  }
0x96: {  	s16 =	sld [smem:$0x11];
	(tm) =	ssettm $0x1  }
0x97: {  	s17 =	sld [smem:$0x3FFB];
	_ =	sdelay $0x3  }
0x98: {  	_ =	strace s17  }
0x99: {  	s3 =	sld [smem:$0x3FFC];
	_ =	sdelay $0x3  }
0x9a: {  	_ =	strace s3  }
0x9b: {  	s3 =	sld [smem:$0x3FFD];
	_ =	sdelay $0x3  }
0x9c: {  	_ =	strace s3  }
0x9d: {  	_ =	strace $0x8FFFFFFF  }
0x9e: {  	s18 =	sld [smem:$0x3FDB];
	_ =	sdelay $0x1  }
0x9f: {  	s19 =	simm.s32 $_scs_section_size  }
0xa0: {  	s5 =	simm.s32 $_size__tile_overlayer_lowered;
	s6 =	simm.s32 $_tile_overlayer_lowered  }
0xa1: {  	s22 =	simm.s32 $0x1BFF;
	s21 =	sshll.u32 s6, $0x1;
	s3 =	sadd.s32 s19, s18  }
0xa2: {  	s7 =	simm.s32 $0x0;
	s20 =	sshll.u32 s5, $0x1;
	s5 =	sadd.s32 s21, s3  }
0xa3: {  	[timem:s7], [sflag:s22] =	dma.local [hbm:s5], s20  }
0xa4: {  	_ =	swait.ge [sflag:s22], s20  }
0xa5: {  	s4 =	ssub.s32 $0x0, s20;
	[sflag:s22] =	ssyncset.done $0x0  }
0xa6: {  	[sflag:s22] =	ssyncadd.s32 s4;
	_ =	sdelay $0x1  }
0xa7: {  	s23 =	simm.s32 $0x1B8B  }
0xa8: {  	_ =	swait.ge [sflag:s23], $0x1  }
0xa9: {  	[sflag:s23] =	ssyncset.done $0x0  }
0xaa: {  	s25 =	simm.s32 $0x1B8E;
	s24 =	sld [smem:$0x3FFE];
	[sflag:s23] =	ssyncadd.s32 $0xFFFFFFFF  }
0xab: {  	s26 =	simm.s32 $execute0_lowered;
	[smem:$0x3FD2] =	sst s25  }
0xac: {  	s5 =	sshll.u32 s26, $0x1;
	_ =	strace $0x80000046;
	[dreg:$0x1] =	wrdreg $0xFFFFFFFF  }
0xad: {  	s28 =	simm.s32 $_size_execute0_lowered;
	s3 =	sadd.s32 s3, s5;
	[dreg:$0x0] =	wrdreg $0x0  }
0xae: {  	s5 =	sshll.u32 s28, $0x1;
	[dreg:$0x2] =	wrdreg s3  }
0xaf: {  	[dreg:$0x3] =	wrdreg s5  }
0xb0: {  	[dreg:$0x4] =	wrdreg $0xC0  }
0xb1: {  	_ =	task [dreg:s7], $0x5FFFF  }
0xb2: {  	[dreg:$0x1] =	wrdreg $0xFFFFFFFF  }
0xb3: {  	[dreg:$0x0] =	wrdreg $0x60  }
0xb4: {  	[dreg:$0x2] =	wrdreg s24  }
0xb5: {  	[dreg:$0x3] =	wrdreg s16  }
0xb6: {  	[dreg:$0x4] =	wrdreg $0x9  }
0xb7: {  	_ =	task.clear_ibuf [dreg:s7], $0x5FFFF;
	_ =	strace $0x90000046  }
0xb8: {  	s29 =	simm.s32 $0x9;
	_ =	strace $0x80000048  }
0xb9: {  	_ =	swait.ge [sflag:s29], $0x1  }
0xba: {  	[sflag:s29] =	ssyncadd.s32 $0xFFFFFFFF  }
0xbb: {  	_ =	strace $0x90000048  }
0xbc: {  	_ =	sfence  }
0xbd: {  	s30 =	sld [smem:$0x0];
	_ =	sdelay $0x2  }
0xbe: {  	s31 =	sshll.u32 s1, $0xD;
	s1 =	sshrl.u32 s1, $0x2  }
0xbf: {  	s3 =	sand.u32 $0x4000, s31;
	s1 =	sadd.s32 s1, s30  }
0xc0: {  	s0 =	sor.u32 s3, s0;
	s1 =	sshll.u32 s1, $0x11  }
0xc1: {  	s0 =	sor.u32 s1, s0  }
0xc2: {  	s0 =	sadd.s32 $0x8F2B, s0  }
0xc3: {  	[sflag:s0] =	ssyncadd.remote.s32 $0x1  }
0xc4: {  	_ =	sfence.sel $0xFFFF  }
0xc5: {  	[dreg:$0x0] =	wrdreg $0xFFFFFFFF;
	(pc) =	sbr.abs _section_cstart, $3  }
0xc6: {  	[dreg:$0x1] =	wrdreg $0xFFFFFFFF  }
0xc7: {  	_ =	task.clear_ibuf [dreg:s7], $0x2FFFF;
	_ =	strace $0x9FFFFFFF  }
0xc8: {  	(tm) =	ssettm $0x7FFFFFFF  }
0xc9: {  	_ =	shalt  }
tec
execute0_lowered:
.L_overlay_start_1:
0x0: {  	(tag) =	ssettag $0x1  }
0x1: {  	s0 =	srdreg.scid  }
0x2: {  	s1 =	rddreg [dreg:$0x0];
	s7 =	stileid.u32  }
0x3: {  	s8 =	rddreg [dreg:$0x1];
	s2 =	simm.s32 $0x0;
	s10 =	simm.s32 $0xA180  }
0x4: {  	s13 =	simm.s32 $0x3;
	s14 =	simm.s32 $0x1;
	s0 =	sand.u32 $0x1, s0  }
0x5: {  	s15 =	simm.s32 $0x2;
	s3 =	sshll.u32 s7, $0x8;
	s4 =	sshll.u32 s0, $0x7  }
0x6: {  	s16 =	simm.s32 $0x0;
	s25 =	ssub.s32 $0x2, s0;
	s3 =	sor.u32 s4, s3  }
0x7: {  	[smem:$0x7FF] =	sst s2;
	s5 =	sshrl.u32 s25, $0x1;
	s3 =	sshrl.u32 s3, $0x3  }
0x8: {  	s9 =	smul.u32 $0x28000, s7;
	s26 =	ssub.s32 s25, s5;
	s6 =	sadd.s32 s3, s1  }
.Ltmp0:
0x9: {  	s3 =	sadd.s32 $0x2200, s1;
	s1 =	smax.u32 s26, $0x1;
	(pc) =	sbr.rel .LBB2_1-.Ltmp0, $4  }
0xa: {  	_ =	strace $0x80000047;
	s28 =	sadd.s32 $0x1C00, s6;
	[dreg:$0x6] =	wrdreg s1  }
0xb: {  	s0 =	smul.u32 $0x14000, s0;
	s29 =	sadd.s32 $0x1E00, s6;
	[dreg:$0x3] =	wrdreg s28  }
0xc: {  	s31 =	sadd.s32 s9, s8;
	s30 =	sadd.s32 $0x2000, s6;
	[dreg:$0x4] =	wrdreg s29  }
0xd: {  	v0 =	vlaneseq.u32;
	v1 =	vimm.f32 $0.0e+00;
	s9 =	simm.s32 $0x180;
	s8 =	sadd.s32 s0, s31;
	[dreg:$0x5] =	wrdreg s30  }
.LBB2_7:
0xe: {  	_ =	swait.ge [sflag:s14], $0xA000  }
0xf: {  	[sflag:s14] =	ssyncset.done $0x0  }
0x10: {  	[sflag:s14] =	ssyncadd.s32 $0xFFFF6000  }
0x11: {  	_ =	swait.ge [sflag:s15], $0xA000  }
0x12: {  	s16 =	sadd.s32 $0x1, s16;
	s0 =	rddreg [dreg:$0x6]  }
0x13: {  	p0 =	sne.s32 s16, s0  }
.Ltmp1:
0x14: {  	_ = 	snop;
	(pc) =	sbr.rel @!p0 .LBB2_8-.Ltmp1, $3  }
0x15: {  	_ =	sdelay $0x1  }
0x16: {  	[sflag:s15] =	ssyncset.done $0x0  }
0x17: {  	[sflag:s15] =	ssyncadd.s32 $0xFFFF6000  }
.LBB2_1:
0x18: {  	[tilespmem:s9], [sflag:$0x3] =	stream.linear.gather [hbm4b:s3+s2], $0xA000, $0x38;
	[tilespmem:$0x14180] =	vst v63  }
0x19: {  	_ = 	snop  }
0x1a: {  	[tilespmem:s10], [sflag:$0x3] =	stream.linear.gather [hbm4b:s3+s2], $0xA000, $0x38;
	[tilespmem:$0x14180] =	vst v63  }
0x1b: {  	s0 =	rddreg [dreg:$0x3]  }
0x1c: {  	[tilespmem:s2], [sflag:$0x1] =	stream.linear.gather [hbm4b:s0+s2], $0x80, $0x38;
	[tilespmem:$0x14180] =	vst v63  }
0x1d: {  	s29 =	rddreg [dreg:$0x4];
	s1 =	simm.s32 $0x80  }
0x1e: {  	[tilespmem:s1], [sflag:$0x1] =	stream.linear.gather [hbm4b:s29+s2], $0x80, $0x38;
	[tilespmem:$0x14180] =	vst v63  }
0x1f: {  	s30 =	rddreg [dreg:$0x5];
	s31 =	simm.s32 $0x100  }
0x20: {  	[tilespmem:s31], [sflag:$0x1] =	stream.linear.gather [hbm4b:s30+s2], $0x80, $0x38;
	[tilespmem:$0x14180] =	vst v63  }
0x21: {  	_ =	swait.ge [sflag:s13], $0xA000  }
0x22: {  	[sflag:s13] =	ssyncset.done $0x0  }
0x23: {  	[sflag:s13] =	ssyncadd.s32 $0xFFFF6000  }
0x24: {  	_ =	swait.ge [sflag:s13], $0xA000  }
0x25: {  	[sflag:s13] =	ssyncset.done $0x0  }
0x26: {  	[sflag:s13] =	ssyncadd.s32 $0xFFFF6000  }
0x27: {  	_ =	swait.ge [sflag:s14], $0x80  }
0x28: {  	[sflag:s14] =	ssyncset.done $0x0  }
0x29: {  	[sflag:s14] =	ssyncadd.s32 $0xFFFFFF80  }
0x2a: {  	_ =	swait.ge [sflag:s14], $0x80  }
.Ltmp2:
0x2b: {  	[sflag:s14] =	ssyncset.done $0x0;
	(pc) =	sbr.rel .LBB2_2-.Ltmp2, $4  }
0x2c: {  	[sflag:s14] =	ssyncadd.s32 $0xFFFFFF80  }
0x2d: {  	_ =	swait.ge [sflag:s14], $0x80  }
0x2e: {  	[sflag:s14] =	ssyncset.done $0x0  }
0x2f: {  	s17 =	smov.u32 s8;
	s18 =	simm.s32 $0x0;
	[sflag:s14] =	ssyncadd.s32 $0xFFFFFF80  }
.LBB2_6:
0x30: {  	v3 =	vld.msk [tilespmem:s19+$0x88], $0xff  }
0x31: {  	v2 =	vld.msk [tilespmem:s19+$0x8], $0xff;
	_ =	sdelay $0x3  }
0x32: {  	(v2sf) =	vpush v3, $0x0  }
0x33: {  	(v2sf) =	vpush v2, $0x0  }
0x34: {  	(v2sf) =	vpush v3, $0x1;
	_ =	sdelay $0x1  }
0x35: {  	(v2sf) =	vpush v2, $0x1;
	_ =	sdelay $0x1  }
0x36: {  	(v2sf) =	vpush v3, $0x2;
	_ =	sdelay $0x1  }
0x37: {  	(v2sf) =	vpush v2, $0x2;
	_ =	sdelay $0x6  }
0x38: {  	s18 =	sadd.s32 $0x40, s18;
	s21 =	spop (v2sf)  }
0x39: {  	(v2sf) =	vpush v3, $0x3;
	s0 =	sshra.s32 s21, $0x1F;
	p0 =	slt.s32 s21, $0x1;
	s4 =	spop (v2sf)  }
0x3a: {  	s0 =	sshrl.u32 s0, $0x1C;
	s23 =	spop (v2sf);
	s7 =	sshrl.u32 s4, $0x3  }
0x3b: {  	s4 =	sshll.u32 s4, $0x7;
	s0 =	sadd.s32 s0, s21;
	s28 =	sshra.s32 s23, $0x1F  }
0x3c: {  	s5 =	spop (v2sf);
	s7 =	smul.u32 $0x5000, s7;
	p5 =	slt.s32 s23, $0x1  }
0x3d: {  	s4 =	sand.u32 $0x380, s4;
	s1 =	sand.u32 $0xFFFFFFF0, s0;
	s0 =	sshra.s32 s0, $0x4  }
0x3e: {  	s24 =	spop (v2sf);
	s30 =	sshrl.u32 s5, $0x3;
	p1 =	sne.s32 s21, s1  }
0x3f: {  	s5 =	sshll.u32 s5, $0x7;
	s1 =	simm.s32 $0x1;
	p0 =	por !p0, !p1  }
0x40: {  	s12 =	spop (v2sf);
	s7 =	sshra.s32 s7, $0x2;
	p0 =	por !p0, !p0  }
0x41: {  	(v2sf) =	vpush v2, $0x3;
	s25 =	sshra.s32 s24, $0x1F;
	s5 =	sand.u32 $0x380, s5;
	s1 =	simm.s32 @!p0 $0x0  }
0x42: {  	(v2sf) =	vpush v3, $0x4;
	p1 =	slt.s32 s24, $0x1;
	s0 =	ssub.s32 s0, s1;
	s1 =	sshrl.u32 s28, $0x1C  }
0x43: {  	s6 =	sshll.u32 s0, $0x4;
	s0 =	sshll.u32 s0, $0x7;
	s1 =	sadd.s32 s1, s23  }
0x44: {  	s11 =	sand.u32 $0xFFFFFFF0, s1;
	s0 =	sand.u32 $0xFFFFFC00, s0;
	s1 =	sshra.s32 s1, $0x4  }
0x45: {  	s6 =	sand.u32 $0x70, s6;
	p6 =	sne.s32 s23, s11;
	s0 =	sadd.s32 s0, s7  }
0x46: {  	p0 =	por !p5, !p6;
	s0 =	sor.u32 s4, s0;
	s4 =	smul.u32 $0x5000, s30  }
0x47: {  	s11 =	simm.s32 $0x1;
	p0 =	por !p0, !p0;
	s20 =	sor.u32 s6, s0  }
0x48: {  	s11 =	simm.s32 @!p0 $0x0;
	s4 =	sshra.s32 s4, $0x2;
	s0 =	spop (v2sf)  }
0x49: {  	s1 =	ssub.s32 s1, s11;
	s11 =	sshrl.u32 s12, $0x3;
	p3 =	slt.s32 s0, $0x1  }
0x4a: {  	s29 =	sshll.u32 s1, $0x4;
	s22 =	sshll.u32 s1, $0x7;
	s1 =	sshrl.u32 s25, $0x1C  }
0x4b: {  	(v2sf) =	vpush v2, $0x4;
	s25 =	sshll.u32 s12, $0x7;
	s7 =	smul.u32 $0x5000, s11;
	s12 =	simm.s32 $0x1  }
0x4c: {  	s31 =	sand.u32 $0x70, s29;
	s26 =	sand.u32 $0xFFFFFC00, s22;
	s1 =	sadd.s32 s1, s24  }
0x4d: {  	s29 =	sshra.s32 s0, $0x1F;
	s11 =	sand.u32 $0x380, s25;
	s28 =	sand.u32 $0xFFFFFFF0, s1  }
0x4e: {  	s4 =	sadd.s32 s26, s4;
	s1 =	sshra.s32 s1, $0x4;
	s30 =	sshrl.u32 s29, $0x1C  }
0x4f: {  	s7 =	sshra.s32 s7, $0x2;
	p2 =	sne.s32 s24, s28;
	s4 =	sor.u32 s5, s4  }
0x50: {  	s5 =	spop (v2sf);
	p0 =	por !p1, !p2;
	s22 =	sor.u32 s31, s4  }
0x51: {  	(v2sf) =	vpush v3, $0x5;
	s4 =	simm.s32 $0x1;
	s26 =	spop (v2sf);
	p0 =	por !p0, !p0  }
0x52: {  	(v2sf) =	vpush v2, $0x5;
	s29 =	sshra.s32 s26, $0x1F;
	p5 =	slt.s32 s26, $0x1;
	s4 =	simm.s32 @!p0 $0x0  }
0x53: {  	s1 =	ssub.s32 s1, s4;
	s4 =	sadd.s32 s30, s0;
	s30 =	sshrl.u32 s5, $0x3  }
0x54: {  	s5 =	sshll.u32 s5, $0x7;
	s31 =	sshll.u32 s1, $0x4;
	s28 =	sand.u32 $0xFFFFFFF0, s4  }
0x55: {  	s1 =	sshll.u32 s1, $0x7;
	s4 =	sshra.s32 s4, $0x4;
	p4 =	sne.s32 s0, s28  }
0x56: {  	s5 =	sand.u32 $0x380, s5;
	s1 =	sand.u32 $0xFFFFFC00, s1;
	p0 =	por !p3, !p4  }
0x57: {  	s1 =	sadd.s32 s1, s7;
	s7 =	smul.u32 $0x5000, s30;
	p0 =	por !p0, !p0  }
0x58: {  	s6 =	sand.u32 $0x70, s31;
	s1 =	sor.u32 s11, s1;
	s12 =	simm.s32 @!p0 $0x0  }
0x59: {  	s25 =	sor.u32 s6, s1;
	s6 =	sshrl.u32 s29, $0x1C;
	s7 =	sshra.s32 s7, $0x2  }
0x5a: {  	s4 =	ssub.s32 s4, s12;
	s6 =	sadd.s32 s6, s26;
	s11 =	spop (v2sf)  }
0x5b: {  	(v2sf) =	vpush v3, $0x6;
	s1 =	sshll.u32 s4, $0x4;
	s4 =	sshll.u32 s4, $0x7;
	s31 =	sand.u32 $0xFFFFFFF0, s6  }
0x5c: {  	s6 =	sshra.s32 s6, $0x4;
	s4 =	sand.u32 $0xFFFFFC00, s4;
	p6 =	sne.s32 s26, s31  }
0x5d: {  	s1 =	sand.u32 $0x70, s1;
	s31 =	sshrl.u32 s11, $0x3;
	s11 =	sshll.u32 s11, $0x7  }
0x5e: {  	s26 =	sand.u32 $0xF, s26;
	p0 =	por !p5, !p6;
	s4 =	sadd.s32 s4, s7  }
0x5f: {  	s7 =	simm.s32 $0x1;
	s11 =	sand.u32 $0x380, s11;
	p0 =	por !p0, !p0  }
0x60: {  	s4 =	sor.u32 s5, s4;
	s28 =	spop (v2sf);
	s7 =	simm.s32 @!p0 $0x0  }
0x61: {  	(v2sf) =	vpush v2, $0x6;
	s1 =	sor.u32 s1, s4;
	s12 =	spop (v2sf);
	s30 =	sshra.s32 s28, $0x1F  }
0x62: {  	(v2sf) =	vpush v3, $0x7;
	s7 =	ssub.s32 s6, s7;
	p1 =	slt.s32 s28, $0x1;
	s6 =	sshrl.u32 s30, $0x1C  }
0x63: {  	s29 =	sshll.u32 s7, $0x4;
	s5 =	sshll.u32 s7, $0x7;
	s6 =	sadd.s32 s6, s28  }
0x64: {  	s7 =	smul.u32 $0x5000, s31;
	s4 =	sand.u32 $0x70, s29;
	s29 =	sand.u32 $0xFFFFFFF0, s6  }
0x65: {  	s30 =	sshrl.u32 s12, $0x3;
	s12 =	sshll.u32 s12, $0x7;
	p2 =	sne.s32 s28, s29  }
0x66: {  	s5 =	sand.u32 $0xFFFFFC00, s5;
	s7 =	sshra.s32 s7, $0x2;
	p0 =	por !p1, !p2  }
0x67: {  	s5 =	sadd.s32 s5, s7;
	s7 =	simm.s32 $0x1;
	p0 =	por !p0, !p0  }
0x68: {  	s29 =	sshra.s32 s6, $0x4;
	s5 =	sor.u32 s11, s5;
	s7 =	simm.s32 @!p0 $0x0  }
0x69: {  	s11 =	sor.u32 s4, s5;
	s5 =	smul.u32 $0x5000, s30;
	s4 =	ssub.s32 s29, s7  }
0x6a: {  	s12 =	sand.u32 $0x380, s12;
	s6 =	spop (v2sf);
	s7 =	sshll.u32 s4, $0x7  }
0x6b: {  	s5 =	sshra.s32 s5, $0x2;
	(v2sf) =	vpush v2, $0x7;
	s31 =	sshra.s32 s6, $0x1F;
	s7 =	sand.u32 $0xFFFFFC00, s7  }
0x6c: {  	v2 =	vld.msk [tilespmem:s19+$0x108], $0xff;
	s19 =	simm.s32 $0x1;
	s29 =	sshrl.u32 s31, $0x1C;
	s5 =	sadd.s32 s7, s5  }
0x6d: {  	p4 =	slt.s32 s6, $0x1;
	s29 =	sadd.s32 s29, s6;
	s5 =	sor.u32 s12, s5  }
0x6e: {  	s12 =	sand.u32 $0xF, s21;
	s21 =	sand.u32 $0xF, s23;
	s23 =	sand.u32 $0xF, s24  }
0x6f: {  	s24 =	sand.u32 $0xF, s0;
	s31 =	sand.u32 $0xFFFFFFF0, s29;
	s29 =	sshra.s32 s29, $0x4  }
0x70: {  	s30 =	spop (v2sf);
	p3 =	sne.s32 s6, s31;
	s31 =	sshll.u32 s4, $0x4  }
0x71: {  	v3 =	vmov s12;
	s4 =	sand.u32 $0xF, s28;
	s6 =	sand.u32 $0xF, s6;
	s7 =	spop (v2sf)  }
0x72: {  	v7 =	vmov s26;
	vm0 =	veq.s32 v3, v0;
	v3 =	vbroadcast v2, $0x0;
	s0 =	sand.u32 $0x70, s31;
	p0 =	por !p4, !p3;
	s26 =	sshrl.u32 s30, $0x3  }
0x73: {  	v4 =	vmov s21;
	v9 =	vbroadcast v2, $0x1;
	s30 =	sshll.u32 s30, $0x7;
	s0 =	sor.u32 s0, s5;
	s28 =	sshra.s32 s7, $0x1F  }
0x74: {  	vm1 =	veq.s32 v4, v0;
	p0 =	por !p0, !p0;
	p6 =	slt.s32 s7, $0x1;
	v3 =	vnsel vm0, $0x0, v3;
	s5 =	sshrl.u32 s28, $0x1C  }
0x75: {  	s19 =	simm.s32 @!p0 $0x0;
	s28 =	smul.u32 $0x5000, s26;
	[tilespmem:s20+$0xA180] =	vst v3;
	v3 =	vnsel vm1, $0x0, v9;
	s5 =	sadd.s32 s5, s7  }
0x76: {  	s19 =	ssub.s32 s29, s19;
	[tilespmem:s22+$0xB580] =	vst v3;
	s22 =	sand.u32 $0x380, s30;
	s31 =	sand.u32 $0xFFFFFFF0, s5  }
0x77: {  	v8 =	vmov s4;
	s21 =	sshll.u32 s19, $0x7;
	s5 =	sshra.s32 s5, $0x4;
	s4 =	sshra.s32 s28, $0x2  }
0x78: {  	s26 =	sshll.u32 s19, $0x4;
	p5 =	sne.s32 s7, s31;
	s12 =	sand.u32 $0xFFFFFC00, s21  }
0x79: {  	vm12 =	veq.s32 v7, v0;
	s21 =	simm.s32 $0x1;
	s7 =	sand.u32 $0xF, s7;
	p0 =	por !p6, !p5  }
0x7a: {  	v5 =	vmov s23;
	v6 =	vmov s24;
	v10 =	vbroadcast v2, $0x2;
	s4 =	sadd.s32 s12, s4;
	p0 =	por !p0, !p0;
	s29 =	spop (v2sf)  }
0x7b: {  	vm10 =	veq.s32 v5, v0;
	v59 =	vbroadcast v2, $0x3;
	vm11 =	veq.s32 v6, v0;
	s4 =	sor.u32 s22, s4;
	s21 =	simm.s32 @!p0 $0x0;
	s31 =	sshrl.u32 s29, $0x3  }
0x7c: {  	v62 =	vbroadcast v2, $0x5;
	v58 =	vnsel vm10, $0x0, v10;
	v3 =	vbroadcast v2, $0x4;
	p0 =	sne.s32 s18, $0x200;
	s5 =	ssub.s32 s5, s21;
	s21 =	smul.u32 $0x5000, s31  }
0x7d: {  	v63 =	vbroadcast v2, $0x6;
	v11 =	vmov s6;
	v61 =	vnsel vm11, $0x0, v59;
	[tilespmem:s25+$0xC980] =	vst v58;
	s23 =	sshll.u32 s5, $0x7;
	s6 =	sshll.u32 s29, $0x7;
	s5 =	sshll.u32 s5, $0x4  }
0x7e: {  	vm13 =	veq.s32 v8, v0;
	[tilespmem:s1+$0xDD80] =	vst v61;
	v3 =	vnsel vm12, $0x0, v3;
	v60 =	vmov s7;
	s7 =	sand.u32 $0xFFFFFC00, s23;
	s6 =	sand.u32 $0x380, s6;
	s24 =	sshra.s32 s21, $0x2  }
.Ltmp3:
0x7f: {  	vm14 =	veq.s32 v11, v0;
	v2 =	vbroadcast v2, $0x7;
	[tilespmem:s11+$0xF180] =	vst v3;
	v3 =	vnsel vm13, $0x0, v62;
	s25 =	sadd.s32 s7, s24;
	s7 =	sand.u32 $0x70, s26;
	(pc) =	sbr.rel @!p0 .LBB2_7-.Ltmp3, $4  }
0x80: {  	[tilespmem:s0+$0x10580] =	vst v3;
	v3 =	vnsel vm14, $0x0, v63;
	vm15 =	veq.s32 v60, v0;
	s29 =	sand.u32 $0x70, s5;
	s28 =	sor.u32 s7, s4;
	s1 =	sor.u32 s6, s25  }
0x81: {  	v2 =	vnsel vm15, $0x0, v2;
	[tilespmem:s28+$0x11980] =	vst v3;
	s30 =	sor.u32 s29, s1  }
0x82: {  	s31 =	sadd.s32 $0x1400, s17;
	s17 =	sadd.s32 $0x2800, s17;
	[tilespmem:s30+$0x12D80] =	vst v2  }
0x83: {  	[hbm4b:s31+s2] =	stream.linear.scatter [tilespmem:s10], [sflag:$0x2], $0xA000, $0x38;
	[tilespmem:$0x14180] =	vst v63  }
.LBB2_2:
0x84: {  	p0 =	seq.s32 s18, $0x0  }
.Ltmp4:
0x85: {  	_ = 	snop;
	(pc) =	sbr.rel @p0 .LBB2_4-.Ltmp4, $1  }
0x86: {  	_ =	sdelay $0x3  }
0x87: {  	_ =	swait.ge [sflag:s14], $0xA000  }
0x88: {  	[sflag:s14] =	ssyncset.done $0x0  }
0x89: {  	s0 =	sshra.s32 s18, $0x2;
	[sflag:s14] =	ssyncadd.s32 $0xFFFF6000  }
0x8a: {  	v3 =	vld.msk [tilespmem:s0+$0x70], $0xff  }
0x8b: {  	v2 =	vld.msk [tilespmem:s0+$0xFFFFFFF0], $0xff;
	_ =	sdelay $0x3  }
0x8c: {  	(v2sf) =	vpush v3, $0x0  }
0x8d: {  	(v2sf) =	vpush v2, $0x0  }
0x8e: {  	(v2sf) =	vpush v3, $0x1;
	_ =	sdelay $0x1  }
0x8f: {  	(v2sf) =	vpush v2, $0x1;
	_ =	sdelay $0x2  }
0x90: {  	(v2sf) =	vpush v3, $0x2;
	_ =	sdelay $0x1  }
0x91: {  	(v2sf) =	vpush v2, $0x2;
	_ =	sdelay $0x2  }
0x92: {  	(v2sf) =	vpush v3, $0x3  }
0x93: {  	(v2sf) =	vpush v2, $0x3  }
0x94: {  	(v2sf) =	vpush v3, $0x4  }
0x95: {  	s4 =	spop (v2sf)  }
0x96: {  	s19 =	spop (v2sf);
	s1 =	sshra.s32 s4, $0x1F  }
0x97: {  	(v2sf) =	vpush v2, $0x4;
	s11 =	sand.u32 $0xF, s4;
	p1 =	slt.s32 s4, $0x1;
	s20 =	spop (v2sf)  }
0x98: {  	(v2sf) =	vpush v3, $0x5;
	p2 =	sne.s32 s11, $0x0;
	s1 =	sshrl.u32 s1, $0x1C;
	s11 =	simm.s32 $0x1  }
0x99: {  	s21 =	sshrl.u32 s19, $0x3;
	s19 =	sshll.u32 s19, $0x7;
	s25 =	spop (v2sf)  }
0x9a: {  	p1 =	por !p1, !p2;
	s0 =	sadd.s32 s1, s4;
	s28 =	smul.u32 $0x5000, s21  }
0x9b: {  	s19 =	sand.u32 $0x380, s19;
	s5 =	sand.u32 $0xF, s20;
	s29 =	sshra.s32 s20, $0x1F  }
0x9c: {  	p5 =	slt.s32 s20, $0x1;
	s26 =	spop (v2sf);
	p1 =	por !p1, !p1  }
0x9d: {  	s0 =	sshra.s32 s0, $0x4;
	p6 =	sne.s32 s5, $0x0;
	s6 =	sshrl.u32 s29, $0x1C  }
0x9e: {  	s12 =	sshrl.u32 s25, $0x3;
	s25 =	sshll.u32 s25, $0x7;
	s22 =	spop (v2sf)  }
0x9f: {  	s11 =	simm.s32 @!p1 $0x0;
	s28 =	sshra.s32 s28, $0x2;
	p1 =	por !p5, !p6  }
0xa0: {  	s30 =	smul.u32 $0x5000, s12;
	s4 =	sand.u32 $0xF, s26;
	s0 =	ssub.s32 s0, s11  }
0xa1: {  	s1 =	spop (v2sf);
	s24 =	sshll.u32 s0, $0x4;
	s0 =	sshll.u32 s0, $0x7  }
0xa2: {  	s5 =	sshra.s32 s26, $0x1F;
	s23 =	spop (v2sf);
	s0 =	sand.u32 $0xFFFFFC00, s0  }
0xa3: {  	(v2sf) =	vpush v2, $0x5;
	p1 =	por !p1, !p1;
	s11 =	spop (v2sf);
	s0 =	sadd.s32 s0, s28  }
0xa4: {  	s0 =	sor.u32 s0, s19;
	s19 =	sadd.s32 s6, s20;
	s20 =	simm.s32 $0x1  }
0xa5: {  	s24 =	sand.u32 $0x70, s24;
	s7 =	sshra.s32 s19, $0x4;
	s20 =	simm.s32 @!p1 $0x0  }
0xa6: {  	s21 =	spop (v2sf);
	s19 =	sor.u32 s24, s0;
	s24 =	ssub.s32 s7, s20  }
0xa7: {  	s28 =	sshll.u32 s24, $0x4;
	s0 =	sshll.u32 s24, $0x7;
	s24 =	spop (v2sf);
	(v2sf) =	vpush v3, $0x6  }
0xa8: {  	p4 =	slt.s32 s26, $0x1;
	s25 =	sand.u32 $0x380, s25;
	s29 =	sshrl.u32 s5, $0x1C  }
0xa9: {  	p3 =	sne.s32 s4, $0x0;
	s26 =	sadd.s32 s29, s26;
	s29 =	simm.s32 $0x1  }
0xaa: {  	s4 =	sshra.s32 s1, $0x1F;
	p6 =	slt.s32 s1, $0x1;
	s26 =	sshra.s32 s26, $0x4  }
0xab: {  	s5 =	sshrl.u32 s4, $0x1C;
	s4 =	sshra.s32 s11, $0x1F;
	p1 =	por !p4, !p3  }
0xac: {  	p4 =	slt.s32 s11, $0x1;
	s20 =	sshra.s32 s30, $0x2;
	p1 =	por !p1, !p1  }
0xad: {  	s7 =	sshrl.u32 s22, $0x3;
	s22 =	sshll.u32 s22, $0x7;
	s29 =	simm.s32 @!p1 $0x0  }
0xae: {  	s22 =	sand.u32 $0x380, s22;
	s31 =	sand.u32 $0xFFFFFC00, s0;
	s28 =	sand.u32 $0x70, s28  }
0xaf: {  	s6 =	ssub.s32 s26, s29;
	s26 =	smul.u32 $0x5000, s7;
	s7 =	sshrl.u32 s23, $0x3  }
0xb0: {  	s23 =	sshll.u32 s23, $0x7;
	s20 =	sadd.s32 s31, s20;
	s12 =	sshll.u32 s6, $0x7  }
0xb1: {  	s29 =	sshll.u32 s6, $0x4;
	s31 =	sand.u32 $0xF, s1;
	s1 =	sadd.s32 s5, s1  }
0xb2: {  	s23 =	sand.u32 $0x380, s23;
	s5 =	sshrl.u32 s4, $0x1C;
	s0 =	spop (v2sf)  }
0xb3: {  	s20 =	sor.u32 s25, s20;
	s30 =	sand.u32 $0xFFFFFC00, s12;
	s26 =	sshra.s32 s26, $0x2  }
0xb4: {  	p5 =	sne.s32 s31, $0x0;
	s1 =	sshra.s32 s1, $0x4;
	s29 =	sand.u32 $0x70, s29  }
0xb5: {  	(v2sf) =	vpush v2, $0x6;
	s31 =	sand.u32 $0xF, s11;
	s11 =	sadd.s32 s5, s11;
	s25 =	sadd.s32 s30, s26  }
0xb6: {  	s20 =	sor.u32 s28, s20;
	s6 =	sor.u32 s22, s25;
	s25 =	spop (v2sf);
	(v2sf) =	vpush v3, $0x7  }
0xb7: {  	p1 =	por !p6, !p5;
	s26 =	simm.s32 $0x1;
	s30 =	smul.u32 $0x5000, s7  }
0xb8: {  	p3 =	sne.s32 s31, $0x0;
	s11 =	sshra.s32 s11, $0x4;
	s31 =	sshra.s32 s24, $0x1F  }
0xb9: {  	p6 =	slt.s32 s24, $0x1;
	s5 =	sshrl.u32 s0, $0x3;
	s0 =	sshll.u32 s0, $0x7  }
0xba: {  	p1 =	por !p1, !p1;
	s4 =	sshrl.u32 s31, $0x1C;
	s0 =	sand.u32 $0x380, s0  }
0xbb: {  	s26 =	simm.s32 @!p1 $0x0;
	s30 =	sshra.s32 s30, $0x2;
	p1 =	por !p4, !p3  }
0xbc: {  	s26 =	ssub.s32 s1, s26;
	s1 =	sor.u32 s29, s6;
	p1 =	por !p1, !p1  }
0xbd: {  	s6 =	sshrl.u32 s21, $0x3;
	s12 =	sshll.u32 s26, $0x4;
	s26 =	sshll.u32 s26, $0x7  }
0xbe: {  	s21 =	sshll.u32 s21, $0x7;
	s29 =	smul.u32 $0x5000, s6;
	s26 =	sand.u32 $0xFFFFFC00, s26  }
0xbf: {  	s21 =	sand.u32 $0x380, s21;
	s28 =	sand.u32 $0x70, s12;
	s26 =	sadd.s32 s26, s30  }
0xc0: {  	s12 =	sshra.s32 s29, $0x2;
	s30 =	sand.u32 $0xF, s24;
	s24 =	sadd.s32 s4, s24  }
0xc1: {  	s23 =	sor.u32 s23, s26;
	s26 =	simm.s32 $0x1;
	p5 =	sne.s32 s30, $0x0  }
0xc2: {  	s24 =	sshra.s32 s24, $0x4;
	s26 =	simm.s32 @!p1 $0x0;
	p1 =	por !p6, !p5  }
0xc3: {  	s26 =	ssub.s32 s11, s26;
	s11 =	sor.u32 s28, s23;
	p1 =	por !p1, !p1  }
0xc4: {  	s28 =	simm.s32 $0x1;
	s7 =	sshll.u32 s26, $0x4;
	s22 =	spop (v2sf)  }
0xc5: {  	s26 =	sshll.u32 s26, $0x7;
	s28 =	simm.s32 @!p1 $0x0;
	s29 =	spop (v2sf);
	(v2sf) =	vpush v2, $0x7  }
0xc6: {  	s26 =	sand.u32 $0xFFFFFC00, s26;
	s24 =	ssub.s32 s24, s28;
	s28 =	smul.u32 $0x5000, s5  }
0xc7: {  	s23 =	sand.u32 $0x70, s7;
	s6 =	sshll.u32 s24, $0x4;
	s24 =	sshll.u32 s24, $0x7  }
0xc8: {  	s26 =	sadd.s32 s26, s12;
	s24 =	sand.u32 $0xFFFFFC00, s24;
	s28 =	sshra.s32 s28, $0x2  }
0xc9: {  	s21 =	sor.u32 s21, s26;
	s26 =	sand.u32 $0x70, s6;
	s24 =	sadd.s32 s24, s28  }
0xca: {  	s7 =	sand.u32 $0xF, s25;
	s12 =	sshra.s32 s25, $0x1F;
	p4 =	slt.s32 s25, $0x1  }
0xcb: {  	s21 =	sor.u32 s23, s21;
	p3 =	sne.s32 s7, $0x0;
	s28 =	sshrl.u32 s12, $0x1C  }
0xcc: {  	s0 =	sor.u32 s0, s24;
	s31 =	sshrl.u32 s22, $0x3;
	s22 =	sshll.u32 s22, $0x7  }
0xcd: {  	p1 =	por !p4, !p3;
	s25 =	sadd.s32 s28, s25;
	s28 =	simm.s32 $0x1  }
0xce: {  	s0 =	sor.u32 s26, s0;
	s24 =	smul.u32 $0x5000, s31;
	p1 =	por !p1, !p1  }
0xcf: {  	[tilespmem:s19+$0x180] =	vst v1;
	s19 =	sand.u32 $0x380, s22;
	s30 =	sshra.s32 s25, $0x4;
	s28 =	simm.s32 @!p1 $0x0  }
0xd0: {  	s23 =	ssub.s32 s30, s28;
	s28 =	simm.s32 $0x1;
	s30 =	sshra.s32 s24, $0x2  }
0xd1: {  	s4 =	sshll.u32 s23, $0x7;
	s24 =	sshll.u32 s23, $0x4;
	s5 =	sand.u32 $0xF, s29  }
0xd2: {  	s6 =	sshra.s32 s29, $0x1F;
	p5 =	slt.s32 s29, $0x1;
	p6 =	sne.s32 s5, $0x0  }
0xd3: {  	s25 =	sand.u32 $0xFFFFFC00, s4;
	s7 =	sshrl.u32 s6, $0x1C;
	p1 =	por !p5, !p6  }
0xd4: {  	s26 =	sadd.s32 s7, s29;
	p1 =	por !p1, !p1;
	s29 =	spop (v2sf)  }
0xd5: {  	s26 =	sshra.s32 s26, $0x4;
	s28 =	simm.s32 @!p1 $0x0;
	s12 =	sshrl.u32 s29, $0x3  }
0xd6: {  	[tilespmem:s20+$0x1580] =	vst v1;
	s4 =	sadd.s32 s25, s30;
	s26 =	ssub.s32 s26, s28;
	s31 =	smul.u32 $0x5000, s12  }
0xd7: {  	[tilespmem:s1+$0x2980] =	vst v1;
	s6 =	sor.u32 s19, s4;
	s19 =	sand.u32 $0x70, s24;
	s5 =	sshll.u32 s26, $0x7  }
0xd8: {  	[tilespmem:s11+$0x3D80] =	vst v1;
	s7 =	sand.u32 $0xFFFFFC00, s5;
	s25 =	sshll.u32 s29, $0x7;
	s12 =	sshra.s32 s31, $0x2  }
0xd9: {  	[tilespmem:s21+$0x5180] =	vst v1;
	s28 =	sshll.u32 s26, $0x4;
	s20 =	sand.u32 $0x380, s25;
	s22 =	sadd.s32 s7, s12  }
0xda: {  	[tilespmem:s0+$0x6580] =	vst v1;
	s30 =	sand.u32 $0x70, s28;
	s29 =	sor.u32 s19, s6;
	s11 =	sor.u32 s20, s22  }
0xdb: {  	[tilespmem:s29+$0x7980] =	vst v1;
	s31 =	sor.u32 s30, s11  }
0xdc: {  	[tilespmem:s31+$0x8D80] =	vst v1  }
.LBB2_4:
0xdd: {  	s19 =	sshra.s32 s18, $0x2  }
0xde: {  	v3 =	vld.msk [tilespmem:s19+$0x80], $0xff  }
0xdf: {  	v2 =	vld.msk [tilespmem:s19+$0x0], $0xff;
	_ =	sdelay $0x3  }
0xe0: {  	(v2sf) =	vpush v3, $0x0  }
0xe1: {  	(v2sf) =	vpush v2, $0x0  }
0xe2: {  	(v2sf) =	vpush v3, $0x1;
	_ =	sdelay $0x1  }
0xe3: {  	(v2sf) =	vpush v2, $0x1;
	_ =	sdelay $0x1  }
0xe4: {  	(v2sf) =	vpush v3, $0x2  }
0xe5: {  	(v2sf) =	vpush v2, $0x2;
	_ =	sdelay $0x1  }
0xe6: {  	(v2sf) =	vpush v3, $0x3  }
0xe7: {  	(v2sf) =	vpush v2, $0x3  }
0xe8: {  	(v2sf) =	vpush v3, $0x4  }
0xe9: {  	(v2sf) =	vpush v2, $0x4  }
0xea: {  	(v2sf) =	vpush v3, $0x5  }
0xeb: {  	(v2sf) =	vpush v2, $0x5  }
0xec: {  	s29 =	spop (v2sf)  }
0xed: {  	s30 =	simm.s32 $0x1;
	s20 =	spop (v2sf)  }
0xee: {  	s0 =	sshra.s32 s29, $0x1F;
	p1 =	slt.s32 s29, $0x1;
	s22 =	spop (v2sf)  }
0xef: {  	s0 =	sshrl.u32 s0, $0x1C;
	s4 =	sshrl.u32 s20, $0x3;
	s20 =	sshll.u32 s20, $0x7  }
0xf0: {  	s24 =	spop (v2sf);
	s28 =	sadd.s32 s0, s29;
	s12 =	sshra.s32 s22, $0x1F  }
0xf1: {  	s4 =	smul.u32 $0x5000, s4;
	p5 =	slt.s32 s22, $0x1;
	s20 =	sand.u32 $0x380, s20  }
0xf2: {  	(v2sf) =	vpush v3, $0x6;
	s21 =	spop (v2sf);
	s1 =	sand.u32 $0xFFFFFFF0, s28;
	s31 =	sshra.s32 s28, $0x4  }
0xf3: {  	s12 =	sshrl.u32 s12, $0x1C;
	s11 =	spop (v2sf);
	p2 =	sne.s32 s29, s1  }
0xf4: {  	s12 =	sadd.s32 s12, s22;
	s4 =	sshra.s32 s4, $0x2;
	p3 =	slt.s32 s21, $0x1  }
0xf5: {  	s23 =	spop (v2sf);
	p1 =	por !p1, !p2;
	s5 =	sand.u32 $0xFFFFFFF0, s12  }
0xf6: {  	s12 =	sshra.s32 s12, $0x4;
	s0 =	spop (v2sf);
	p1 =	por !p1, !p1  }
0xf7: {  	p6 =	sne.s32 s22, s5;
	s26 =	spop (v2sf);
	s30 =	simm.s32 @!p1 $0x0  }
0xf8: {  	p1 =	por !p5, !p6;
	p5 =	slt.s32 s23, $0x1;
	s1 =	spop (v2sf)  }
0xf9: {  	s30 =	ssub.s32 s31, s30;
	p1 =	por !p1, !p1;
	s25 =	spop (v2sf)  }
0xfa: {  	s31 =	sshll.u32 s30, $0x4;
	s30 =	sshll.u32 s30, $0x7;
	s28 =	spop (v2sf)  }
0xfb: {  	s7 =	sand.u32 $0xFFFFFC00, s30;
	s30 =	simm.s32 $0x1;
	s6 =	sand.u32 $0x70, s31  }
0xfc: {  	s31 =	sshra.s32 s21, $0x1F;
	s4 =	sadd.s32 s7, s4;
	s30 =	simm.s32 @!p1 $0x0  }
0xfd: {  	s4 =	sor.u32 s4, s20;
	s5 =	ssub.s32 s12, s30;
	s12 =	sshrl.u32 s31, $0x1C  }
0xfe: {  	s20 =	sor.u32 s6, s4;
	s7 =	sshll.u32 s5, $0x4;
	s6 =	sshrl.u32 s24, $0x3  }
0xff: {  	s5 =	sshll.u32 s5, $0x7;
	s12 =	sadd.s32 s12, s21;
	s24 =	sshll.u32 s24, $0x7  }
0x100: {  	s4 =	sand.u32 $0x70, s7;
	s30 =	smul.u32 $0x5000, s6;
	s6 =	sand.u32 $0xFFFFFFF0, s12  }
0x101: {  	s5 =	sand.u32 $0xFFFFFC00, s5;
	s31 =	spop (v2sf);
	(v2sf) =	vpush v2, $0x6;
	p4 =	sne.s32 s21, s6  }
0x102: {  	s6 =	sand.u32 $0x380, s24;
	s7 =	sshra.s32 s30, $0x2;
	p1 =	por !p3, !p4  }
0x103: {  	s30 =	simm.s32 $0x1;
	s5 =	sadd.s32 s5, s7;
	p1 =	por !p1, !p1  }
0x104: {  	s12 =	sshra.s32 s12, $0x4;
	s5 =	sor.u32 s6, s5;
	s30 =	simm.s32 @!p1 $0x0  }
0x105: {  	p3 =	slt.s32 s26, $0x1;
	s24 =	sor.u32 s4, s5;
	s7 =	ssub.s32 s12, s30  }
0x106: {  	s12 =	sshra.s32 s23, $0x1F;
	s30 =	sshrl.u32 s11, $0x3;
	s11 =	sshll.u32 s11, $0x7  }
0x107: {  	s6 =	sshll.u32 s7, $0x4;
	s5 =	sshrl.u32 s12, $0x1C;
	s4 =	sshll.u32 s7, $0x7  }
0x108: {  	s12 =	smul.u32 $0x5000, s30;
	s11 =	sand.u32 $0x380, s11;
	s5 =	sadd.s32 s5, s23  }
0x109: {  	s6 =	sand.u32 $0x70, s6;
	s4 =	sand.u32 $0xFFFFFC00, s4;
	s7 =	sand.u32 $0xFFFFFFF0, s5  }
0x10a: {  	s12 =	sshra.s32 s12, $0x2;
	s5 =	sshra.s32 s5, $0x4;
	p6 =	sne.s32 s23, s7  }
0x10b: {  	s4 =	sadd.s32 s4, s12;
	s12 =	simm.s32 $0x1;
	p1 =	por !p5, !p6  }
0x10c: {  	s7 =	sshra.s32 s26, $0x1F;
	s23 =	sand.u32 $0xF, s23;
	p1 =	por !p1, !p1  }
0x10d: {  	s4 =	sor.u32 s11, s4;
	p6 =	slt.s32 s25, $0x1;
	s12 =	simm.s32 @!p1 $0x0  }
0x10e: {  	s30 =	sor.u32 s6, s4;
	s11 =	ssub.s32 s5, s12;
	s12 =	sshrl.u32 s0, $0x3  }
0x10f: {  	s0 =	sshll.u32 s0, $0x7;
	s6 =	sshll.u32 s11, $0x4;
	s5 =	smul.u32 $0x5000, s12  }
0x110: {  	s4 =	sshll.u32 s11, $0x7;
	s12 =	sshrl.u32 s7, $0x1C;
	s11 =	spop (v2sf);
	(v2sf) =	vpush v3, $0x7  }
0x111: {  	s0 =	sand.u32 $0x380, s0;
	s4 =	sand.u32 $0xFFFFFC00, s4;
	s5 =	sshra.s32 s5, $0x2  }
0x112: {  	s6 =	sand.u32 $0x70, s6;
	s4 =	sadd.s32 s4, s5;
	s5 =	sadd.s32 s12, s26  }
0x113: {  	s12 =	sshra.s32 s25, $0x1F;
	s0 =	sor.u32 s0, s4;
	s7 =	sand.u32 $0xFFFFFFF0, s5  }
0x114: {  	s4 =	sshrl.u32 s12, $0x1C;
	s5 =	sshra.s32 s5, $0x4;
	p4 =	sne.s32 s26, s7  }
0x115: {  	s0 =	sor.u32 s6, s0;
	s6 =	simm.s32 $0x1;
	s4 =	sadd.s32 s4, s25  }
0x116: {  	s7 =	sshrl.u32 s1, $0x3;
	s1 =	sshll.u32 s1, $0x7;
	p1 =	por !p3, !p4  }
0x117: {  	s26 =	sand.u32 $0xF, s26;
	s12 =	sand.u32 $0xFFFFFFF0, s4;
	p1 =	por !p1, !p1  }
0x118: {  	s1 =	sand.u32 $0x380, s1;
	s4 =	sshra.s32 s4, $0x4;
	s6 =	simm.s32 @!p1 $0x0  }
0x119: {  	p3 =	slt.s32 s31, $0x1;
	s5 =	ssub.s32 s5, s6;
	s6 =	smul.u32 $0x5000, s7  }
0x11a: {  	p5 =	sne.s32 s25, s12;
	s12 =	sshll.u32 s5, $0x4;
	s5 =	sshll.u32 s5, $0x7  }
0x11b: {  	v7 =	vmov s26;
	s26 =	sshrl.u32 s11, $0x3;
	s5 =	sand.u32 $0xFFFFFC00, s5;
	s6 =	sshra.s32 s6, $0x2  }
0x11c: {  	s11 =	sshll.u32 s11, $0x7;
	p1 =	por !p6, !p5;
	s5 =	sadd.s32 s5, s6  }
0x11d: {  	p1 =	por !p1, !p1;
	s1 =	sor.u32 s1, s5;
	s5 =	simm.s32 $0x1  }
0x11e: {  	s7 =	sand.u32 $0xF, s29;
	s29 =	sshrl.u32 s28, $0x3;
	s5 =	simm.s32 @!p1 $0x0  }
0x11f: {  	s4 =	ssub.s32 s4, s5;
	s5 =	smul.u32 $0x5000, s29;
	s29 =	spop (v2sf);
	(v2sf) =	vpush v2, $0x7  }
0x120: {  	s25 =	sand.u32 $0xF, s25;
	s12 =	sand.u32 $0x70, s12;
	s6 =	sand.u32 $0xF, s22  }
0x121: {  	s22 =	sand.u32 $0xF, s21;
	s1 =	sor.u32 s12, s1;
	s12 =	sshll.u32 s4, $0x7  }
0x122: {  	s21 =	sshra.s32 s31, $0x1F;
	s12 =	sand.u32 $0xFFFFFC00, s12;
	s5 =	sshra.s32 s5, $0x2  }
0x123: {  	v6 =	vmov s23;
	s23 =	sand.u32 $0x380, s11;
	s5 =	sadd.s32 s12, s5;
	s12 =	sshrl.u32 s21, $0x1C  }
0x124: {  	s28 =	sshll.u32 s28, $0x7;
	v5 =	vmov s22;
	s22 =	simm.s32 $0x1;
	v2 =	vld.msk [tilespmem:s19+$0x100], $0xff;
	s12 =	sadd.s32 s12, s31  }
0x125: {  	s4 =	sshll.u32 s4, $0x4;
	s21 =	sand.u32 $0x380, s28;
	s28 =	sand.u32 $0xFFFFFFF0, s12  }
0x126: {  	s4 =	sand.u32 $0x70, s4;
	s5 =	sor.u32 s21, s5;
	p4 =	sne.s32 s31, s28  }
0x127: {  	s21 =	sor.u32 s4, s5;
	s28 =	sshra.s32 s29, $0x1F;
	p1 =	por !p3, !p4  }
0x128: {  	v3 =	vmov s7;
	s5 =	simm.s32 $0x1;
	s4 =	sshrl.u32 s28, $0x1C;
	p1 =	por !p1, !p1  }
0x129: {  	vm0 =	veq.s32 v3, v0;
	s12 =	sshra.s32 s12, $0x4;
	v3 =	vbroadcast v2, $0x0;
	s4 =	sadd.s32 s4, s29;
	s5 =	simm.s32 @!p1 $0x0  }
0x12a: {  	v4 =	vmov s6;
	v9 =	vbroadcast v2, $0x1;
	s5 =	ssub.s32 s12, s5;
	s12 =	sand.u32 $0xF, s31;
	s31 =	sand.u32 $0xFFFFFFF0, s4  }
0x12b: {  	vm1 =	veq.s32 v4, v0;
	p6 =	slt.s32 s29, $0x1;
	v10 =	vbroadcast v2, $0x2;
	v3 =	vnsel vm0, $0x0, v3;
	s4 =	sshra.s32 s4, $0x4;
	p5 =	sne.s32 s29, s31  }
0x12c: {  	vm10 =	veq.s32 v5, v0;
	[tilespmem:s20+$0x180] =	vst v3;
	v3 =	vnsel vm1, $0x0, v9;
	s7 =	sshll.u32 s5, $0x7;
	s31 =	sand.u32 $0xF, s29;
	s5 =	sshll.u32 s5, $0x4  }
0x12d: {  	v58 =	vnsel vm10, $0x0, v10;
	[tilespmem:s24+$0x1580] =	vst v3;
	s6 =	sand.u32 $0xFFFFFC00, s7;
	p1 =	por !p6, !p5;
	s7 =	smul.u32 $0x5000, s26  }
0x12e: {  	v11 =	vmov s12;
	[tilespmem:s30+$0x2980] =	vst v58;
	s30 =	sand.u32 $0x70, s5;
	p1 =	por !p1, !p1;
	s12 =	spop (v2sf)  }
0x12f: {  	vm11 =	veq.s32 v6, v0;
	v59 =	vbroadcast v2, $0x3;
	s22 =	simm.s32 @!p1 $0x0;
	s7 =	sshra.s32 s7, $0x2;
	s28 =	sshrl.u32 s12, $0x3  }
0x130: {  	vm12 =	veq.s32 v7, v0;
	v8 =	vmov s25;
	v3 =	vbroadcast v2, $0x4;
	s4 =	ssub.s32 s4, s22;
	s6 =	sadd.s32 s6, s7;
	s22 =	smul.u32 $0x5000, s28  }
0x131: {  	vm13 =	veq.s32 v8, v0;
	v62 =	vbroadcast v2, $0x5;
	v61 =	vnsel vm11, $0x0, v59;
	s24 =	sshll.u32 s4, $0x7;
	s6 =	sor.u32 s23, s6;
	s4 =	sshll.u32 s4, $0x4  }
0x132: {  	v63 =	vbroadcast v2, $0x6;
	v2 =	vbroadcast v2, $0x7;
	[tilespmem:s0+$0x3D80] =	vst v61;
	v3 =	vnsel vm12, $0x0, v3;
	s25 =	sand.u32 $0xFFFFFC00, s24;
	s29 =	sshll.u32 s12, $0x7;
	s26 =	sshra.s32 s22, $0x2  }
.Ltmp5:
0x133: {  	v60 =	vmov s31;
	vm14 =	veq.s32 v11, v0;
	[tilespmem:s1+$0x5180] =	vst v3;
	v3 =	vnsel vm13, $0x0, v62;
	s31 =	sand.u32 $0x380, s29;
	s28 =	sadd.s32 s25, s26;
	(pc) =	sbr.rel @p0 .LBB2_6-.Ltmp5, $4  }
0x134: {  	vm15 =	veq.s32 v60, v0;
	[tilespmem:s21+$0x6580] =	vst v3;
	v3 =	vnsel vm14, $0x0, v63;
	s1 =	sor.u32 s30, s6;
	s4 =	sand.u32 $0x70, s4;
	s0 =	sor.u32 s31, s28  }
0x135: {  	v2 =	vnsel vm15, $0x0, v2;
	[tilespmem:s1+$0x7980] =	vst v3;
	s0 =	sor.u32 s4, s0  }
0x136: {  	[tilespmem:s0+$0x8D80] =	vst v2  }
0x137: {  	[hbm4b:s17+s2] =	stream.linear.scatter [tilespmem:s9], [sflag:$0x1], $0xA000, $0x38;
	[tilespmem:$0x14180] =	vst v63  }
0x138: {  	_ =	swait.ge [sflag:s15], $0xA000  }
0x139: {  	[sflag:s15] =	ssyncset.done $0x0  }
0x13a: {  	[sflag:s15] =	ssyncadd.s32 $0xFFFF6000  }
0x13b: {  	v3 =	vld.msk [tilespmem:s19+$0x78], $0xff  }
0x13c: {  	v2 =	vld.msk [tilespmem:s19+$0xFFFFFFF8], $0xff;
	_ =	sdelay $0x3  }
0x13d: {  	(v2sf) =	vpush v3, $0x0  }
0x13e: {  	(v2sf) =	vpush v2, $0x0  }
0x13f: {  	(v2sf) =	vpush v3, $0x1;
	_ =	sdelay $0x1  }
0x140: {  	(v2sf) =	vpush v2, $0x1;
	_ =	sdelay $0x2  }
0x141: {  	(v2sf) =	vpush v3, $0x2;
	_ =	sdelay $0x1  }
0x142: {  	(v2sf) =	vpush v2, $0x2;
	_ =	sdelay $0x2  }
0x143: {  	(v2sf) =	vpush v3, $0x3  }
0x144: {  	(v2sf) =	vpush v2, $0x3  }
0x145: {  	(v2sf) =	vpush v3, $0x4  }
0x146: {  	s0 =	spop (v2sf)  }
0x147: {  	s4 =	spop (v2sf);
	s1 =	sshra.s32 s0, $0x1F;
	s6 =	sand.u32 $0xF, s0  }
0x148: {  	(v2sf) =	vpush v2, $0x4;
	p0 =	slt.s32 s0, $0x1;
	s5 =	spop (v2sf);
	p1 =	sne.s32 s6, $0x0  }
0x149: {  	(v2sf) =	vpush v3, $0x5;
	s1 =	sshrl.u32 s1, $0x1C;
	s28 =	sshrl.u32 s4, $0x3;
	s4 =	sshll.u32 s4, $0x7  }
0x14a: {  	s7 =	spop (v2sf);
	p0 =	por !p0, !p1;
	s0 =	sadd.s32 s1, s0  }
0x14b: {  	s1 =	simm.s32 $0x1;
	s20 =	smul.u32 $0x5000, s28;
	s4 =	sand.u32 $0x380, s4  }
0x14c: {  	s29 =	sand.u32 $0xF, s5;
	s21 =	sshra.s32 s5, $0x1F;
	p5 =	slt.s32 s5, $0x1  }
0x14d: {  	s6 =	spop (v2sf);
	p0 =	por !p0, !p0;
	s0 =	sshra.s32 s0, $0x4  }
0x14e: {  	p6 =	sne.s32 s29, $0x0;
	s30 =	sshrl.u32 s21, $0x1C;
	s31 =	sshrl.u32 s7, $0x3  }
0x14f: {  	s7 =	sshll.u32 s7, $0x7;
	s23 =	spop (v2sf);
	s1 =	simm.s32 @!p0 $0x0  }
0x150: {  	s20 =	sshra.s32 s20, $0x2;
	p0 =	por !p5, !p6;
	s26 =	smul.u32 $0x5000, s31  }
0x151: {  	s29 =	sand.u32 $0xF, s6;
	p2 =	slt.s32 s6, $0x1;
	s0 =	ssub.s32 s0, s1  }
0x152: {  	s11 =	spop (v2sf);
	s12 =	sshll.u32 s0, $0x4;
	s0 =	sshll.u32 s0, $0x7  }
0x153: {  	s7 =	sand.u32 $0x380, s7;
	s24 =	spop (v2sf);
	s0 =	sand.u32 $0xFFFFFC00, s0  }
0x154: {  	(v2sf) =	vpush v2, $0x5;
	p0 =	por !p0, !p0;
	s22 =	spop (v2sf);
	s0 =	sadd.s32 s0, s20  }
0x155: {  	s0 =	sor.u32 s4, s0;
	s4 =	sadd.s32 s30, s5;
	s5 =	simm.s32 $0x1  }
0x156: {  	s12 =	sand.u32 $0x70, s12;
	s4 =	sshra.s32 s4, $0x4;
	s5 =	simm.s32 @!p0 $0x0  }
0x157: {  	s1 =	spop (v2sf);
	s20 =	sor.u32 s12, s0;
	s25 =	ssub.s32 s4, s5  }
0x158: {  	s5 =	sshll.u32 s25, $0x4;
	s0 =	sshll.u32 s25, $0x7;
	s25 =	spop (v2sf);
	(v2sf) =	vpush v3, $0x6  }
0x159: {  	p1 =	sne.s32 s29, $0x0;
	s31 =	sshrl.u32 s23, $0x3;
	s29 =	sand.u32 $0xF, s11  }
0x15a: {  	p4 =	slt.s32 s11, $0x1;
	p3 =	sne.s32 s29, $0x0;
	s30 =	sshra.s32 s6, $0x1F  }
0x15b: {  	s29 =	sshll.u32 s24, $0x7;
	p6 =	slt.s32 s22, $0x1;
	s12 =	sshrl.u32 s30, $0x1C  }
0x15c: {  	p0 =	por !p2, !p1;
	s30 =	sshra.s32 s11, $0x1F;
	s4 =	sshra.s32 s26, $0x2  }
0x15d: {  	s6 =	sadd.s32 s12, s6;
	p0 =	por !p0, !p0;
	s12 =	simm.s32 $0x1  }
0x15e: {  	s26 =	smul.u32 $0x5000, s31;
	s31 =	sshrl.u32 s30, $0x1C;
	s30 =	sand.u32 $0xF, s22  }
0x15f: {  	s6 =	sshra.s32 s6, $0x4;
	s12 =	simm.s32 @!p0 $0x0;
	p0 =	por !p4, !p3  }
0x160: {  	p5 =	sne.s32 s30, $0x0;
	s28 =	sand.u32 $0xFFFFFC00, s0;
	s5 =	sand.u32 $0x70, s5  }
0x161: {  	s6 =	ssub.s32 s6, s12;
	p0 =	por !p0, !p0;
	s4 =	sadd.s32 s28, s4  }
0x162: {  	s12 =	sshll.u32 s6, $0x7;
	s6 =	sshll.u32 s6, $0x4;
	s28 =	sshll.u32 s23, $0x7  }
0x163: {  	s0 =	spop (v2sf);
	s4 =	sor.u32 s7, s4;
	s7 =	sand.u32 $0x380, s28  }
0x164: {  	s6 =	sand.u32 $0x70, s6;
	s30 =	sand.u32 $0xF, s25;
	p2 =	slt.s32 s25, $0x1  }
0x165: {  	s21 =	sor.u32 s5, s4;
	s4 =	sand.u32 $0xFFFFFC00, s12;
	s5 =	sshra.s32 s26, $0x2  }
0x166: {  	(v2sf) =	vpush v2, $0x6;
	s12 =	sshrl.u32 s24, $0x3;
	p1 =	sne.s32 s30, $0x0;
	s4 =	sadd.s32 s4, s5  }
0x167: {  	s5 =	sadd.s32 s31, s11;
	s11 =	simm.s32 $0x1;
	s26 =	spop (v2sf);
	(v2sf) =	vpush v3, $0x7  }
0x168: {  	s31 =	sshra.s32 s22, $0x1F;
	s4 =	sor.u32 s7, s4;
	s5 =	sshra.s32 s5, $0x4  }
0x169: {  	s11 =	simm.s32 @!p0 $0x0;
	s7 =	smul.u32 $0x5000, s12;
	s12 =	sshrl.u32 s31, $0x1C  }
0x16a: {  	p0 =	por !p6, !p5;
	s31 =	sshra.s32 s25, $0x1F;
	s5 =	ssub.s32 s5, s11  }
0x16b: {  	s11 =	sor.u32 s6, s4;
	s28 =	sshll.u32 s5, $0x4;
	s5 =	sshll.u32 s5, $0x7  }
0x16c: {  	s6 =	sand.u32 $0x380, s29;
	s7 =	sshra.s32 s7, $0x2;
	s5 =	sand.u32 $0xFFFFFC00, s5  }
0x16d: {  	p0 =	por !p0, !p0;
	s4 =	sand.u32 $0x70, s28;
	s5 =	sadd.s32 s5, s7  }
0x16e: {  	s7 =	simm.s32 $0x1;
	s5 =	sor.u32 s6, s5;
	s6 =	sadd.s32 s12, s22  }
0x16f: {  	s7 =	simm.s32 @!p0 $0x0;
	s22 =	sshrl.u32 s1, $0x3;
	s12 =	sshrl.u32 s31, $0x1C  }
0x170: {  	p0 =	por !p2, !p1;
	s1 =	sshll.u32 s1, $0x7;
	s6 =	sshra.s32 s6, $0x4  }
0x171: {  	s24 =	smul.u32 $0x5000, s22;
	s22 =	sor.u32 s4, s5;
	p0 =	por !p0, !p0  }
0x172: {  	s1 =	sand.u32 $0x380, s1;
	s6 =	ssub.s32 s6, s7;
	s7 =	simm.s32 $0x1  }
0x173: {  	s4 =	sshll.u32 s6, $0x4;
	s28 =	sshll.u32 s6, $0x7;
	s29 =	sshra.s32 s24, $0x2  }
0x174: {  	s6 =	sadd.s32 s12, s25;
	s7 =	simm.s32 @!p0 $0x0;
	s24 =	sshrl.u32 s0, $0x3  }
0x175: {  	s0 =	sshll.u32 s0, $0x7;
	s5 =	sand.u32 $0xFFFFFC00, s28;
	s23 =	spop (v2sf)  }
0x176: {  	s6 =	sshra.s32 s6, $0x4;
	s4 =	sand.u32 $0x70, s4;
	s12 =	spop (v2sf);
	(v2sf) =	vpush v2, $0x7  }
0x177: {  	s0 =	sand.u32 $0x380, s0;
	s5 =	sadd.s32 s5, s29;
	s6 =	ssub.s32 s6, s7  }
0x178: {  	s7 =	smul.u32 $0x5000, s24;
	s24 =	simm.s32 $0x1;
	s25 =	sshll.u32 s6, $0x4  }
0x179: {  	s1 =	sor.u32 s1, s5;
	s6 =	sshll.u32 s6, $0x7;
	s5 =	sand.u32 $0x70, s25  }
0x17a: {  	s6 =	sand.u32 $0xFFFFFC00, s6;
	s7 =	sshra.s32 s7, $0x2;
	s28 =	sand.u32 $0xF, s26  }
0x17b: {  	s29 =	sshra.s32 s26, $0x1F;
	p4 =	slt.s32 s26, $0x1;
	s6 =	sadd.s32 s6, s7  }
0x17c: {  	p3 =	sne.s32 s28, $0x0;
	s7 =	sshrl.u32 s29, $0x1C;
	s31 =	sshrl.u32 s23, $0x3  }
0x17d: {  	p0 =	por !p4, !p3;
	s7 =	sadd.s32 s7, s26;
	s0 =	sor.u32 s0, s6  }
0x17e: {  	p0 =	por !p0, !p0;
	s0 =	sor.u32 s5, s0;
	s5 =	smul.u32 $0x5000, s31  }
0x17f: {  	s1 =	sor.u32 s4, s1;
	s30 =	sshra.s32 s7, $0x4;
	s24 =	simm.s32 @!p0 $0x0  }
0x180: {  	s4 =	ssub.s32 s30, s24;
	s30 =	sshll.u32 s23, $0x7;
	s5 =	sshra.s32 s5, $0x2  }
0x181: {  	[tilespmem:s20+$0xA180] =	vst v1;
	s6 =	sshll.u32 s4, $0x7;
	s20 =	sand.u32 $0x380, s30;
	s24 =	sand.u32 $0xF, s12  }
0x182: {  	s25 =	sshra.s32 s12, $0x1F;
	p5 =	slt.s32 s12, $0x1;
	p6 =	sne.s32 s24, $0x0  }
0x183: {  	s4 =	sshll.u32 s4, $0x4;
	s26 =	sshrl.u32 s25, $0x1C;
	p0 =	por !p5, !p6  }
0x184: {  	s7 =	sadd.s32 s26, s12;
	s12 =	simm.s32 $0x1;
	p0 =	por !p0, !p0  }
0x185: {  	s7 =	sshra.s32 s7, $0x4;
	s12 =	simm.s32 @!p0 $0x0;
	s28 =	spop (v2sf)  }
0x186: {  	s6 =	sand.u32 $0xFFFFFC00, s6;
	s7 =	ssub.s32 s7, s12;
	s29 =	sshrl.u32 s28, $0x3  }
0x187: {  	[tilespmem:s21+$0xB580] =	vst v1;
	s5 =	sadd.s32 s6, s5;
	s31 =	sshll.u32 s7, $0x7;
	s12 =	smul.u32 $0x5000, s29  }
0x188: {  	[tilespmem:s11+$0xC980] =	vst v1;
	s5 =	sor.u32 s20, s5;
	s24 =	sand.u32 $0x70, s4;
	s6 =	sand.u32 $0xFFFFFC00, s31  }
.Ltmp6:
0x189: {  	[tilespmem:s22+$0xDD80] =	vst v1;
	s23 =	sshll.u32 s28, $0x7;
	s21 =	sshra.s32 s12, $0x2;
	(pc) =	sbr.rel .LBB2_6-.Ltmp6, $4  }
0x18a: {  	[tilespmem:s1+$0xF180] =	vst v1;
	s25 =	sshll.u32 s7, $0x4;
	s26 =	sand.u32 $0x380, s23;
	s6 =	sadd.s32 s6, s21  }
0x18b: {  	[tilespmem:s0+$0x10580] =	vst v1;
	s28 =	sor.u32 s24, s5;
	s29 =	sand.u32 $0x70, s25;
	s30 =	sor.u32 s26, s6  }
0x18c: {  	[tilespmem:s28+$0x11980] =	vst v1;
	s31 =	sor.u32 s29, s30  }
0x18d: {  	[tilespmem:s31+$0x12D80] =	vst v1  }
.LBB2_8:
0x18e: {  	_ =	sfence.sel $0x180000  }
0x18f: {  	[bflag:$0x0] =	sbarrier.arrive $0xFFFF  }
0x190: {  	_ =	strace $0x90000047  }
0x191: {  	s0 =	stileid.u32;
	[bflag:$0x2] =	sbarrier.arrive $0xFFFF  }
0x192: {  	p0 =	sne.s32 s0, $0x0;
	s0 =	rddreg [dreg:$0x2]  }
0x193: {  	s0 =	sadd.s32 @!p0 $0x100000, s0  }
0x194: {  	[sflag:s0] =	ssyncadd.tile.s32 @!p0 $0x1;
	_ =	shalt  }
.Lfunc_end2:
_tile_overlayer_lowered:
.L_overlay_start_2:
0x195: {  	(tag) =	ssettag $0x2  }
0x196: {  	s0 =	rddreg [dreg:$0x0];
	s2 =	stileid.u32  }
0x197: {  	s1 =	rddreg [dreg:$0x1];
	p0 =	sne.s32 s2, $0x0  }
0x198: {  	s3 =	rddreg [dreg:$0x2];
	[bflag:$0x3] =	sbarrier.arrive $0xFFFF;
	s2 =	simm.s32 @!p0 $0x1C04  }
0x199: {  	[timem:s3], [sflag:s2] =	dma.local @!p0 [hbm:s0], s1  }
0x19a: {  	s0 =	simm.s32 @!p0 $0x4  }
0x19b: {  	_ =	swait.ge @!p0 [sflag:s0], s1  }
0x19c: {  	s1 =	ssub.s32 @!p0 $0x0, s1;
	[sflag:s0] =	ssyncset.done @!p0 $0x0  }
0x19d: {  	[sflag:s0] =	ssyncadd.s32 @!p0 s1  }
0x19e: {  	[bflag:$0x3] =	sbarrier.arrive $0xFFFF  }
0x19f: {  	_ =	shalt  }

</sc_bundles>
